<compile_context>
chip_gen: v7x
topology: tpu7x:2x2x1
jax: 0.10.2.dev20260603
libtpu: 0.0.44.dev20260713+nightly
codegen_flags: <defaults>
</compile_context>

<pallas_src>
import functools

import jax
import jax.numpy as jnp
from jax import lax
from jax.experimental import pallas as pl
from jax.experimental.pallas import tpu as pltpu
from jax.experimental.pallas import tpu_sc as plsc

NODES = 120
E = 50000
NP = 128
H = 128
NC = 2
NS = 16
L = 16
EPT = 3136
EPAD = EPT * NS
GBLK = 4
NBLK = EPT // (L * GBLK)
ACC_R = 256
PADV = 120

f32 = jnp.float32
i32 = jnp.int32



ACC_W = ACC_R * H
SCALW = 8 * H * L
CNT_BASE = NP * H


def _sc_edge_body(nch, edim, write_e,
                  src_hbm, dst_hbm, ea_hbm, tab_hbm, scal_hbm, zeros_hbm,
                  *refs):
    if write_e:
        (s_out, e_out, src_v, dst_v, ea0_v, ea1_v, a_v, b_v, q_v, scal_v,
         acc_v, e0_v, e1_v) = refs
    else:
        (s_out, src_v, dst_v, ea0_v, ea1_v, a_v, b_v, q_v, scal_v,
         acc_v) = refs
    ea_vs = [ea0_v, ea1_v]

    c = lax.axis_index("c")
    s = lax.axis_index("s")
    off = s * EPT

    pltpu.sync_copy(src_hbm.at[pl.ds(off, EPT)], src_v)
    pltpu.sync_copy(dst_hbm.at[pl.ds(off, EPT)], dst_v)
    if nch == 1:
        pltpu.sync_copy(ea_hbm.at[pl.ds(off, EPT)], ea0_v)
    else:
        pltpu.sync_copy(ea_hbm.at[pl.ds((c * 2) * EPAD + off, EPT)], ea0_v)
        pltpu.sync_copy(ea_hbm.at[pl.ds((c * 2 + 1) * EPAD + off, EPT)],
                        ea1_v)
    tw = NP * H
    pltpu.sync_copy(tab_hbm.at[pl.ds((c * 3 + 0) * tw, tw)], a_v)
    pltpu.sync_copy(tab_hbm.at[pl.ds((c * 3 + 1) * tw, tw)], b_v)
    pltpu.sync_copy(tab_hbm.at[pl.ds((c * 3 + 2) * tw, tw)], q_v)
    pltpu.sync_copy(scal_hbm.at[pl.ds(c * SCALW, SCALW)], scal_v)
    pltpu.sync_copy(zeros_hbm, acc_v)

    ones_f = jnp.ones((L,), f32)
    NFC = H // L

    def block(b, _):
        ebase = b * (L * GBLK)
        srcs, dsts, cidx, eas = [], [], [], []
        for j in range(GBLK):
            sl = pl.ds(ebase + j * L, L)
            srcs.append(src_v[sl])
            dj = dst_v[sl]
            dsts.append(dj)
            cidx.append(dj * NP + CNT_BASE)
            eas.append([ea_vs[ch][sl] for ch in range(nch)])

        init = tuple(scal_v[pl.ds((6 * H + k) * L, L)]
                     for j in range(GBLK) for k in range(edim))

        def p1(f, carry):
            es = list(carry)
            fs = jnp.full((L,), f * NP, i32)
            fw = f * L
            wea = [scal_v[pl.ds(ch * H * L + fw, L)] for ch in range(nch)]
            we2 = [scal_v[pl.ds((2 + k) * H * L + fw, L)]
                   for k in range(edim)]
            for j in range(GBLK):
                a = plsc.load_gather(a_v, [srcs[j] + fs])
                bb = plsc.load_gather(b_v, [dsts[j] + fs])
                g = a + bb
                for ch in range(nch):
                    g = g + eas[j][ch] * wea[ch]
                t = jnp.maximum(g, 0.0)
                for k in range(edim):
                    es[j * edim + k] = es[j * edim + k] + t * we2[k]
            return tuple(es)

        efin = plsc.parallel_loop(0, H, 1, unroll=2, carry=init)(p1)

        if write_e:
            for j in range(GBLK):
                sl = pl.ds(ebase + j * L, L)
                e0_v[sl] = efin[j * edim + 0]
                e1_v[sl] = efin[j * edim + 1]

        def p2(f):
            fs = jnp.full((L,), f * NP, i32)
            fw = f * L
            wb = [scal_v[pl.ds((4 + k) * H * L + fw, L)]
                  for k in range(edim)]
            for j in range(GBLK):
                iq = dsts[j] + fs
                q = plsc.load_gather(q_v, [iq])
                h = q
                for k in range(edim):
                    h = h + efin[j * edim + k] * wb[k]
                sres = jnp.maximum(h, 0.0)
                plsc.addupdate_scatter(acc_v, [iq], sres)

        plsc.parallel_loop(0, H, 1, unroll=2)(p2)

        for j in range(GBLK):
            plsc.addupdate_scatter(acc_v, [cidx[j]], ones_f)
        return 0

    lax.fori_loop(0, NBLK, block, 0)

    pltpu.sync_copy(acc_v, s_out.at[pl.ds((c * NS + s) * ACC_W, ACC_W)])

    if write_e:
        pltpu.sync_copy(e0_v, e_out.at[pl.ds((c * 2) * EPAD + off, EPT)])
        pltpu.sync_copy(e1_v, e_out.at[pl.ds((c * 2 + 1) * EPAD + off, EPT)])


def _make_sc_kernel(nch, edim, write_e):
    mesh = plsc.VectorSubcoreMesh(core_axis_name="c", subcore_axis_name="s")
    out_type = [jax.ShapeDtypeStruct((2 * NS * ACC_W,), f32)]
    if write_e:
        out_type.append(jax.ShapeDtypeStruct((4 * EPAD,), f32))
    scratch = [
        pltpu.VMEM((EPT,), i32),
        pltpu.VMEM((EPT,), i32),
        pltpu.VMEM((EPT,), f32),
        pltpu.VMEM((EPT,), f32),
        pltpu.VMEM((NP * H,), f32),
        pltpu.VMEM((NP * H,), f32),
        pltpu.VMEM((NP * H,), f32),
        pltpu.VMEM((SCALW,), f32),
        pltpu.VMEM((ACC_W,), f32),
    ]
    if write_e:
        scratch.append(pltpu.VMEM((EPT,), f32))
        scratch.append(pltpu.VMEM((EPT,), f32))
    body = functools.partial(_sc_edge_body, nch, edim, write_e)
    return pl.kernel(
        body, out_type=out_type, mesh=mesh,
        compiler_params=pltpu.CompilerParams(needs_layout_passes=False),
        scratch_types=scratch)


_sc_layer1 = _make_sc_kernel(nch=1, edim=2, write_e=True)
_sc_layer2 = _make_sc_kernel(nch=2, edim=1, write_e=False)



def _tdot(w, xp):
    return lax.dot_general(w, xp, (((0,), (1,)), ((), ())))


def _col(v):
    return lax.dot_general(v, jnp.ones((1, 1), f32), (((0,), (0,)), ((), ())))


def _tc1_body(x0_r, u0_r, w1_r, b1_r, w2t_r, b2_r, wm1_r, bm1_r,
              tab_r, scal_r):
    x0 = x0_r[...]
    u0 = u0_r[...]
    z128 = jnp.zeros((H,), f32)
    for c in range(2):
        W1 = w1_r[c]
        Wm1 = wm1_r[c]
        tab_r[c, 0] = (_tdot(W1[0:5], x0)
                       + _col(u0 @ W1[11:17] + b1_r[c][None, :]))
        tab_r[c, 1] = _tdot(W1[5:10], x0)
        tab_r[c, 2] = _tdot(Wm1[0:5], x0) + _col(bm1_r[c][None, :])
        scal_r[c] = jnp.stack([
            W1[10], z128, w2t_r[c][0], w2t_r[c][1], Wm1[5], Wm1[6],
            jnp.concatenate([b2_r[c], jnp.zeros((H - 2,), f32)]), z128])


_tc1 = pl.pallas_call(
    _tc1_body,
    out_shape=[jax.ShapeDtypeStruct((2, 3, NP, H), f32),
               jax.ShapeDtypeStruct((2, 8, H), f32)],
)


def _rnd(x):
    return x.astype(jnp.bfloat16).astype(f32)


def _bdot(a, b):
    return jnp.dot(_rnd(a), _rnd(b), precision=lax.Precision.HIGHEST)


def _sum_parts(s_r, c):
    acc = s_r[c, 0]
    for t in range(1, NS):
        acc = acc + s_r[c, t]
    return acc


def _tc2_body(s1_r, x0_r, u0_r,
              wm2_r, bm2_r, wn1_r, bn1_r, wn2_r, bn2_r,
              wg1_r, bg1_r, wg2_r, bg2_r,
              w1b_r, b1b_r, w2bt_r, b2b_r, wm1b_r, bm1b_r,
              tab_r, scal_r, x1_r):
    x0 = x0_r[...]
    u0 = u0_r[...]
    z128 = jnp.zeros((H,), f32)
    for c in range(2):
        accs = _sum_parts(s1_r, c)
        agg = (lax.dot_general(accs[0:NP], wm2_r[c], (((0,), (0,)), ((), ())))
               [0:NODES] + accs[NP:NP + NODES, 0:1] * bm2_r[c][None, :])
        cnt = accs[NP:NP + NODES, 0:1]
        aggm = agg / jnp.maximum(cnt, 1.0)
        Wn1 = wn1_r[c]
        h2 = (_bdot(x0[0:NODES], Wn1[0:5]) + _bdot(aggm, Wn1[5:133])
              + _rnd(cnt) * _rnd(Wn1[133])[None, :] + bn1_r[c][None, :])
        x1 = _bdot(jnp.maximum(h2, 0.0), wn2_r[c]) + bn2_r[c][None, :]
        x1p = jnp.concatenate([x1, jnp.zeros((NP - NODES, 10), f32)], axis=0)
        x1_r[c] = x1p
        xbar = jnp.mean(x1, axis=0, keepdims=True)
        Wg1 = wg1_r[c]
        hg = u0 @ Wg1[0:6] + xbar @ Wg1[6:16] + bg1_r[c][None, :]
        u1 = jnp.maximum(hg, 0.0) @ wg2_r[c] + bg2_r[c][None, :]
        W1b = w1b_r[c]
        Wm1b = wm1b_r[c]
        tab_r[c, 0] = (_tdot(W1b[0:10], x1p)
                       + _col(u1 @ W1b[22:34] + b1b_r[c][None, :]))
        tab_r[c, 1] = _tdot(W1b[10:20], x1p)
        tab_r[c, 2] = _tdot(Wm1b[0:10], x1p) + _col(bm1b_r[c][None, :])
        scal_r[c] = jnp.stack([
            W1b[20], W1b[21], w2bt_r[c][0], z128, Wm1b[10], z128,
            jnp.concatenate([b2b_r[c], jnp.zeros((H - 1,), f32)]), z128])


_tc2 = pl.pallas_call(
    _tc2_body,
    out_shape=[jax.ShapeDtypeStruct((2, 3, NP, H), f32),
               jax.ShapeDtypeStruct((2, 8, H), f32),
               jax.ShapeDtypeStruct((2, NP, 10), f32)],
)


def _tc3_body(s2_r, x1_r, wm2_r, bm2_r, wn1_r, bn1_r, wn2t_r, bn2_r, out_r):
    for c in range(2):
        accs = _sum_parts(s2_r, c)
        agg = (lax.dot_general(accs[0:NP], wm2_r[c], (((0,), (0,)), ((), ())))
               [0:NODES] + accs[NP:NP + NODES, 0:1] * bm2_r[c][None, :])
        cnt = accs[NP:NP + NODES, 0:1]
        aggm = agg / jnp.maximum(cnt, 1.0)
        Wn1 = wn1_r[c]
        h2 = (_bdot(x1_r[c][0:NODES], Wn1[0:10]) + _bdot(aggm, Wn1[10:138])
              + _rnd(cnt) * _rnd(Wn1[138])[None, :] + bn1_r[c][None, :])
        r = jnp.maximum(h2, 0.0)
        xfT = lax.dot_general(_rnd(wn2t_r[c]), _rnd(r),
                              (((1,), (1,)), ((), ())),
                              precision=lax.Precision.HIGHEST)
        out_r[c] = xfT[0] + bn2_r[c, 0]


_tc3 = pl.pallas_call(
    _tc3_body,
    out_shape=jax.ShapeDtypeStruct((2, NODES), f32),
)



def _stack(params, block_a, block_b, group, idx, part):
    wa = params[block_a][group][idx][part]
    wb = params[block_b][group][idx][part]
    return jnp.stack([wa, wb])


def kernel(features, params):
    feats = features[0]
    base = 5 * NODES + 6

    cap = feats[NODES:2 * NODES]
    deg = feats[0:NODES]
    inc = feats[2 * NODES:3 * NODES]
    outg = feats[3 * NODES:4 * NODES]
    tot = feats[4 * NODES:5 * NODES]
    u0 = feats[5 * NODES:base][None, :]
    x0 = jnp.stack([cap, deg, inc, outg, tot], axis=1)
    x0 = jnp.concatenate([x0, jnp.zeros((NP - NODES, 5), f32)], axis=0)

    ea = feats[base:base + E]
    src = feats[base + E:base + 2 * E].astype(i32)
    dst = feats[base + 2 * E:base + 3 * E].astype(i32)

    pad_i = jnp.full((EPAD - E,), PADV, i32)
    src_p = jnp.concatenate([src, pad_i])
    dst_p = jnp.concatenate([dst, pad_i])
    ea_p = jnp.concatenate([ea, jnp.zeros((EPAD - E,), f32)])

    zeros_acc = jnp.zeros((ACC_W,), f32)

    st = functools.partial(_stack, params)

    w2_1 = st('p1', 'v1', 'edge', 1, 0)
    tab1, scal1 = _tc1(
        x0, u0,
        st('p1', 'v1', 'edge', 0, 0), st('p1', 'v1', 'edge', 0, 1),
        jnp.transpose(w2_1, (0, 2, 1)), st('p1', 'v1', 'edge', 1, 1),
        st('p1', 'v1', 'node_mlp1', 0, 0), st('p1', 'v1', 'node_mlp1', 0, 1),
    )

    scal1b = jnp.broadcast_to(scal1[:, :, :, None],
                              (2, 8, H, L)).reshape(-1)
    s1, e1 = _sc_layer1(src_p, dst_p, ea_p, tab1.reshape(-1), scal1b,
                        zeros_acc)
    s1 = s1.reshape(2, NS, ACC_R, H)

    w2_2 = st('p2', 'v2', 'edge', 1, 0)
    tab2, scal2, x1 = _tc2(
        s1, x0, u0,
        st('p1', 'v1', 'node_mlp1', 1, 0), st('p1', 'v1', 'node_mlp1', 1, 1),
        st('p1', 'v1', 'node_mlp2', 0, 0), st('p1', 'v1', 'node_mlp2', 0, 1),
        st('p1', 'v1', 'node_mlp2', 1, 0), st('p1', 'v1', 'node_mlp2', 1, 1),
        st('p1', 'v1', 'global', 0, 0), st('p1', 'v1', 'global', 0, 1),
        st('p1', 'v1', 'global', 1, 0), st('p1', 'v1', 'global', 1, 1),
        st('p2', 'v2', 'edge', 0, 0), st('p2', 'v2', 'edge', 0, 1),
        jnp.transpose(w2_2, (0, 2, 1)), st('p2', 'v2', 'edge', 1, 1),
        st('p2', 'v2', 'node_mlp1', 0, 0), st('p2', 'v2', 'node_mlp1', 0, 1),
    )

    scal2b = jnp.broadcast_to(scal2[:, :, :, None],
                              (2, 8, H, L)).reshape(-1)
    (s2,) = _sc_layer2(src_p, dst_p, e1, tab2.reshape(-1), scal2b, zeros_acc)
    s2 = s2.reshape(2, NS, ACC_R, H)

    wn2_2 = st('p2', 'v2', 'node_mlp2', 1, 0)
    out = _tc3(
        s2, x1,
        st('p2', 'v2', 'node_mlp1', 1, 0), st('p2', 'v2', 'node_mlp1', 1, 1),
        st('p2', 'v2', 'node_mlp2', 0, 0), st('p2', 'v2', 'node_mlp2', 0, 1),
        jnp.transpose(wn2_2, (0, 2, 1)), st('p2', 'v2', 'node_mlp2', 1, 1),
    )
    return out[0:1], out[1:2]

# --- scband reference (transcript-rebuilt; emitter-appended) ---
"""Pipeline reference for scband-custom-network-6897717477418 (READ-ONLY COPY).

The authoritative reference and input builder live on the scoring server;
editing this copy changes nothing except your own understanding.
"""

import jax, jax.numpy as jnp
import numpy as np

NODES = 120
E = 50000


def _mlp_params(key, dims):
    params = []
    for i in range(len(dims) - 1):
        key, k = jax.random.split(key)
        W = jax.random.normal(k, (dims[i], dims[i + 1]), dtype=jnp.float32) * 0.05
        b = jnp.zeros((dims[i + 1],), dtype=jnp.float32)
        params.append((W, b))
    return params


def _mlp_apply(params, x):
    n = len(params)
    for i, (W, b) in enumerate(params):
        x = x @ W + b
        if i < n - 1:
            x = jax.nn.relu(x)
    return x


def _meta_layer(p, x, edge_attr, u, src, dst):
    En = src.shape[0]
    N = x.shape[0]
    u_e = jnp.broadcast_to(u, (En, u.shape[1]))
    # Edge model: MLP over [x_src, x_dst, edge_attr, u]
    e_new = _mlp_apply(p['edge'], jnp.concatenate([x[src], x[dst], edge_attr, u_e], axis=1))
    # Node model: mlp1 over [x_dst, e_new], scatter-mean onto dst nodes, then mlp2 over [x, agg, degree]
    m = _mlp_apply(p['node_mlp1'], jnp.concatenate([x[dst], e_new], axis=1))
    agg = jax.ops.segment_sum(m, dst, num_segments=N)
    cnt = jax.ops.segment_sum(jnp.ones((En, 1), dtype=x.dtype), dst, num_segments=N)
    agg_mean = agg / jnp.maximum(cnt, 1.0)
    x_new = _mlp_apply(p['node_mlp2'], jnp.concatenate([x, agg_mean, cnt], axis=1))
    # Global model: MLP over [u, mean(x_new)]
    u_new = _mlp_apply(p['global'], jnp.concatenate([u, jnp.mean(x_new, axis=0, keepdims=True)], axis=1))
    return x_new, e_new, u_new


def _forward(features, params, src, dst):
    nodes = NODES
    degrees = features[:, :nodes]
    capacities = features[:, nodes:2 * nodes]
    incoming = features[:, 2 * nodes:3 * nodes]
    outgoing = features[:, 3 * nodes:4 * nodes]
    total = features[:, 4 * nodes:5 * nodes]
    u0 = features[:, 5 * nodes:5 * nodes + 6]
    base = 5 * nodes + 6
    no_e = (features.shape[1] - base) // 3
    edge_attr = features[:, base:base + no_e].reshape(no_e, 1)
    x0 = jnp.concatenate([
        capacities.reshape(nodes, 1),
        degrees.reshape(nodes, 1),
        incoming.reshape(nodes, 1),
        outgoing.reshape(nodes, 1),
        total.reshape(nodes, 1),
    ], axis=1)
    xp, ep, up = _meta_layer(params['p1'], x0, edge_attr, u0, src, dst)
    xp, ep, up = _meta_layer(params['p2'], xp, ep, up, src, dst)
    xv, ev, uv = _meta_layer(params['v1'], x0, edge_attr, u0, src, dst)
    xv, ev, uv = _meta_layer(params['v2'], xv, ev, uv, src, dst)
    policy = jnp.transpose(xp, (1, 0)).reshape(1, nodes)
    value = jnp.transpose(xv, (1, 0)).reshape(1, nodes)
    return policy, value


def setup_inputs(seed: int = 0) -> dict:
    key = jax.random.key(seed)
    ks = jax.random.split(key, 6)
    node_part = jax.random.uniform(ks[0], (1, 5 * NODES), dtype=jnp.float32)
    graph_part = jax.random.uniform(ks[1], (1, 6), dtype=jnp.float32)
    edge_attr = jax.random.uniform(ks[2], (1, E), dtype=jnp.float32)
    src = jax.random.randint(ks[3], (1, E), 0, NODES).astype(jnp.float32)
    dst = jax.random.randint(ks[4], (1, E), 0, NODES).astype(jnp.float32)
    features = jnp.concatenate([node_part, graph_part, edge_attr, src, dst], axis=1)

    def block(k, edge_dims, n1, n2, g):
        kk = jax.random.split(k, 4)
        return {
            'edge': _mlp_params(kk[0], edge_dims),
            'node_mlp1': _mlp_params(kk[1], n1),
            'node_mlp2': _mlp_params(kk[2], n2),
            'global': _mlp_params(kk[3], g),
        }

    pk = jax.random.split(ks[5], 4)
    params = {
        'p1': block(pk[0], [17, 128, 2], [7, 128, 128], [134, 256, 10], [16, 128, 12]),
        'p2': block(pk[1], [34, 128, 1], [11, 128, 128], [139, 256, 1], [13, 128, 6]),
        'v1': block(pk[2], [17, 128, 2], [7, 128, 128], [134, 256, 10], [16, 128, 12]),
        'v2': block(pk[3], [34, 128, 1], [11, 128, 128], [139, 256, 1], [13, 128, 6]),
    }
    return {'features': features, 'params': params}


def reference(features, params):
    base = 5 * NODES + 6
    no_e = (features.shape[1] - base) // 3
    src = features[0, base + no_e:base + 2 * no_e].astype(jnp.int32)
    dst = features[0, base + 2 * no_e:base + 3 * no_e].astype(jnp.int32)
    return _forward(features, params, src, dst)

if __name__ == "__main__":
    import jax
    _d = setup_inputs()
    print(jax.jit(kernel)(*tuple(_d.values())))

</pallas_src>

<mosaic_0001>
#map = affine_map<(d0, d1) -> (0)>
module attributes {stable_mosaic.version = 14 : i64} {
  func.func @_sc_edge_body(%arg0: i32, %arg1: i32, %arg2: memref<50176xi32, #tpu.memory_space<hbm>>, %arg3: memref<50176xi32, #tpu.memory_space<hbm>>, %arg4: memref<200704xf32, #tpu.memory_space<hbm>>, %arg5: memref<98304xf32, #tpu.memory_space<hbm>>, %arg6: memref<32768xf32, #tpu.memory_space<hbm>>, %arg7: memref<32768xf32, #tpu.memory_space<hbm>>, %arg8: memref<1048576xf32, #tpu.memory_space<hbm>>, %arg9: memref<3136xi32, #tpu.memory_space<vmem>>, %arg10: memref<3136xi32, #tpu.memory_space<vmem>>, %arg11: memref<3136xf32, #tpu.memory_space<vmem>>, %arg12: memref<3136xf32, #tpu.memory_space<vmem>>, %arg13: memref<16384xf32, #tpu.memory_space<vmem>>, %arg14: memref<16384xf32, #tpu.memory_space<vmem>>, %arg15: memref<16384xf32, #tpu.memory_space<vmem>>, %arg16: memref<16384xf32, #tpu.memory_space<vmem>>, %arg17: memref<32768xf32, #tpu.memory_space<vmem>>) attributes {dimension_semantics = [#tpu.dimension_semantics<core_parallel>, #tpu.dimension_semantics<subcore_parallel>], iteration_bounds = array<i64: 2, 16>, scalar_prefetch = 0 : i64, scratch_operands = 9 : i64, tpu.core_type = #tpu.core_type<sc_vector_subcore>, window_params = [{transform_indices = #map}, {transform_indices = #map}, {transform_indices = #map}, {transform_indices = #map}, {transform_indices = #map}, {transform_indices = #map}, {transform_indices = #map}]} {
    %mul3A = arith.constant 3136 : i32
    %mul3A_0 = arith.muli %arg1, %mul3A : i32
    "tpu.region"() ({
      %run_scoped3A = tpu.sem_alloc : memref<!tpu.dma_semaphore, #tpu.memory_space<semaphore_mem>>
      %dma_start3A = tpu.memref_slice %arg2[%mul3A_0] : memref<50176xi32, #tpu.memory_space<hbm>> -> memref<3136xi32, #tpu.memory_space<hbm>>
      %dma_start3A_44 = tpu.memref_slice %arg2[%mul3A_0] : memref<50176xi32, #tpu.memory_space<hbm>> -> memref<3136xi32, #tpu.memory_space<hbm>>
      tpu.enqueue_dma source(%dma_start3A_44 : memref<3136xi32, #tpu.memory_space<hbm>>) target(%arg9 : memref<3136xi32, #tpu.memory_space<vmem>>) target_semaphore(%run_scoped3A : memref<!tpu.dma_semaphore, #tpu.memory_space<semaphore_mem>>)
      %dma_wait3A = tpu.memref_slice %arg2[%mul3A_0] : memref<50176xi32, #tpu.memory_space<hbm>> -> memref<3136xi32, #tpu.memory_space<hbm>>
      %dma_wait3A_45 = tpu.memref_slice %arg2[%mul3A_0] : memref<50176xi32, #tpu.memory_space<hbm>> -> memref<3136xi32, #tpu.memory_space<hbm>>
      tpu.wait_dma2 semaphore(%run_scoped3A : memref<!tpu.dma_semaphore, #tpu.memory_space<semaphore_mem>>) src(%dma_wait3A_45 : memref<3136xi32, #tpu.memory_space<hbm>>) dst(%arg9 : memref<3136xi32, #tpu.memory_space<vmem>>)
      tpu.yield
    }) : () -> ()
    "tpu.region"() ({
      %run_scoped3A = tpu.sem_alloc : memref<!tpu.dma_semaphore, #tpu.memory_space<semaphore_mem>>
      %dma_start3A = tpu.memref_slice %arg3[%mul3A_0] : memref<50176xi32, #tpu.memory_space<hbm>> -> memref<3136xi32, #tpu.memory_space<hbm>>
      %dma_start3A_44 = tpu.memref_slice %arg3[%mul3A_0] : memref<50176xi32, #tpu.memory_space<hbm>> -> memref<3136xi32, #tpu.memory_space<hbm>>
      tpu.enqueue_dma source(%dma_start3A_44 : memref<3136xi32, #tpu.memory_space<hbm>>) target(%arg10 : memref<3136xi32, #tpu.memory_space<vmem>>) target_semaphore(%run_scoped3A : memref<!tpu.dma_semaphore, #tpu.memory_space<semaphore_mem>>)
      %dma_wait3A = tpu.memref_slice %arg3[%mul3A_0] : memref<50176xi32, #tpu.memory_space<hbm>> -> memref<3136xi32, #tpu.memory_space<hbm>>
      %dma_wait3A_45 = tpu.memref_slice %arg3[%mul3A_0] : memref<50176xi32, #tpu.memory_space<hbm>> -> memref<3136xi32, #tpu.memory_space<hbm>>
      tpu.wait_dma2 semaphore(%run_scoped3A : memref<!tpu.dma_semaphore, #tpu.memory_space<semaphore_mem>>) src(%dma_wait3A_45 : memref<3136xi32, #tpu.memory_space<hbm>>) dst(%arg10 : memref<3136xi32, #tpu.memory_space<vmem>>)
      tpu.yield
    }) : () -> ()
    %mul3A_1 = arith.constant 2 : i32
    %mul3A_2 = arith.muli %arg0, %mul3A_1 : i32
    %mul3A_3 = arith.constant 50176 : i32
    %mul3A_4 = arith.muli %mul3A_2, %mul3A_3 : i32
    %add3A = arith.addi %mul3A_4, %mul3A_0 : i32
    "tpu.region"() ({
      %run_scoped3A = tpu.sem_alloc : memref<!tpu.dma_semaphore, #tpu.memory_space<semaphore_mem>>
      %dma_start3A = tpu.memref_slice %arg4[%add3A] : memref<200704xf32, #tpu.memory_space<hbm>> -> memref<3136xf32, #tpu.memory_space<hbm>>
      %dma_start3A_44 = tpu.memref_slice %arg4[%add3A] : memref<200704xf32, #tpu.memory_space<hbm>> -> memref<3136xf32, #tpu.memory_space<hbm>>
      tpu.enqueue_dma source(%dma_start3A_44 : memref<3136xf32, #tpu.memory_space<hbm>>) target(%arg11 : memref<3136xf32, #tpu.memory_space<vmem>>) target_semaphore(%run_scoped3A : memref<!tpu.dma_semaphore, #tpu.memory_space<semaphore_mem>>)
      %dma_wait3A = tpu.memref_slice %arg4[%add3A] : memref<200704xf32, #tpu.memory_space<hbm>> -> memref<3136xf32, #tpu.memory_space<hbm>>
      %dma_wait3A_45 = tpu.memref_slice %arg4[%add3A] : memref<200704xf32, #tpu.memory_space<hbm>> -> memref<3136xf32, #tpu.memory_space<hbm>>
      tpu.wait_dma2 semaphore(%run_scoped3A : memref<!tpu.dma_semaphore, #tpu.memory_space<semaphore_mem>>) src(%dma_wait3A_45 : memref<3136xf32, #tpu.memory_space<hbm>>) dst(%arg11 : memref<3136xf32, #tpu.memory_space<vmem>>)
      tpu.yield
    }) : () -> ()
    %mul3A_5 = arith.constant 2 : i32
    %mul3A_6 = arith.muli %arg0, %mul3A_5 : i32
    %add3A_7 = arith.constant 1 : i32
    %add3A_8 = arith.addi %mul3A_6, %add3A_7 : i32
    %mul3A_9 = arith.constant 50176 : i32
    %mul3A_10 = arith.muli %add3A_8, %mul3A_9 : i32
    %add3A_11 = arith.addi %mul3A_10, %mul3A_0 : i32
    "tpu.region"() ({
      %run_scoped3A = tpu.sem_alloc : memref<!tpu.dma_semaphore, #tpu.memory_space<semaphore_mem>>
      %dma_start3A = tpu.memref_slice %arg4[%add3A_11] : memref<200704xf32, #tpu.memory_space<hbm>> -> memref<3136xf32, #tpu.memory_space<hbm>>
      %dma_start3A_44 = tpu.memref_slice %arg4[%add3A_11] : memref<200704xf32, #tpu.memory_space<hbm>> -> memref<3136xf32, #tpu.memory_space<hbm>>
      tpu.enqueue_dma source(%dma_start3A_44 : memref<3136xf32, #tpu.memory_space<hbm>>) target(%arg12 : memref<3136xf32, #tpu.memory_space<vmem>>) target_semaphore(%run_scoped3A : memref<!tpu.dma_semaphore, #tpu.memory_space<semaphore_mem>>)
      %dma_wait3A = tpu.memref_slice %arg4[%add3A_11] : memref<200704xf32, #tpu.memory_space<hbm>> -> memref<3136xf32, #tpu.memory_space<hbm>>
      %dma_wait3A_45 = tpu.memref_slice %arg4[%add3A_11] : memref<200704xf32, #tpu.memory_space<hbm>> -> memref<3136xf32, #tpu.memory_space<hbm>>
      tpu.wait_dma2 semaphore(%run_scoped3A : memref<!tpu.dma_semaphore, #tpu.memory_space<semaphore_mem>>) src(%dma_wait3A_45 : memref<3136xf32, #tpu.memory_space<hbm>>) dst(%arg12 : memref<3136xf32, #tpu.memory_space<vmem>>)
      tpu.yield
    }) : () -> ()
    %mul3A_12 = arith.constant 3 : i32
    %mul3A_13 = arith.muli %arg0, %mul3A_12 : i32
    %add3A_14 = arith.constant 0 : i32
    %add3A_15 = arith.addi %mul3A_13, %add3A_14 : i32
    %mul3A_16 = arith.constant 16384 : i32
    %mul3A_17 = arith.muli %add3A_15, %mul3A_16 : i32
    "tpu.region"() ({
      %run_scoped3A = tpu.sem_alloc : memref<!tpu.dma_semaphore, #tpu.memory_space<semaphore_mem>>
      %dma_start3A = tpu.memref_slice %arg5[%mul3A_17] : memref<98304xf32, #tpu.memory_space<hbm>> -> memref<16384xf32, #tpu.memory_space<hbm>>
      %dma_start3A_44 = tpu.memref_slice %arg5[%mul3A_17] : memref<98304xf32, #tpu.memory_space<hbm>> -> memref<16384xf32, #tpu.memory_space<hbm>>
      tpu.enqueue_dma source(%dma_start3A_44 : memref<16384xf32, #tpu.memory_space<hbm>>) target(%arg13 : memref<16384xf32, #tpu.memory_space<vmem>>) target_semaphore(%run_scoped3A : memref<!tpu.dma_semaphore, #tpu.memory_space<semaphore_mem>>)
      %dma_wait3A = tpu.memref_slice %arg5[%mul3A_17] : memref<98304xf32, #tpu.memory_space<hbm>> -> memref<16384xf32, #tpu.memory_space<hbm>>
      %dma_wait3A_45 = tpu.memref_slice %arg5[%mul3A_17] : memref<98304xf32, #tpu.memory_space<hbm>> -> memref<16384xf32, #tpu.memory_space<hbm>>
      tpu.wait_dma2 semaphore(%run_scoped3A : memref<!tpu.dma_semaphore, #tpu.memory_space<semaphore_mem>>) src(%dma_wait3A_45 : memref<16384xf32, #tpu.memory_space<hbm>>) dst(%arg13 : memref<16384xf32, #tpu.memory_space<vmem>>)
      tpu.yield
    }) : () -> ()
    %mul3A_18 = arith.constant 3 : i32
    %mul3A_19 = arith.muli %arg0, %mul3A_18 : i32
    %add3A_20 = arith.constant 1 : i32
    %add3A_21 = arith.addi %mul3A_19, %add3A_20 : i32
    %mul3A_22 = arith.constant 16384 : i32
    %mul3A_23 = arith.muli %add3A_21, %mul3A_22 : i32
    "tpu.region"() ({
      %run_scoped3A = tpu.sem_alloc : memref<!tpu.dma_semaphore, #tpu.memory_space<semaphore_mem>>
      %dma_start3A = tpu.memref_slice %arg5[%mul3A_23] : memref<98304xf32, #tpu.memory_space<hbm>> -> memref<16384xf32, #tpu.memory_space<hbm>>
      %dma_start3A_44 = tpu.memref_slice %arg5[%mul3A_23] : memref<98304xf32, #tpu.memory_space<hbm>> -> memref<16384xf32, #tpu.memory_space<hbm>>
      tpu.enqueue_dma source(%dma_start3A_44 : memref<16384xf32, #tpu.memory_space<hbm>>) target(%arg14 : memref<16384xf32, #tpu.memory_space<vmem>>) target_semaphore(%run_scoped3A : memref<!tpu.dma_semaphore, #tpu.memory_space<semaphore_mem>>)
      %dma_wait3A = tpu.memref_slice %arg5[%mul3A_23] : memref<98304xf32, #tpu.memory_space<hbm>> -> memref<16384xf32, #tpu.memory_space<hbm>>
      %dma_wait3A_45 = tpu.memref_slice %arg5[%mul3A_23] : memref<98304xf32, #tpu.memory_space<hbm>> -> memref<16384xf32, #tpu.memory_space<hbm>>
      tpu.wait_dma2 semaphore(%run_scoped3A : memref<!tpu.dma_semaphore, #tpu.memory_space<semaphore_mem>>) src(%dma_wait3A_45 : memref<16384xf32, #tpu.memory_space<hbm>>) dst(%arg14 : memref<16384xf32, #tpu.memory_space<vmem>>)
      tpu.yield
    }) : () -> ()
    %mul3A_24 = arith.constant 3 : i32
    %mul3A_25 = arith.muli %arg0, %mul3A_24 : i32
    %add3A_26 = arith.constant 2 : i32
    %add3A_27 = arith.addi %mul3A_25, %add3A_26 : i32
    %mul3A_28 = arith.constant 16384 : i32
    %mul3A_29 = arith.muli %add3A_27, %mul3A_28 : i32
    "tpu.region"() ({
      %run_scoped3A = tpu.sem_alloc : memref<!tpu.dma_semaphore, #tpu.memory_space<semaphore_mem>>
      %dma_start3A = tpu.memref_slice %arg5[%mul3A_29] : memref<98304xf32, #tpu.memory_space<hbm>> -> memref<16384xf32, #tpu.memory_space<hbm>>
      %dma_start3A_44 = tpu.memref_slice %arg5[%mul3A_29] : memref<98304xf32, #tpu.memory_space<hbm>> -> memref<16384xf32, #tpu.memory_space<hbm>>
      tpu.enqueue_dma source(%dma_start3A_44 : memref<16384xf32, #tpu.memory_space<hbm>>) target(%arg15 : memref<16384xf32, #tpu.memory_space<vmem>>) target_semaphore(%run_scoped3A : memref<!tpu.dma_semaphore, #tpu.memory_space<semaphore_mem>>)
      %dma_wait3A = tpu.memref_slice %arg5[%mul3A_29] : memref<98304xf32, #tpu.memory_space<hbm>> -> memref<16384xf32, #tpu.memory_space<hbm>>
      %dma_wait3A_45 = tpu.memref_slice %arg5[%mul3A_29] : memref<98304xf32, #tpu.memory_space<hbm>> -> memref<16384xf32, #tpu.memory_space<hbm>>
      tpu.wait_dma2 semaphore(%run_scoped3A : memref<!tpu.dma_semaphore, #tpu.memory_space<semaphore_mem>>) src(%dma_wait3A_45 : memref<16384xf32, #tpu.memory_space<hbm>>) dst(%arg15 : memref<16384xf32, #tpu.memory_space<vmem>>)
      tpu.yield
    }) : () -> ()
    %mul3A_30 = arith.constant 16384 : i32
    %mul3A_31 = arith.muli %arg0, %mul3A_30 : i32
    "tpu.region"() ({
      %run_scoped3A = tpu.sem_alloc : memref<!tpu.dma_semaphore, #tpu.memory_space<semaphore_mem>>
      %dma_start3A = tpu.memref_slice %arg6[%mul3A_31] : memref<32768xf32, #tpu.memory_space<hbm>> -> memref<16384xf32, #tpu.memory_space<hbm>>
      %dma_start3A_44 = tpu.memref_slice %arg6[%mul3A_31] : memref<32768xf32, #tpu.memory_space<hbm>> -> memref<16384xf32, #tpu.memory_space<hbm>>
      tpu.enqueue_dma source(%dma_start3A_44 : memref<16384xf32, #tpu.memory_space<hbm>>) target(%arg16 : memref<16384xf32, #tpu.memory_space<vmem>>) target_semaphore(%run_scoped3A : memref<!tpu.dma_semaphore, #tpu.memory_space<semaphore_mem>>)
      %dma_wait3A = tpu.memref_slice %arg6[%mul3A_31] : memref<32768xf32, #tpu.memory_space<hbm>> -> memref<16384xf32, #tpu.memory_space<hbm>>
      %dma_wait3A_45 = tpu.memref_slice %arg6[%mul3A_31] : memref<32768xf32, #tpu.memory_space<hbm>> -> memref<16384xf32, #tpu.memory_space<hbm>>
      tpu.wait_dma2 semaphore(%run_scoped3A : memref<!tpu.dma_semaphore, #tpu.memory_space<semaphore_mem>>) src(%dma_wait3A_45 : memref<16384xf32, #tpu.memory_space<hbm>>) dst(%arg16 : memref<16384xf32, #tpu.memory_space<vmem>>)
      tpu.yield
    }) : () -> ()
    "tpu.region"() ({
      %run_scoped3A = tpu.sem_alloc : memref<!tpu.dma_semaphore, #tpu.memory_space<semaphore_mem>>
      tpu.enqueue_dma source(%arg7 : memref<32768xf32, #tpu.memory_space<hbm>>) target(%arg17 : memref<32768xf32, #tpu.memory_space<vmem>>) target_semaphore(%run_scoped3A : memref<!tpu.dma_semaphore, #tpu.memory_space<semaphore_mem>>)
      tpu.wait_dma2 semaphore(%run_scoped3A : memref<!tpu.dma_semaphore, #tpu.memory_space<semaphore_mem>>) src(%arg7 : memref<32768xf32, #tpu.memory_space<hbm>>) dst(%arg17 : memref<32768xf32, #tpu.memory_space<vmem>>)
      tpu.yield
    }) : () -> ()
    %broadcast_in_dim3A = arith.constant 1.000000e+00 : f32
    %broadcast_in_dim3A_32 = vector.broadcast %broadcast_in_dim3A : f32 to vector<16xf32>
    %scan3A = arith.constant 0 : i32
    %scan3A_33 = arith.constant 0 : i32
    %scan3A_34 = arith.constant 49 : i32
    %scan3A_35 = arith.addi %scan3A_33, %scan3A_34 : i32
    %scan3A_36 = arith.constant 1 : i32
    %scan3A_37 = scf.for %scan3A_44 = %scan3A_33 to %scan3A_35 step %scan3A_36 iter_args(%scan3A_45 = %scan3A) -> (i32)  : i32 {
      %mul3A_46 = arith.constant 64 : i32
      %mul3A_47 = arith.muli %scan3A_44, %mul3A_46 : i32
      %add3A_48 = arith.constant 0 : i32
      %add3A_49 = arith.addi %mul3A_47, %add3A_48 : i32
      %get3A = arith.index_cast %add3A_49 : i32 to index
      %get3A_50 = tpu.vector_load %arg9[%get3A] {strides = array<i32>} : memref<3136xi32, #tpu.memory_space<vmem>>, vector<16xi32>,
      %get3A_51 = arith.index_cast %add3A_49 : i32 to index
      %get3A_52 = tpu.vector_load %arg10[%get3A_51] {strides = array<i32>} : memref<3136xi32, #tpu.memory_space<vmem>>, vector<16xi32>,
      %mul3A_53 = arith.constant 128 : i32
      %mul3A_54 = vector.broadcast %mul3A_53 : i32 to vector<16xi32>
      %mul3A_55 = arith.muli %get3A_52, %mul3A_54 : vector<16xi32>
      %add3A_56 = arith.constant 16384 : i32
      %add3A_57 = vector.broadcast %add3A_56 : i32 to vector<16xi32>
      %add3A_58 = arith.addi %mul3A_55, %add3A_57 : vector<16xi32>
      %get3A_59 = arith.index_cast %add3A_49 : i32 to index
      %get3A_60 = tpu.vector_load %arg11[%get3A_59] {strides = array<i32>} : memref<3136xf32, #tpu.memory_space<vmem>>, vector<16xf32>,
      %get3A_61 = arith.index_cast %add3A_49 : i32 to index
      %get3A_62 = tpu.vector_load %arg12[%get3A_61] {strides = array<i32>} : memref<3136xf32, #tpu.memory_space<vmem>>, vector<16xf32>,
      %add3A_63 = arith.constant 16 : i32
      %add3A_64 = arith.addi %mul3A_47, %add3A_63 : i32
      %get3A_65 = arith.index_cast %add3A_64 : i32 to index
      %get3A_66 = tpu.vector_load %arg9[%get3A_65] {strides = array<i32>} : memref<3136xi32, #tpu.memory_space<vmem>>, vector<16xi32>,
      %get3A_67 = arith.index_cast %add3A_64 : i32 to index
      %get3A_68 = tpu.vector_load %arg10[%get3A_67] {strides = array<i32>} : memref<3136xi32, #tpu.memory_space<vmem>>, vector<16xi32>,
      %mul3A_69 = arith.constant 128 : i32
      %mul3A_70 = vector.broadcast %mul3A_69 : i32 to vector<16xi32>
      %mul3A_71 = arith.muli %get3A_68, %mul3A_70 : vector<16xi32>
      %add3A_72 = arith.constant 16384 : i32
      %add3A_73 = vector.broadcast %add3A_72 : i32 to vector<16xi32>
      %add3A_74 = arith.addi %mul3A_71, %add3A_73 : vector<16xi32>
      %get3A_75 = arith.index_cast %add3A_64 : i32 to index
      %get3A_76 = tpu.vector_load %arg11[%get3A_75] {strides = array<i32>} : memref<3136xf32, #tpu.memory_space<vmem>>, vector<16xf32>,
      %get3A_77 = arith.index_cast %add3A_64 : i32 to index
      %get3A_78 = tpu.vector_load %arg12[%get3A_77] {strides = array<i32>} : memref<3136xf32, #tpu.memory_space<vmem>>, vector<16xf32>,
      %add3A_79 = arith.constant 32 : i32
      %add3A_80 = arith.addi %mul3A_47, %add3A_79 : i32
      %get3A_81 = arith.index_cast %add3A_80 : i32 to index
      %get3A_82 = tpu.vector_load %arg9[%get3A_81] {strides = array<i32>} : memref<3136xi32, #tpu.memory_space<vmem>>, vector<16xi32>,
      %get3A_83 = arith.index_cast %add3A_80 : i32 to index
      %get3A_84 = tpu.vector_load %arg10[%get3A_83] {strides = array<i32>} : memref<3136xi32, #tpu.memory_space<vmem>>, vector<16xi32>,
      %mul3A_85 = arith.constant 128 : i32
      %mul3A_86 = vector.broadcast %mul3A_85 : i32 to vector<16xi32>
      %mul3A_87 = arith.muli %get3A_84, %mul3A_86 : vector<16xi32>
      %add3A_88 = arith.constant 16384 : i32
      %add3A_89 = vector.broadcast %add3A_88 : i32 to vector<16xi32>
      %add3A_90 = arith.addi %mul3A_87, %add3A_89 : vector<16xi32>
      %get3A_91 = arith.index_cast %add3A_80 : i32 to index
      %get3A_92 = tpu.vector_load %arg11[%get3A_91] {strides = array<i32>} : memref<3136xf32, #tpu.memory_space<vmem>>, vector<16xf32>,
      %get3A_93 = arith.index_cast %add3A_80 : i32 to index
      %get3A_94 = tpu.vector_load %arg12[%get3A_93] {strides = array<i32>} : memref<3136xf32, #tpu.memory_space<vmem>>, vector<16xf32>,
      %add3A_95 = arith.constant 48 : i32
      %add3A_96 = arith.addi %mul3A_47, %add3A_95 : i32
      %get3A_97 = arith.index_cast %add3A_96 : i32 to index
      %get3A_98 = tpu.vector_load %arg9[%get3A_97] {strides = array<i32>} : memref<3136xi32, #tpu.memory_space<vmem>>, vector<16xi32>,
      %get3A_99 = arith.index_cast %add3A_96 : i32 to index
      %get3A_100 = tpu.vector_load %arg10[%get3A_99] {strides = array<i32>} : memref<3136xi32, #tpu.memory_space<vmem>>, vector<16xi32>,
      %mul3A_101 = arith.constant 128 : i32
      %mul3A_102 = vector.broadcast %mul3A_101 : i32 to vector<16xi32>
      %mul3A_103 = arith.muli %get3A_100, %mul3A_102 : vector<16xi32>
      %add3A_104 = arith.constant 16384 : i32
      %add3A_105 = vector.broadcast %add3A_104 : i32 to vector<16xi32>
      %add3A_106 = arith.addi %mul3A_103, %add3A_105 : vector<16xi32>
      %get3A_107 = arith.index_cast %add3A_96 : i32 to index
      %get3A_108 = tpu.vector_load %arg11[%get3A_107] {strides = array<i32>} : memref<3136xf32, #tpu.memory_space<vmem>>, vector<16xf32>,
      %get3A_109 = arith.index_cast %add3A_96 : i32 to index
      %get3A_110 = tpu.vector_load %arg12[%get3A_109] {strides = array<i32>} : memref<3136xf32, #tpu.memory_space<vmem>>, vector<16xf32>,
      %get3A_111 = arith.constant 12288 : index
      %get3A_112 = tpu.vector_load %arg16[%get3A_111] {strides = array<i32>} : memref<16384xf32, #tpu.memory_space<vmem>>, vector<16xf32>,
      %get3A_113 = arith.constant 12288 : index
      %get3A_114 = tpu.vector_load %arg16[%get3A_113] {strides = array<i32>} : memref<16384xf32, #tpu.memory_space<vmem>>, vector<16xf32>,
      %get3A_115 = arith.constant 12288 : index
      %get3A_116 = tpu.vector_load %arg16[%get3A_115] {strides = array<i32>} : memref<16384xf32, #tpu.memory_space<vmem>>, vector<16xf32>,
      %get3A_117 = arith.constant 12288 : index
      %get3A_118 = tpu.vector_load %arg16[%get3A_117] {strides = array<i32>} : memref<16384xf32, #tpu.memory_space<vmem>>, vector<16xf32>,
      %parallel_loop3A = arith.constant 0 : i32
      %parallel_loop3A_119 = arith.constant 128 : i32
      %parallel_loop3A_120 = arith.constant 1 : i32
      %parallel_loop3A_121:4 = scf.for %parallel_loop3A_126 = %parallel_loop3A to %parallel_loop3A_119 step %parallel_loop3A_120 iter_args(%parallel_loop3A_127 = %get3A_112, %parallel_loop3A_128 = %get3A_114, %parallel_loop3A_129 = %get3A_116, %parallel_loop3A_130 = %get3A_118) -> (vector<16xf32>, vector<16xf32>, vector<16xf32>, vector<16xf32>)  : i32 {
        %parallel_loop3A_131 = arith.constant 128 : i32
        %parallel_loop3A_132 = arith.muli %parallel_loop3A_126, %parallel_loop3A_131 : i32
        %parallel_loop3A_133 = vector.broadcast %parallel_loop3A_132 : i32 to vector<16xi32>
        %parallel_loop3A_134 = arith.constant 16 : i32
        %parallel_loop3A_135 = arith.muli %parallel_loop3A_126, %parallel_loop3A_134 : i32
        %parallel_loop3A_136 = arith.constant 0 : i32
        %parallel_loop3A_137 = arith.addi %parallel_loop3A_136, %parallel_loop3A_135 : i32
        %parallel_loop3A_138 = arith.index_cast %parallel_loop3A_137 : i32 to index
        %parallel_loop3A_139 = tpu.vector_load %arg16[%parallel_loop3A_138] {strides = array<i32>} : memref<16384xf32, #tpu.memory_space<vmem>>, vector<16xf32>,
        %parallel_loop3A_140 = arith.constant 2048 : i32
        %parallel_loop3A_141 = arith.addi %parallel_loop3A_140, %parallel_loop3A_135 : i32
        %parallel_loop3A_142 = arith.index_cast %parallel_loop3A_141 : i32 to index
        %parallel_loop3A_143 = tpu.vector_load %arg16[%parallel_loop3A_142] {strides = array<i32>} : memref<16384xf32, #tpu.memory_space<vmem>>, vector<16xf32>,
        %parallel_loop3A_144 = arith.constant 4096 : i32
        %parallel_loop3A_145 = arith.addi %parallel_loop3A_144, %parallel_loop3A_135 : i32
        %parallel_loop3A_146 = arith.index_cast %parallel_loop3A_145 : i32 to index
        %parallel_loop3A_147 = tpu.vector_load %arg16[%parallel_loop3A_146] {strides = array<i32>} : memref<16384xf32, #tpu.memory_space<vmem>>, vector<16xf32>,
        %parallel_loop3A_148 = arith.addi %get3A_50, %parallel_loop3A_133 : vector<16xi32>
        %parallel_loop3A_149 = tpu.vector_load_idx %arg13[%parallel_loop3A_148] : memref<16384xf32, #tpu.memory_space<vmem>>[vector<16xi32>], vector<16xf32>,
        %parallel_loop3A_150 = arith.addi %get3A_52, %parallel_loop3A_133 : vector<16xi32>
        %parallel_loop3A_151 = tpu.vector_load_idx %arg14[%parallel_loop3A_150] : memref<16384xf32, #tpu.memory_space<vmem>>[vector<16xi32>], vector<16xf32>,
        %parallel_loop3A_152 = arith.addf %parallel_loop3A_149, %parallel_loop3A_151 : vector<16xf32>
        %parallel_loop3A_153 = arith.mulf %get3A_60, %parallel_loop3A_139 : vector<16xf32>
        %parallel_loop3A_154 = arith.addf %parallel_loop3A_152, %parallel_loop3A_153 : vector<16xf32>
        %parallel_loop3A_155 = arith.mulf %get3A_62, %parallel_loop3A_143 : vector<16xf32>
        %parallel_loop3A_156 = arith.addf %parallel_loop3A_154, %parallel_loop3A_155 : vector<16xf32>
        %parallel_loop3A_157 = arith.constant 0.000000e+00 : f32
        %parallel_loop3A_158 = vector.broadcast %parallel_loop3A_157 : f32 to vector<16xf32>
        %parallel_loop3A_159 = arith.maximumf %parallel_loop3A_156, %parallel_loop3A_158 : vector<16xf32>
        %parallel_loop3A_160 = arith.mulf %parallel_loop3A_159, %parallel_loop3A_147 : vector<16xf32>
        %parallel_loop3A_161 = arith.addf %parallel_loop3A_127, %parallel_loop3A_160 : vector<16xf32>
        %parallel_loop3A_162 = arith.addi %get3A_66, %parallel_loop3A_133 : vector<16xi32>
        %parallel_loop3A_163 = tpu.vector_load_idx %arg13[%parallel_loop3A_162] : memref<16384xf32, #tpu.memory_space<vmem>>[vector<16xi32>], vector<16xf32>,
        %parallel_loop3A_164 = arith.addi %get3A_68, %parallel_loop3A_133 : vector<16xi32>
        %parallel_loop3A_165 = tpu.vector_load_idx %arg14[%parallel_loop3A_164] : memref<16384xf32, #tpu.memory_space<vmem>>[vector<16xi32>], vector<16xf32>,
        %parallel_loop3A_166 = arith.addf %parallel_loop3A_163, %parallel_loop3A_165 : vector<16xf32>
        %parallel_loop3A_167 = arith.mulf %get3A_76, %parallel_loop3A_139 : vector<16xf32>
        %parallel_loop3A_168 = arith.addf %parallel_loop3A_166, %parallel_loop3A_167 : vector<16xf32>
        %parallel_loop3A_169 = arith.mulf %get3A_78, %parallel_loop3A_143 : vector<16xf32>
        %parallel_loop3A_170 = arith.addf %parallel_loop3A_168, %parallel_loop3A_169 : vector<16xf32>
        %parallel_loop3A_171 = arith.constant 0.000000e+00 : f32
        %parallel_loop3A_172 = vector.broadcast %parallel_loop3A_171 : f32 to vector<16xf32>
        %parallel_loop3A_173 = arith.maximumf %parallel_loop3A_170, %parallel_loop3A_172 : vector<16xf32>
        %parallel_loop3A_174 = arith.mulf %parallel_loop3A_173, %parallel_loop3A_147 : vector<16xf32>
        %parallel_loop3A_175 = arith.addf %parallel_loop3A_128, %parallel_loop3A_174 : vector<16xf32>
        %parallel_loop3A_176 = arith.addi %get3A_82, %parallel_loop3A_133 : vector<16xi32>
        %parallel_loop3A_177 = tpu.vector_load_idx %arg13[%parallel_loop3A_176] : memref<16384xf32, #tpu.memory_space<vmem>>[vector<16xi32>], vector<16xf32>,
        %parallel_loop3A_178 = arith.addi %get3A_84, %parallel_loop3A_133 : vector<16xi32>
        %parallel_loop3A_179 = tpu.vector_load_idx %arg14[%parallel_loop3A_178] : memref<16384xf32, #tpu.memory_space<vmem>>[vector<16xi32>], vector<16xf32>,
        %parallel_loop3A_180 = arith.addf %parallel_loop3A_177, %parallel_loop3A_179 : vector<16xf32>
        %parallel_loop3A_181 = arith.mulf %get3A_92, %parallel_loop3A_139 : vector<16xf32>
        %parallel_loop3A_182 = arith.addf %parallel_loop3A_180, %parallel_loop3A_181 : vector<16xf32>
        %parallel_loop3A_183 = arith.mulf %get3A_94, %parallel_loop3A_143 : vector<16xf32>
        %parallel_loop3A_184 = arith.addf %parallel_loop3A_182, %parallel_loop3A_183 : vector<16xf32>
        %parallel_loop3A_185 = arith.constant 0.000000e+00 : f32
        %parallel_loop3A_186 = vector.broadcast %parallel_loop3A_185 : f32 to vector<16xf32>
        %parallel_loop3A_187 = arith.maximumf %parallel_loop3A_184, %parallel_loop3A_186 : vector<16xf32>
        %parallel_loop3A_188 = arith.mulf %parallel_loop3A_187, %parallel_loop3A_147 : vector<16xf32>
        %parallel_loop3A_189 = arith.addf %parallel_loop3A_129, %parallel_loop3A_188 : vector<16xf32>
        %parallel_loop3A_190 = arith.addi %get3A_98, %parallel_loop3A_133 : vector<16xi32>
        %parallel_loop3A_191 = tpu.vector_load_idx %arg13[%parallel_loop3A_190] : memref<16384xf32, #tpu.memory_space<vmem>>[vector<16xi32>], vector<16xf32>,
        %parallel_loop3A_192 = arith.addi %get3A_100, %parallel_loop3A_133 : vector<16xi32>
        %parallel_loop3A_193 = tpu.vector_load_idx %arg14[%parallel_loop3A_192] : memref<16384xf32, #tpu.memory_space<vmem>>[vector<16xi32>], vector<16xf32>,
        %parallel_loop3A_194 = arith.addf %parallel_loop3A_191, %parallel_loop3A_193 : vector<16xf32>
        %parallel_loop3A_195 = arith.mulf %get3A_108, %parallel_loop3A_139 : vector<16xf32>
        %parallel_loop3A_196 = arith.addf %parallel_loop3A_194, %parallel_loop3A_195 : vector<16xf32>
        %parallel_loop3A_197 = arith.mulf %get3A_110, %parallel_loop3A_143 : vector<16xf32>
        %parallel_loop3A_198 = arith.addf %parallel_loop3A_196, %parallel_loop3A_197 : vector<16xf32>
        %parallel_loop3A_199 = arith.constant 0.000000e+00 : f32
        %parallel_loop3A_200 = vector.broadcast %parallel_loop3A_199 : f32 to vector<16xf32>
        %parallel_loop3A_201 = arith.maximumf %parallel_loop3A_198, %parallel_loop3A_200 : vector<16xf32>
        %parallel_loop3A_202 = arith.mulf %parallel_loop3A_201, %parallel_loop3A_147 : vector<16xf32>
        %parallel_loop3A_203 = arith.addf %parallel_loop3A_130, %parallel_loop3A_202 : vector<16xf32>
        scf.yield %parallel_loop3A_161, %parallel_loop3A_175, %parallel_loop3A_189, %parallel_loop3A_203 : vector<16xf32>, vector<16xf32>, vector<16xf32>, vector<16xf32>
      } {sc.loop_unroll_factor = 2 : i64, sc.parallel_access}
      %parallel_loop3A_122 = arith.constant 0 : i32
      %parallel_loop3A_123 = arith.constant 128 : i32
      %parallel_loop3A_124 = arith.constant 1 : i32
      scf.for %parallel_loop3A_126 = %parallel_loop3A_122 to %parallel_loop3A_123 step %parallel_loop3A_124  : i32 {
        %parallel_loop3A_127 = arith.constant 128 : i32
        %parallel_loop3A_128 = arith.muli %parallel_loop3A_126, %parallel_loop3A_127 : i32
        %parallel_loop3A_129 = vector.broadcast %parallel_loop3A_128 : i32 to vector<16xi32>
        %parallel_loop3A_130 = arith.constant 16 : i32
        %parallel_loop3A_131 = arith.muli %parallel_loop3A_126, %parallel_loop3A_130 : i32
        %parallel_loop3A_132 = arith.constant 8192 : i32
        %parallel_loop3A_133 = arith.addi %parallel_loop3A_132, %parallel_loop3A_131 : i32
        %parallel_loop3A_134 = arith.index_cast %parallel_loop3A_133 : i32 to index
        %parallel_loop3A_135 = tpu.vector_load %arg16[%parallel_loop3A_134] {strides = array<i32>} : memref<16384xf32, #tpu.memory_space<vmem>>, vector<16xf32>,
        %parallel_loop3A_136 = arith.addi %get3A_52, %parallel_loop3A_129 : vector<16xi32>
        %parallel_loop3A_137 = tpu.vector_load_idx %arg15[%parallel_loop3A_136] : memref<16384xf32, #tpu.memory_space<vmem>>[vector<16xi32>], vector<16xf32>,
        %parallel_loop3A_138 = arith.mulf %parallel_loop3A_121#0, %parallel_loop3A_135 : vector<16xf32>
        %parallel_loop3A_139 = arith.addf %parallel_loop3A_137, %parallel_loop3A_138 : vector<16xf32>
        %parallel_loop3A_140 = arith.constant 0.000000e+00 : f32
        %parallel_loop3A_141 = vector.broadcast %parallel_loop3A_140 : f32 to vector<16xf32>
        %parallel_loop3A_142 = arith.maximumf %parallel_loop3A_139, %parallel_loop3A_141 : vector<16xf32>
        tpu.vector_store_idx %arg17[%parallel_loop3A_136], %parallel_loop3A_142 {add = true} : memref<32768xf32, #tpu.memory_space<vmem>>[vector<16xi32>], vector<16xf32>,
        %parallel_loop3A_143 = arith.addi %get3A_68, %parallel_loop3A_129 : vector<16xi32>
        %parallel_loop3A_144 = tpu.vector_load_idx %arg15[%parallel_loop3A_143] : memref<16384xf32, #tpu.memory_space<vmem>>[vector<16xi32>], vector<16xf32>,
        %parallel_loop3A_145 = arith.mulf %parallel_loop3A_121#1, %parallel_loop3A_135 : vector<16xf32>
        %parallel_loop3A_146 = arith.addf %parallel_loop3A_144, %parallel_loop3A_145 : vector<16xf32>
        %parallel_loop3A_147 = arith.constant 0.000000e+00 : f32
        %parallel_loop3A_148 = vector.broadcast %parallel_loop3A_147 : f32 to vector<16xf32>
        %parallel_loop3A_149 = arith.maximumf %parallel_loop3A_146, %parallel_loop3A_148 : vector<16xf32>
        tpu.vector_store_idx %arg17[%parallel_loop3A_143], %parallel_loop3A_149 {add = true} : memref<32768xf32, #tpu.memory_space<vmem>>[vector<16xi32>], vector<16xf32>,
        %parallel_loop3A_150 = arith.addi %get3A_84, %parallel_loop3A_129 : vector<16xi32>
        %parallel_loop3A_151 = tpu.vector_load_idx %arg15[%parallel_loop3A_150] : memref<16384xf32, #tpu.memory_space<vmem>>[vector<16xi32>], vector<16xf32>,
        %parallel_loop3A_152 = arith.mulf %parallel_loop3A_121#2, %parallel_loop3A_135 : vector<16xf32>
        %parallel_loop3A_153 = arith.addf %parallel_loop3A_151, %parallel_loop3A_152 : vector<16xf32>
        %parallel_loop3A_154 = arith.constant 0.000000e+00 : f32
        %parallel_loop3A_155 = vector.broadcast %parallel_loop3A_154 : f32 to vector<16xf32>
        %parallel_loop3A_156 = arith.maximumf %parallel_loop3A_153, %parallel_loop3A_155 : vector<16xf32>
        tpu.vector_store_idx %arg17[%parallel_loop3A_150], %parallel_loop3A_156 {add = true} : memref<32768xf32, #tpu.memory_space<vmem>>[vector<16xi32>], vector<16xf32>,
        %parallel_loop3A_157 = arith.addi %get3A_100, %parallel_loop3A_129 : vector<16xi32>
        %parallel_loop3A_158 = tpu.vector_load_idx %arg15[%parallel_loop3A_157] : memref<16384xf32, #tpu.memory_space<vmem>>[vector<16xi32>], vector<16xf32>,
        %parallel_loop3A_159 = arith.mulf %parallel_loop3A_121#3, %parallel_loop3A_135 : vector<16xf32>
        %parallel_loop3A_160 = arith.addf %parallel_loop3A_158, %parallel_loop3A_159 : vector<16xf32>
        %parallel_loop3A_161 = arith.constant 0.000000e+00 : f32
        %parallel_loop3A_162 = vector.broadcast %parallel_loop3A_161 : f32 to vector<16xf32>
        %parallel_loop3A_163 = arith.maximumf %parallel_loop3A_160, %parallel_loop3A_162 : vector<16xf32>
        tpu.vector_store_idx %arg17[%parallel_loop3A_157], %parallel_loop3A_163 {add = true} : memref<32768xf32, #tpu.memory_space<vmem>>[vector<16xi32>], vector<16xf32>,
      } {sc.loop_unroll_factor = 2 : i64, sc.parallel_access}
      tpu.vector_store_idx %arg17[%add3A_58], %broadcast_in_dim3A_32 {add = true} : memref<32768xf32, #tpu.memory_space<vmem>>[vector<16xi32>], vector<16xf32>,
      tpu.vector_store_idx %arg17[%add3A_74], %broadcast_in_dim3A_32 {add = true} : memref<32768xf32, #tpu.memory_space<vmem>>[vector<16xi32>], vector<16xf32>,
      tpu.vector_store_idx %arg17[%add3A_90], %broadcast_in_dim3A_32 {add = true} : memref<32768xf32, #tpu.memory_space<vmem>>[vector<16xi32>], vector<16xf32>,
      tpu.vector_store_idx %arg17[%add3A_106], %broadcast_in_dim3A_32 {add = true} : memref<32768xf32, #tpu.memory_space<vmem>>[vector<16xi32>], vector<16xf32>,
      %scan3A_125 = arith.constant 0 : i32
      scf.yield %scan3A_125 : i32
    }
    %scan3A_38 = arith.constant 49 : i32
    %mul3A_39 = arith.constant 16 : i32
    %mul3A_40 = arith.muli %arg0, %mul3A_39 : i32
    %add3A_41 = arith.addi %mul3A_40, %arg1 : i32
    %mul3A_42 = arith.constant 32768 : i32
    %mul3A_43 = arith.muli %add3A_41, %mul3A_42 : i32
    "tpu.region"() ({
      %run_scoped3A = tpu.sem_alloc : memref<!tpu.dma_semaphore, #tpu.memory_space<semaphore_mem>>
      %dma_start3A = tpu.memref_slice %arg8[%mul3A_43] : memref<1048576xf32, #tpu.memory_space<hbm>> -> memref<32768xf32, #tpu.memory_space<hbm>>
      %dma_start3A_44 = tpu.memref_slice %arg8[%mul3A_43] : memref<1048576xf32, #tpu.memory_space<hbm>> -> memref<32768xf32, #tpu.memory_space<hbm>>
      tpu.enqueue_dma source(%arg17 : memref<32768xf32, #tpu.memory_space<vmem>>) target(%dma_start3A_44 : memref<32768xf32, #tpu.memory_space<hbm>>) target_semaphore(%run_scoped3A : memref<!tpu.dma_semaphore, #tpu.memory_space<semaphore_mem>>)
      %dma_wait3A = tpu.memref_slice %arg8[%mul3A_43] : memref<1048576xf32, #tpu.memory_space<hbm>> -> memref<32768xf32, #tpu.memory_space<hbm>>
      %dma_wait3A_45 = tpu.memref_slice %arg8[%mul3A_43] : memref<1048576xf32, #tpu.memory_space<hbm>> -> memref<32768xf32, #tpu.memory_space<hbm>>
      tpu.wait_dma2 semaphore(%run_scoped3A : memref<!tpu.dma_semaphore, #tpu.memory_space<semaphore_mem>>) src(%arg17 : memref<32768xf32, #tpu.memory_space<vmem>>) dst(%dma_wait3A_45 : memref<32768xf32, #tpu.memory_space<hbm>>)
      tpu.yield
    }) : () -> ()
    return
  }
}

#map = affine_map<(d0, d1) -> (0)>
module attributes {stable_mosaic.version = 14 : i64} {
  func.func @_sc_edge_body(%arg0: i32, %arg1: i32, %arg2: memref<50176xi32, #tpu.memory_space<hbm>>, %arg3: memref<50176xi32, #tpu.memory_space<hbm>>, %arg4: memref<50176xf32, #tpu.memory_space<hbm>>, %arg5: memref<98304xf32, #tpu.memory_space<hbm>>, %arg6: memref<32768xf32, #tpu.memory_space<hbm>>, %arg7: memref<32768xf32, #tpu.memory_space<hbm>>, %arg8: memref<1048576xf32, #tpu.memory_space<hbm>>, %arg9: memref<200704xf32, #tpu.memory_space<hbm>>, %arg10: memref<3136xi32, #tpu.memory_space<vmem>>, %arg11: memref<3136xi32, #tpu.memory_space<vmem>>, %arg12: memref<3136xf32, #tpu.memory_space<vmem>>, %arg13: memref<3136xf32, #tpu.memory_space<vmem>>, %arg14: memref<16384xf32, #tpu.memory_space<vmem>>, %arg15: memref<16384xf32, #tpu.memory_space<vmem>>, %arg16: memref<16384xf32, #tpu.memory_space<vmem>>, %arg17: memref<16384xf32, #tpu.memory_space<vmem>>, %arg18: memref<32768xf32, #tpu.memory_space<vmem>>, %arg19: memref<3136xf32, #tpu.memory_space<vmem>>, %arg20: memref<3136xf32, #tpu.memory_space<vmem>>) attributes {dimension_semantics = [#tpu.dimension_semantics<core_parallel>, #tpu.dimension_semantics<subcore_parallel>], iteration_bounds = array<i64: 2, 16>, scalar_prefetch = 0 : i64, scratch_operands = 11 : i64, tpu.core_type = #tpu.core_type<sc_vector_subcore>, window_params = [{transform_indices = #map}, {transform_indices = #map}, {transform_indices = #map}, {transform_indices = #map}, {transform_indices = #map}, {transform_indices = #map}, {transform_indices = #map}, {transform_indices = #map}]} {
    %mul3A = arith.constant 3136 : i32
    %mul3A_0 = arith.muli %arg1, %mul3A : i32
    "tpu.region"() ({
      %run_scoped3A = tpu.sem_alloc : memref<!tpu.dma_semaphore, #tpu.memory_space<semaphore_mem>>
      %dma_start3A = tpu.memref_slice %arg2[%mul3A_0] : memref<50176xi32, #tpu.memory_space<hbm>> -> memref<3136xi32, #tpu.memory_space<hbm>>
      %dma_start3A_44 = tpu.memref_slice %arg2[%mul3A_0] : memref<50176xi32, #tpu.memory_space<hbm>> -> memref<3136xi32, #tpu.memory_space<hbm>>
      tpu.enqueue_dma source(%dma_start3A_44 : memref<3136xi32, #tpu.memory_space<hbm>>) target(%arg10 : memref<3136xi32, #tpu.memory_space<vmem>>) target_semaphore(%run_scoped3A : memref<!tpu.dma_semaphore, #tpu.memory_space<semaphore_mem>>)
      %dma_wait3A = tpu.memref_slice %arg2[%mul3A_0] : memref<50176xi32, #tpu.memory_space<hbm>> -> memref<3136xi32, #tpu.memory_space<hbm>>
      %dma_wait3A_45 = tpu.memref_slice %arg2[%mul3A_0] : memref<50176xi32, #tpu.memory_space<hbm>> -> memref<3136xi32, #tpu.memory_space<hbm>>
      tpu.wait_dma2 semaphore(%run_scoped3A : memref<!tpu.dma_semaphore, #tpu.memory_space<semaphore_mem>>) src(%dma_wait3A_45 : memref<3136xi32, #tpu.memory_space<hbm>>) dst(%arg10 : memref<3136xi32, #tpu.memory_space<vmem>>)
      tpu.yield
    }) : () -> ()
    "tpu.region"() ({
      %run_scoped3A = tpu.sem_alloc : memref<!tpu.dma_semaphore, #tpu.memory_space<semaphore_mem>>
      %dma_start3A = tpu.memref_slice %arg3[%mul3A_0] : memref<50176xi32, #tpu.memory_space<hbm>> -> memref<3136xi32, #tpu.memory_space<hbm>>
      %dma_start3A_44 = tpu.memref_slice %arg3[%mul3A_0] : memref<50176xi32, #tpu.memory_space<hbm>> -> memref<3136xi32, #tpu.memory_space<hbm>>
      tpu.enqueue_dma source(%dma_start3A_44 : memref<3136xi32, #tpu.memory_space<hbm>>) target(%arg11 : memref<3136xi32, #tpu.memory_space<vmem>>) target_semaphore(%run_scoped3A : memref<!tpu.dma_semaphore, #tpu.memory_space<semaphore_mem>>)
      %dma_wait3A = tpu.memref_slice %arg3[%mul3A_0] : memref<50176xi32, #tpu.memory_space<hbm>> -> memref<3136xi32, #tpu.memory_space<hbm>>
      %dma_wait3A_45 = tpu.memref_slice %arg3[%mul3A_0] : memref<50176xi32, #tpu.memory_space<hbm>> -> memref<3136xi32, #tpu.memory_space<hbm>>
      tpu.wait_dma2 semaphore(%run_scoped3A : memref<!tpu.dma_semaphore, #tpu.memory_space<semaphore_mem>>) src(%dma_wait3A_45 : memref<3136xi32, #tpu.memory_space<hbm>>) dst(%arg11 : memref<3136xi32, #tpu.memory_space<vmem>>)
      tpu.yield
    }) : () -> ()
    "tpu.region"() ({
      %run_scoped3A = tpu.sem_alloc : memref<!tpu.dma_semaphore, #tpu.memory_space<semaphore_mem>>
      %dma_start3A = tpu.memref_slice %arg4[%mul3A_0] : memref<50176xf32, #tpu.memory_space<hbm>> -> memref<3136xf32, #tpu.memory_space<hbm>>
      %dma_start3A_44 = tpu.memref_slice %arg4[%mul3A_0] : memref<50176xf32, #tpu.memory_space<hbm>> -> memref<3136xf32, #tpu.memory_space<hbm>>
      tpu.enqueue_dma source(%dma_start3A_44 : memref<3136xf32, #tpu.memory_space<hbm>>) target(%arg12 : memref<3136xf32, #tpu.memory_space<vmem>>) target_semaphore(%run_scoped3A : memref<!tpu.dma_semaphore, #tpu.memory_space<semaphore_mem>>)
      %dma_wait3A = tpu.memref_slice %arg4[%mul3A_0] : memref<50176xf32, #tpu.memory_space<hbm>> -> memref<3136xf32, #tpu.memory_space<hbm>>
      %dma_wait3A_45 = tpu.memref_slice %arg4[%mul3A_0] : memref<50176xf32, #tpu.memory_space<hbm>> -> memref<3136xf32, #tpu.memory_space<hbm>>
      tpu.wait_dma2 semaphore(%run_scoped3A : memref<!tpu.dma_semaphore, #tpu.memory_space<semaphore_mem>>) src(%dma_wait3A_45 : memref<3136xf32, #tpu.memory_space<hbm>>) dst(%arg12 : memref<3136xf32, #tpu.memory_space<vmem>>)
      tpu.yield
    }) : () -> ()
    %mul3A_1 = arith.constant 3 : i32
    %mul3A_2 = arith.muli %arg0, %mul3A_1 : i32
    %add3A = arith.constant 0 : i32
    %add3A_3 = arith.addi %mul3A_2, %add3A : i32
    %mul3A_4 = arith.constant 16384 : i32
    %mul3A_5 = arith.muli %add3A_3, %mul3A_4 : i32
    "tpu.region"() ({
      %run_scoped3A = tpu.sem_alloc : memref<!tpu.dma_semaphore, #tpu.memory_space<semaphore_mem>>
      %dma_start3A = tpu.memref_slice %arg5[%mul3A_5] : memref<98304xf32, #tpu.memory_space<hbm>> -> memref<16384xf32, #tpu.memory_space<hbm>>
      %dma_start3A_44 = tpu.memref_slice %arg5[%mul3A_5] : memref<98304xf32, #tpu.memory_space<hbm>> -> memref<16384xf32, #tpu.memory_space<hbm>>
      tpu.enqueue_dma source(%dma_start3A_44 : memref<16384xf32, #tpu.memory_space<hbm>>) target(%arg14 : memref<16384xf32, #tpu.memory_space<vmem>>) target_semaphore(%run_scoped3A : memref<!tpu.dma_semaphore, #tpu.memory_space<semaphore_mem>>)
      %dma_wait3A = tpu.memref_slice %arg5[%mul3A_5] : memref<98304xf32, #tpu.memory_space<hbm>> -> memref<16384xf32, #tpu.memory_space<hbm>>
      %dma_wait3A_45 = tpu.memref_slice %arg5[%mul3A_5] : memref<98304xf32, #tpu.memory_space<hbm>> -> memref<16384xf32, #tpu.memory_space<hbm>>
      tpu.wait_dma2 semaphore(%run_scoped3A : memref<!tpu.dma_semaphore, #tpu.memory_space<semaphore_mem>>) src(%dma_wait3A_45 : memref<16384xf32, #tpu.memory_space<hbm>>) dst(%arg14 : memref<16384xf32, #tpu.memory_space<vmem>>)
      tpu.yield
    }) : () -> ()
    %mul3A_6 = arith.constant 3 : i32
    %mul3A_7 = arith.muli %arg0, %mul3A_6 : i32
    %add3A_8 = arith.constant 1 : i32
    %add3A_9 = arith.addi %mul3A_7, %add3A_8 : i32
    %mul3A_10 = arith.constant 16384 : i32
    %mul3A_11 = arith.muli %add3A_9, %mul3A_10 : i32
    "tpu.region"() ({
      %run_scoped3A = tpu.sem_alloc : memref<!tpu.dma_semaphore, #tpu.memory_space<semaphore_mem>>
      %dma_start3A = tpu.memref_slice %arg5[%mul3A_11] : memref<98304xf32, #tpu.memory_space<hbm>> -> memref<16384xf32, #tpu.memory_space<hbm>>
      %dma_start3A_44 = tpu.memref_slice %arg5[%mul3A_11] : memref<98304xf32, #tpu.memory_space<hbm>> -> memref<16384xf32, #tpu.memory_space<hbm>>
      tpu.enqueue_dma source(%dma_start3A_44 : memref<16384xf32, #tpu.memory_space<hbm>>) target(%arg15 : memref<16384xf32, #tpu.memory_space<vmem>>) target_semaphore(%run_scoped3A : memref<!tpu.dma_semaphore, #tpu.memory_space<semaphore_mem>>)
      %dma_wait3A = tpu.memref_slice %arg5[%mul3A_11] : memref<98304xf32, #tpu.memory_space<hbm>> -> memref<16384xf32, #tpu.memory_space<hbm>>
      %dma_wait3A_45 = tpu.memref_slice %arg5[%mul3A_11] : memref<98304xf32, #tpu.memory_space<hbm>> -> memref<16384xf32, #tpu.memory_space<hbm>>
      tpu.wait_dma2 semaphore(%run_scoped3A : memref<!tpu.dma_semaphore, #tpu.memory_space<semaphore_mem>>) src(%dma_wait3A_45 : memref<16384xf32, #tpu.memory_space<hbm>>) dst(%arg15 : memref<16384xf32, #tpu.memory_space<vmem>>)
      tpu.yield
    }) : () -> ()
    %mul3A_12 = arith.constant 3 : i32
    %mul3A_13 = arith.muli %arg0, %mul3A_12 : i32
    %add3A_14 = arith.constant 2 : i32
    %add3A_15 = arith.addi %mul3A_13, %add3A_14 : i32
    %mul3A_16 = arith.constant 16384 : i32
    %mul3A_17 = arith.muli %add3A_15, %mul3A_16 : i32
    "tpu.region"() ({
      %run_scoped3A = tpu.sem_alloc : memref<!tpu.dma_semaphore, #tpu.memory_space<semaphore_mem>>
      %dma_start3A = tpu.memref_slice %arg5[%mul3A_17] : memref<98304xf32, #tpu.memory_space<hbm>> -> memref<16384xf32, #tpu.memory_space<hbm>>
      %dma_start3A_44 = tpu.memref_slice %arg5[%mul3A_17] : memref<98304xf32, #tpu.memory_space<hbm>> -> memref<16384xf32, #tpu.memory_space<hbm>>
      tpu.enqueue_dma source(%dma_start3A_44 : memref<16384xf32, #tpu.memory_space<hbm>>) target(%arg16 : memref<16384xf32, #tpu.memory_space<vmem>>) target_semaphore(%run_scoped3A : memref<!tpu.dma_semaphore, #tpu.memory_space<semaphore_mem>>)
      %dma_wait3A = tpu.memref_slice %arg5[%mul3A_17] : memref<98304xf32, #tpu.memory_space<hbm>> -> memref<16384xf32, #tpu.memory_space<hbm>>
      %dma_wait3A_45 = tpu.memref_slice %arg5[%mul3A_17] : memref<98304xf32, #tpu.memory_space<hbm>> -> memref<16384xf32, #tpu.memory_space<hbm>>
      tpu.wait_dma2 semaphore(%run_scoped3A : memref<!tpu.dma_semaphore, #tpu.memory_space<semaphore_mem>>) src(%dma_wait3A_45 : memref<16384xf32, #tpu.memory_space<hbm>>) dst(%arg16 : memref<16384xf32, #tpu.memory_space<vmem>>)
      tpu.yield
    }) : () -> ()
    %mul3A_18 = arith.constant 16384 : i32
    %mul3A_19 = arith.muli %arg0, %mul3A_18 : i32
    "tpu.region"() ({
      %run_scoped3A = tpu.sem_alloc : memref<!tpu.dma_semaphore, #tpu.memory_space<semaphore_mem>>
      %dma_start3A = tpu.memref_slice %arg6[%mul3A_19] : memref<32768xf32, #tpu.memory_space<hbm>> -> memref<16384xf32, #tpu.memory_space<hbm>>
      %dma_start3A_44 = tpu.memref_slice %arg6[%mul3A_19] : memref<32768xf32, #tpu.memory_space<hbm>> -> memref<16384xf32, #tpu.memory_space<hbm>>
      tpu.enqueue_dma source(%dma_start3A_44 : memref<16384xf32, #tpu.memory_space<hbm>>) target(%arg17 : memref<16384xf32, #tpu.memory_space<vmem>>) target_semaphore(%run_scoped3A : memref<!tpu.dma_semaphore, #tpu.memory_space<semaphore_mem>>)
      %dma_wait3A = tpu.memref_slice %arg6[%mul3A_19] : memref<32768xf32, #tpu.memory_space<hbm>> -> memref<16384xf32, #tpu.memory_space<hbm>>
      %dma_wait3A_45 = tpu.memref_slice %arg6[%mul3A_19] : memref<32768xf32, #tpu.memory_space<hbm>> -> memref<16384xf32, #tpu.memory_space<hbm>>
      tpu.wait_dma2 semaphore(%run_scoped3A : memref<!tpu.dma_semaphore, #tpu.memory_space<semaphore_mem>>) src(%dma_wait3A_45 : memref<16384xf32, #tpu.memory_space<hbm>>) dst(%arg17 : memref<16384xf32, #tpu.memory_space<vmem>>)
      tpu.yield
    }) : () -> ()
    "tpu.region"() ({
      %run_scoped3A = tpu.sem_alloc : memref<!tpu.dma_semaphore, #tpu.memory_space<semaphore_mem>>
      tpu.enqueue_dma source(%arg7 : memref<32768xf32, #tpu.memory_space<hbm>>) target(%arg18 : memref<32768xf32, #tpu.memory_space<vmem>>) target_semaphore(%run_scoped3A : memref<!tpu.dma_semaphore, #tpu.memory_space<semaphore_mem>>)
      tpu.wait_dma2 semaphore(%run_scoped3A : memref<!tpu.dma_semaphore, #tpu.memory_space<semaphore_mem>>) src(%arg7 : memref<32768xf32, #tpu.memory_space<hbm>>) dst(%arg18 : memref<32768xf32, #tpu.memory_space<vmem>>)
      tpu.yield
    }) : () -> ()
    %broadcast_in_dim3A = arith.constant 1.000000e+00 : f32
    %broadcast_in_dim3A_20 = vector.broadcast %broadcast_in_dim3A : f32 to vector<16xf32>
    %scan3A = arith.constant 0 : i32
    %scan3A_21 = arith.constant 0 : i32
    %scan3A_22 = arith.constant 49 : i32
    %scan3A_23 = arith.addi %scan3A_21, %scan3A_22 : i32
    %scan3A_24 = arith.constant 1 : i32
    %scan3A_25 = scf.for %scan3A_44 = %scan3A_21 to %scan3A_23 step %scan3A_24 iter_args(%scan3A_45 = %scan3A) -> (i32)  : i32 {
      %mul3A_46 = arith.constant 64 : i32
      %mul3A_47 = arith.muli %scan3A_44, %mul3A_46 : i32
      %add3A_48 = arith.constant 0 : i32
      %add3A_49 = arith.addi %mul3A_47, %add3A_48 : i32
      %get3A = arith.index_cast %add3A_49 : i32 to index
      %get3A_50 = tpu.vector_load %arg10[%get3A] {strides = array<i32>} : memref<3136xi32, #tpu.memory_space<vmem>>, vector<16xi32>,
      %get3A_51 = arith.index_cast %add3A_49 : i32 to index
      %get3A_52 = tpu.vector_load %arg11[%get3A_51] {strides = array<i32>} : memref<3136xi32, #tpu.memory_space<vmem>>, vector<16xi32>,
      %mul3A_53 = arith.constant 128 : i32
      %mul3A_54 = vector.broadcast %mul3A_53 : i32 to vector<16xi32>
      %mul3A_55 = arith.muli %get3A_52, %mul3A_54 : vector<16xi32>
      %add3A_56 = arith.constant 16384 : i32
      %add3A_57 = vector.broadcast %add3A_56 : i32 to vector<16xi32>
      %add3A_58 = arith.addi %mul3A_55, %add3A_57 : vector<16xi32>
      %get3A_59 = arith.index_cast %add3A_49 : i32 to index
      %get3A_60 = tpu.vector_load %arg12[%get3A_59] {strides = array<i32>} : memref<3136xf32, #tpu.memory_space<vmem>>, vector<16xf32>,
      %add3A_61 = arith.constant 16 : i32
      %add3A_62 = arith.addi %mul3A_47, %add3A_61 : i32
      %get3A_63 = arith.index_cast %add3A_62 : i32 to index
      %get3A_64 = tpu.vector_load %arg10[%get3A_63] {strides = array<i32>} : memref<3136xi32, #tpu.memory_space<vmem>>, vector<16xi32>,
      %get3A_65 = arith.index_cast %add3A_62 : i32 to index
      %get3A_66 = tpu.vector_load %arg11[%get3A_65] {strides = array<i32>} : memref<3136xi32, #tpu.memory_space<vmem>>, vector<16xi32>,
      %mul3A_67 = arith.constant 128 : i32
      %mul3A_68 = vector.broadcast %mul3A_67 : i32 to vector<16xi32>
      %mul3A_69 = arith.muli %get3A_66, %mul3A_68 : vector<16xi32>
      %add3A_70 = arith.constant 16384 : i32
      %add3A_71 = vector.broadcast %add3A_70 : i32 to vector<16xi32>
      %add3A_72 = arith.addi %mul3A_69, %add3A_71 : vector<16xi32>
      %get3A_73 = arith.index_cast %add3A_62 : i32 to index
      %get3A_74 = tpu.vector_load %arg12[%get3A_73] {strides = array<i32>} : memref<3136xf32, #tpu.memory_space<vmem>>, vector<16xf32>,
      %add3A_75 = arith.constant 32 : i32
      %add3A_76 = arith.addi %mul3A_47, %add3A_75 : i32
      %get3A_77 = arith.index_cast %add3A_76 : i32 to index
      %get3A_78 = tpu.vector_load %arg10[%get3A_77] {strides = array<i32>} : memref<3136xi32, #tpu.memory_space<vmem>>, vector<16xi32>,
      %get3A_79 = arith.index_cast %add3A_76 : i32 to index
      %get3A_80 = tpu.vector_load %arg11[%get3A_79] {strides = array<i32>} : memref<3136xi32, #tpu.memory_space<vmem>>, vector<16xi32>,
      %mul3A_81 = arith.constant 128 : i32
      %mul3A_82 = vector.broadcast %mul3A_81 : i32 to vector<16xi32>
      %mul3A_83 = arith.muli %get3A_80, %mul3A_82 : vector<16xi32>
      %add3A_84 = arith.constant 16384 : i32
      %add3A_85 = vector.broadcast %add3A_84 : i32 to vector<16xi32>
      %add3A_86 = arith.addi %mul3A_83, %add3A_85 : vector<16xi32>
      %get3A_87 = arith.index_cast %add3A_76 : i32 to index
      %get3A_88 = tpu.vector_load %arg12[%get3A_87] {strides = array<i32>} : memref<3136xf32, #tpu.memory_space<vmem>>, vector<16xf32>,
      %add3A_89 = arith.constant 48 : i32
      %add3A_90 = arith.addi %mul3A_47, %add3A_89 : i32
      %get3A_91 = arith.index_cast %add3A_90 : i32 to index
      %get3A_92 = tpu.vector_load %arg10[%get3A_91] {strides = array<i32>} : memref<3136xi32, #tpu.memory_space<vmem>>, vector<16xi32>,
      %get3A_93 = arith.index_cast %add3A_90 : i32 to index
      %get3A_94 = tpu.vector_load %arg11[%get3A_93] {strides = array<i32>} : memref<3136xi32, #tpu.memory_space<vmem>>, vector<16xi32>,
      %mul3A_95 = arith.constant 128 : i32
      %mul3A_96 = vector.broadcast %mul3A_95 : i32 to vector<16xi32>
      %mul3A_97 = arith.muli %get3A_94, %mul3A_96 : vector<16xi32>
      %add3A_98 = arith.constant 16384 : i32
      %add3A_99 = vector.broadcast %add3A_98 : i32 to vector<16xi32>
      %add3A_100 = arith.addi %mul3A_97, %add3A_99 : vector<16xi32>
      %get3A_101 = arith.index_cast %add3A_90 : i32 to index
      %get3A_102 = tpu.vector_load %arg12[%get3A_101] {strides = array<i32>} : memref<3136xf32, #tpu.memory_space<vmem>>, vector<16xf32>,
      %get3A_103 = arith.constant 12288 : index
      %get3A_104 = tpu.vector_load %arg17[%get3A_103] {strides = array<i32>} : memref<16384xf32, #tpu.memory_space<vmem>>, vector<16xf32>,
      %get3A_105 = arith.constant 12304 : index
      %get3A_106 = tpu.vector_load %arg17[%get3A_105] {strides = array<i32>} : memref<16384xf32, #tpu.memory_space<vmem>>, vector<16xf32>,
      %get3A_107 = arith.constant 12288 : index
      %get3A_108 = tpu.vector_load %arg17[%get3A_107] {strides = array<i32>} : memref<16384xf32, #tpu.memory_space<vmem>>, vector<16xf32>,
      %get3A_109 = arith.constant 12304 : index
      %get3A_110 = tpu.vector_load %arg17[%get3A_109] {strides = array<i32>} : memref<16384xf32, #tpu.memory_space<vmem>>, vector<16xf32>,
      %get3A_111 = arith.constant 12288 : index
      %get3A_112 = tpu.vector_load %arg17[%get3A_111] {strides = array<i32>} : memref<16384xf32, #tpu.memory_space<vmem>>, vector<16xf32>,
      %get3A_113 = arith.constant 12304 : index
      %get3A_114 = tpu.vector_load %arg17[%get3A_113] {strides = array<i32>} : memref<16384xf32, #tpu.memory_space<vmem>>, vector<16xf32>,
      %get3A_115 = arith.constant 12288 : index
      %get3A_116 = tpu.vector_load %arg17[%get3A_115] {strides = array<i32>} : memref<16384xf32, #tpu.memory_space<vmem>>, vector<16xf32>,
      %get3A_117 = arith.constant 12304 : index
      %get3A_118 = tpu.vector_load %arg17[%get3A_117] {strides = array<i32>} : memref<16384xf32, #tpu.memory_space<vmem>>, vector<16xf32>,
      %parallel_loop3A = arith.constant 0 : i32
      %parallel_loop3A_119 = arith.constant 128 : i32
      %parallel_loop3A_120 = arith.constant 1 : i32
      %parallel_loop3A_121:8 = scf.for %parallel_loop3A_149 = %parallel_loop3A to %parallel_loop3A_119 step %parallel_loop3A_120 iter_args(%parallel_loop3A_150 = %get3A_104, %parallel_loop3A_151 = %get3A_106, %parallel_loop3A_152 = %get3A_108, %parallel_loop3A_153 = %get3A_110, %parallel_loop3A_154 = %get3A_112, %parallel_loop3A_155 = %get3A_114, %parallel_loop3A_156 = %get3A_116, %parallel_loop3A_157 = %get3A_118) -> (vector<16xf32>, vector<16xf32>, vector<16xf32>, vector<16xf32>, vector<16xf32>, vector<16xf32>, vector<16xf32>, vector<16xf32>)  : i32 {
        %parallel_loop3A_158 = arith.constant 128 : i32
        %parallel_loop3A_159 = arith.muli %parallel_loop3A_149, %parallel_loop3A_158 : i32
        %parallel_loop3A_160 = vector.broadcast %parallel_loop3A_159 : i32 to vector<16xi32>
        %parallel_loop3A_161 = arith.constant 16 : i32
        %parallel_loop3A_162 = arith.muli %parallel_loop3A_149, %parallel_loop3A_161 : i32
        %parallel_loop3A_163 = arith.constant 0 : i32
        %parallel_loop3A_164 = arith.addi %parallel_loop3A_163, %parallel_loop3A_162 : i32
        %parallel_loop3A_165 = arith.index_cast %parallel_loop3A_164 : i32 to index
        %parallel_loop3A_166 = tpu.vector_load %arg17[%parallel_loop3A_165] {strides = array<i32>} : memref<16384xf32, #tpu.memory_space<vmem>>, vector<16xf32>,
        %parallel_loop3A_167 = arith.constant 4096 : i32
        %parallel_loop3A_168 = arith.addi %parallel_loop3A_167, %parallel_loop3A_162 : i32
        %parallel_loop3A_169 = arith.index_cast %parallel_loop3A_168 : i32 to index
        %parallel_loop3A_170 = tpu.vector_load %arg17[%parallel_loop3A_169] {strides = array<i32>} : memref<16384xf32, #tpu.memory_space<vmem>>, vector<16xf32>,
        %parallel_loop3A_171 = arith.constant 6144 : i32
        %parallel_loop3A_172 = arith.addi %parallel_loop3A_171, %parallel_loop3A_162 : i32
        %parallel_loop3A_173 = arith.index_cast %parallel_loop3A_172 : i32 to index
        %parallel_loop3A_174 = tpu.vector_load %arg17[%parallel_loop3A_173] {strides = array<i32>} : memref<16384xf32, #tpu.memory_space<vmem>>, vector<16xf32>,
        %parallel_loop3A_175 = arith.addi %get3A_50, %parallel_loop3A_160 : vector<16xi32>
        %parallel_loop3A_176 = tpu.vector_load_idx %arg14[%parallel_loop3A_175] : memref<16384xf32, #tpu.memory_space<vmem>>[vector<16xi32>], vector<16xf32>,
        %parallel_loop3A_177 = arith.addi %get3A_52, %parallel_loop3A_160 : vector<16xi32>
        %parallel_loop3A_178 = tpu.vector_load_idx %arg15[%parallel_loop3A_177] : memref<16384xf32, #tpu.memory_space<vmem>>[vector<16xi32>], vector<16xf32>,
        %parallel_loop3A_179 = arith.addf %parallel_loop3A_176, %parallel_loop3A_178 : vector<16xf32>
        %parallel_loop3A_180 = arith.mulf %get3A_60, %parallel_loop3A_166 : vector<16xf32>
        %parallel_loop3A_181 = arith.addf %parallel_loop3A_179, %parallel_loop3A_180 : vector<16xf32>
        %parallel_loop3A_182 = arith.constant 0.000000e+00 : f32
        %parallel_loop3A_183 = vector.broadcast %parallel_loop3A_182 : f32 to vector<16xf32>
        %parallel_loop3A_184 = arith.maximumf %parallel_loop3A_181, %parallel_loop3A_183 : vector<16xf32>
        %parallel_loop3A_185 = arith.mulf %parallel_loop3A_184, %parallel_loop3A_170 : vector<16xf32>
        %parallel_loop3A_186 = arith.addf %parallel_loop3A_150, %parallel_loop3A_185 : vector<16xf32>
        %parallel_loop3A_187 = arith.mulf %parallel_loop3A_184, %parallel_loop3A_174 : vector<16xf32>
        %parallel_loop3A_188 = arith.addf %parallel_loop3A_151, %parallel_loop3A_187 : vector<16xf32>
        %parallel_loop3A_189 = arith.addi %get3A_64, %parallel_loop3A_160 : vector<16xi32>
        %parallel_loop3A_190 = tpu.vector_load_idx %arg14[%parallel_loop3A_189] : memref<16384xf32, #tpu.memory_space<vmem>>[vector<16xi32>], vector<16xf32>,
        %parallel_loop3A_191 = arith.addi %get3A_66, %parallel_loop3A_160 : vector<16xi32>
        %parallel_loop3A_192 = tpu.vector_load_idx %arg15[%parallel_loop3A_191] : memref<16384xf32, #tpu.memory_space<vmem>>[vector<16xi32>], vector<16xf32>,
        %parallel_loop3A_193 = arith.addf %parallel_loop3A_190, %parallel_loop3A_192 : vector<16xf32>
        %parallel_loop3A_194 = arith.mulf %get3A_74, %parallel_loop3A_166 : vector<16xf32>
        %parallel_loop3A_195 = arith.addf %parallel_loop3A_193, %parallel_loop3A_194 : vector<16xf32>
        %parallel_loop3A_196 = arith.constant 0.000000e+00 : f32
        %parallel_loop3A_197 = vector.broadcast %parallel_loop3A_196 : f32 to vector<16xf32>
        %parallel_loop3A_198 = arith.maximumf %parallel_loop3A_195, %parallel_loop3A_197 : vector<16xf32>
        %parallel_loop3A_199 = arith.mulf %parallel_loop3A_198, %parallel_loop3A_170 : vector<16xf32>
        %parallel_loop3A_200 = arith.addf %parallel_loop3A_152, %parallel_loop3A_199 : vector<16xf32>
        %parallel_loop3A_201 = arith.mulf %parallel_loop3A_198, %parallel_loop3A_174 : vector<16xf32>
        %parallel_loop3A_202 = arith.addf %parallel_loop3A_153, %parallel_loop3A_201 : vector<16xf32>
        %parallel_loop3A_203 = arith.addi %get3A_78, %parallel_loop3A_160 : vector<16xi32>
        %parallel_loop3A_204 = tpu.vector_load_idx %arg14[%parallel_loop3A_203] : memref<16384xf32, #tpu.memory_space<vmem>>[vector<16xi32>], vector<16xf32>,
        %parallel_loop3A_205 = arith.addi %get3A_80, %parallel_loop3A_160 : vector<16xi32>
        %parallel_loop3A_206 = tpu.vector_load_idx %arg15[%parallel_loop3A_205] : memref<16384xf32, #tpu.memory_space<vmem>>[vector<16xi32>], vector<16xf32>,
        %parallel_loop3A_207 = arith.addf %parallel_loop3A_204, %parallel_loop3A_206 : vector<16xf32>
        %parallel_loop3A_208 = arith.mulf %get3A_88, %parallel_loop3A_166 : vector<16xf32>
        %parallel_loop3A_209 = arith.addf %parallel_loop3A_207, %parallel_loop3A_208 : vector<16xf32>
        %parallel_loop3A_210 = arith.constant 0.000000e+00 : f32
        %parallel_loop3A_211 = vector.broadcast %parallel_loop3A_210 : f32 to vector<16xf32>
        %parallel_loop3A_212 = arith.maximumf %parallel_loop3A_209, %parallel_loop3A_211 : vector<16xf32>
        %parallel_loop3A_213 = arith.mulf %parallel_loop3A_212, %parallel_loop3A_170 : vector<16xf32>
        %parallel_loop3A_214 = arith.addf %parallel_loop3A_154, %parallel_loop3A_213 : vector<16xf32>
        %parallel_loop3A_215 = arith.mulf %parallel_loop3A_212, %parallel_loop3A_174 : vector<16xf32>
        %parallel_loop3A_216 = arith.addf %parallel_loop3A_155, %parallel_loop3A_215 : vector<16xf32>
        %parallel_loop3A_217 = arith.addi %get3A_92, %parallel_loop3A_160 : vector<16xi32>
        %parallel_loop3A_218 = tpu.vector_load_idx %arg14[%parallel_loop3A_217] : memref<16384xf32, #tpu.memory_space<vmem>>[vector<16xi32>], vector<16xf32>,
        %parallel_loop3A_219 = arith.addi %get3A_94, %parallel_loop3A_160 : vector<16xi32>
        %parallel_loop3A_220 = tpu.vector_load_idx %arg15[%parallel_loop3A_219] : memref<16384xf32, #tpu.memory_space<vmem>>[vector<16xi32>], vector<16xf32>,
        %parallel_loop3A_221 = arith.addf %parallel_loop3A_218, %parallel_loop3A_220 : vector<16xf32>
        %parallel_loop3A_222 = arith.mulf %get3A_102, %parallel_loop3A_166 : vector<16xf32>
        %parallel_loop3A_223 = arith.addf %parallel_loop3A_221, %parallel_loop3A_222 : vector<16xf32>
        %parallel_loop3A_224 = arith.constant 0.000000e+00 : f32
        %parallel_loop3A_225 = vector.broadcast %parallel_loop3A_224 : f32 to vector<16xf32>
        %parallel_loop3A_226 = arith.maximumf %parallel_loop3A_223, %parallel_loop3A_225 : vector<16xf32>
        %parallel_loop3A_227 = arith.mulf %parallel_loop3A_226, %parallel_loop3A_170 : vector<16xf32>
        %parallel_loop3A_228 = arith.addf %parallel_loop3A_156, %parallel_loop3A_227 : vector<16xf32>
        %parallel_loop3A_229 = arith.mulf %parallel_loop3A_226, %parallel_loop3A_174 : vector<16xf32>
        %parallel_loop3A_230 = arith.addf %parallel_loop3A_157, %parallel_loop3A_229 : vector<16xf32>
        scf.yield %parallel_loop3A_186, %parallel_loop3A_188, %parallel_loop3A_200, %parallel_loop3A_202, %parallel_loop3A_214, %parallel_loop3A_216, %parallel_loop3A_228, %parallel_loop3A_230 : vector<16xf32>, vector<16xf32>, vector<16xf32>, vector<16xf32>, vector<16xf32>, vector<16xf32>, vector<16xf32>, vector<16xf32>
      } {sc.loop_unroll_factor = 2 : i64, sc.parallel_access}
      %add3A_122 = arith.constant 0 : i32
      %add3A_123 = arith.addi %mul3A_47, %add3A_122 : i32
      %swap3A = arith.index_cast %add3A_123 : i32 to index
      %swap3A_124 = tpu.vector_load %arg19[%swap3A] {strides = array<i32>} : memref<3136xf32, #tpu.memory_space<vmem>>, vector<16xf32>,
      tpu.vector_store %arg19[%swap3A], %parallel_loop3A_121#0 {strides = array<i32>} : memref<3136xf32, #tpu.memory_space<vmem>>, vector<16xf32>,
      %swap3A_125 = arith.index_cast %add3A_123 : i32 to index
      %swap3A_126 = tpu.vector_load %arg20[%swap3A_125] {strides = array<i32>} : memref<3136xf32, #tpu.memory_space<vmem>>, vector<16xf32>,
      tpu.vector_store %arg20[%swap3A_125], %parallel_loop3A_121#1 {strides = array<i32>} : memref<3136xf32, #tpu.memory_space<vmem>>, vector<16xf32>,
      %add3A_127 = arith.constant 16 : i32
      %add3A_128 = arith.addi %mul3A_47, %add3A_127 : i32
      %swap3A_129 = arith.index_cast %add3A_128 : i32 to index
      %swap3A_130 = tpu.vector_load %arg19[%swap3A_129] {strides = array<i32>} : memref<3136xf32, #tpu.memory_space<vmem>>, vector<16xf32>,
      tpu.vector_store %arg19[%swap3A_129], %parallel_loop3A_121#2 {strides = array<i32>} : memref<3136xf32, #tpu.memory_space<vmem>>, vector<16xf32>,
      %swap3A_131 = arith.index_cast %add3A_128 : i32 to index
      %swap3A_132 = tpu.vector_load %arg20[%swap3A_131] {strides = array<i32>} : memref<3136xf32, #tpu.memory_space<vmem>>, vector<16xf32>,
      tpu.vector_store %arg20[%swap3A_131], %parallel_loop3A_121#3 {strides = array<i32>} : memref<3136xf32, #tpu.memory_space<vmem>>, vector<16xf32>,
      %add3A_133 = arith.constant 32 : i32
      %add3A_134 = arith.addi %mul3A_47, %add3A_133 : i32
      %swap3A_135 = arith.index_cast %add3A_134 : i32 to index
      %swap3A_136 = tpu.vector_load %arg19[%swap3A_135] {strides = array<i32>} : memref<3136xf32, #tpu.memory_space<vmem>>, vector<16xf32>,
      tpu.vector_store %arg19[%swap3A_135], %parallel_loop3A_121#4 {strides = array<i32>} : memref<3136xf32, #tpu.memory_space<vmem>>, vector<16xf32>,
      %swap3A_137 = arith.index_cast %add3A_134 : i32 to index
      %swap3A_138 = tpu.vector_load %arg20[%swap3A_137] {strides = array<i32>} : memref<3136xf32, #tpu.memory_space<vmem>>, vector<16xf32>,
      tpu.vector_store %arg20[%swap3A_137], %parallel_loop3A_121#5 {strides = array<i32>} : memref<3136xf32, #tpu.memory_space<vmem>>, vector<16xf32>,
      %add3A_139 = arith.constant 48 : i32
      %add3A_140 = arith.addi %mul3A_47, %add3A_139 : i32
      %swap3A_141 = arith.index_cast %add3A_140 : i32 to index
      %swap3A_142 = tpu.vector_load %arg19[%swap3A_141] {strides = array<i32>} : memref<3136xf32, #tpu.memory_space<vmem>>, vector<16xf32>,
      tpu.vector_store %arg19[%swap3A_141], %parallel_loop3A_121#6 {strides = array<i32>} : memref<3136xf32, #tpu.memory_space<vmem>>, vector<16xf32>,
      %swap3A_143 = arith.index_cast %add3A_140 : i32 to index
      %swap3A_144 = tpu.vector_load %arg20[%swap3A_143] {strides = array<i32>} : memref<3136xf32, #tpu.memory_space<vmem>>, vector<16xf32>,
      tpu.vector_store %arg20[%swap3A_143], %parallel_loop3A_121#7 {strides = array<i32>} : memref<3136xf32, #tpu.memory_space<vmem>>, vector<16xf32>,
      %parallel_loop3A_145 = arith.constant 0 : i32
      %parallel_loop3A_146 = arith.constant 128 : i32
      %parallel_loop3A_147 = arith.constant 1 : i32
      scf.for %parallel_loop3A_149 = %parallel_loop3A_145 to %parallel_loop3A_146 step %parallel_loop3A_147  : i32 {
        %parallel_loop3A_150 = arith.constant 128 : i32
        %parallel_loop3A_151 = arith.muli %parallel_loop3A_149, %parallel_loop3A_150 : i32
        %parallel_loop3A_152 = vector.broadcast %parallel_loop3A_151 : i32 to vector<16xi32>
        %parallel_loop3A_153 = arith.constant 16 : i32
        %parallel_loop3A_154 = arith.muli %parallel_loop3A_149, %parallel_loop3A_153 : i32
        %parallel_loop3A_155 = arith.constant 8192 : i32
        %parallel_loop3A_156 = arith.addi %parallel_loop3A_155, %parallel_loop3A_154 : i32
        %parallel_loop3A_157 = arith.index_cast %parallel_loop3A_156 : i32 to index
        %parallel_loop3A_158 = tpu.vector_load %arg17[%parallel_loop3A_157] {strides = array<i32>} : memref<16384xf32, #tpu.memory_space<vmem>>, vector<16xf32>,
        %parallel_loop3A_159 = arith.constant 10240 : i32
        %parallel_loop3A_160 = arith.addi %parallel_loop3A_159, %parallel_loop3A_154 : i32
        %parallel_loop3A_161 = arith.index_cast %parallel_loop3A_160 : i32 to index
        %parallel_loop3A_162 = tpu.vector_load %arg17[%parallel_loop3A_161] {strides = array<i32>} : memref<16384xf32, #tpu.memory_space<vmem>>, vector<16xf32>,
        %parallel_loop3A_163 = arith.addi %get3A_52, %parallel_loop3A_152 : vector<16xi32>
        %parallel_loop3A_164 = tpu.vector_load_idx %arg16[%parallel_loop3A_163] : memref<16384xf32, #tpu.memory_space<vmem>>[vector<16xi32>], vector<16xf32>,
        %parallel_loop3A_165 = arith.mulf %parallel_loop3A_121#0, %parallel_loop3A_158 : vector<16xf32>
        %parallel_loop3A_166 = arith.addf %parallel_loop3A_164, %parallel_loop3A_165 : vector<16xf32>
        %parallel_loop3A_167 = arith.mulf %parallel_loop3A_121#1, %parallel_loop3A_162 : vector<16xf32>
        %parallel_loop3A_168 = arith.addf %parallel_loop3A_166, %parallel_loop3A_167 : vector<16xf32>
        %parallel_loop3A_169 = arith.constant 0.000000e+00 : f32
        %parallel_loop3A_170 = vector.broadcast %parallel_loop3A_169 : f32 to vector<16xf32>
        %parallel_loop3A_171 = arith.maximumf %parallel_loop3A_168, %parallel_loop3A_170 : vector<16xf32>
        tpu.vector_store_idx %arg18[%parallel_loop3A_163], %parallel_loop3A_171 {add = true} : memref<32768xf32, #tpu.memory_space<vmem>>[vector<16xi32>], vector<16xf32>,
        %parallel_loop3A_172 = arith.addi %get3A_66, %parallel_loop3A_152 : vector<16xi32>
        %parallel_loop3A_173 = tpu.vector_load_idx %arg16[%parallel_loop3A_172] : memref<16384xf32, #tpu.memory_space<vmem>>[vector<16xi32>], vector<16xf32>,
        %parallel_loop3A_174 = arith.mulf %parallel_loop3A_121#2, %parallel_loop3A_158 : vector<16xf32>
        %parallel_loop3A_175 = arith.addf %parallel_loop3A_173, %parallel_loop3A_174 : vector<16xf32>
        %parallel_loop3A_176 = arith.mulf %parallel_loop3A_121#3, %parallel_loop3A_162 : vector<16xf32>
        %parallel_loop3A_177 = arith.addf %parallel_loop3A_175, %parallel_loop3A_176 : vector<16xf32>
        %parallel_loop3A_178 = arith.constant 0.000000e+00 : f32
        %parallel_loop3A_179 = vector.broadcast %parallel_loop3A_178 : f32 to vector<16xf32>
        %parallel_loop3A_180 = arith.maximumf %parallel_loop3A_177, %parallel_loop3A_179 : vector<16xf32>
        tpu.vector_store_idx %arg18[%parallel_loop3A_172], %parallel_loop3A_180 {add = true} : memref<32768xf32, #tpu.memory_space<vmem>>[vector<16xi32>], vector<16xf32>,
        %parallel_loop3A_181 = arith.addi %get3A_80, %parallel_loop3A_152 : vector<16xi32>
        %parallel_loop3A_182 = tpu.vector_load_idx %arg16[%parallel_loop3A_181] : memref<16384xf32, #tpu.memory_space<vmem>>[vector<16xi32>], vector<16xf32>,
        %parallel_loop3A_183 = arith.mulf %parallel_loop3A_121#4, %parallel_loop3A_158 : vector<16xf32>
        %parallel_loop3A_184 = arith.addf %parallel_loop3A_182, %parallel_loop3A_183 : vector<16xf32>
        %parallel_loop3A_185 = arith.mulf %parallel_loop3A_121#5, %parallel_loop3A_162 : vector<16xf32>
        %parallel_loop3A_186 = arith.addf %parallel_loop3A_184, %parallel_loop3A_185 : vector<16xf32>
        %parallel_loop3A_187 = arith.constant 0.000000e+00 : f32
        %parallel_loop3A_188 = vector.broadcast %parallel_loop3A_187 : f32 to vector<16xf32>
        %parallel_loop3A_189 = arith.maximumf %parallel_loop3A_186, %parallel_loop3A_188 : vector<16xf32>
        tpu.vector_store_idx %arg18[%parallel_loop3A_181], %parallel_loop3A_189 {add = true} : memref<32768xf32, #tpu.memory_space<vmem>>[vector<16xi32>], vector<16xf32>,
        %parallel_loop3A_190 = arith.addi %get3A_94, %parallel_loop3A_152 : vector<16xi32>
        %parallel_loop3A_191 = tpu.vector_load_idx %arg16[%parallel_loop3A_190] : memref<16384xf32, #tpu.memory_space<vmem>>[vector<16xi32>], vector<16xf32>,
        %parallel_loop3A_192 = arith.mulf %parallel_loop3A_121#6, %parallel_loop3A_158 : vector<16xf32>
        %parallel_loop3A_193 = arith.addf %parallel_loop3A_191, %parallel_loop3A_192 : vector<16xf32>
        %parallel_loop3A_194 = arith.mulf %parallel_loop3A_121#7, %parallel_loop3A_162 : vector<16xf32>
        %parallel_loop3A_195 = arith.addf %parallel_loop3A_193, %parallel_loop3A_194 : vector<16xf32>
        %parallel_loop3A_196 = arith.constant 0.000000e+00 : f32
        %parallel_loop3A_197 = vector.broadcast %parallel_loop3A_196 : f32 to vector<16xf32>
        %parallel_loop3A_198 = arith.maximumf %parallel_loop3A_195, %parallel_loop3A_197 : vector<16xf32>
        tpu.vector_store_idx %arg18[%parallel_loop3A_190], %parallel_loop3A_198 {add = true} : memref<32768xf32, #tpu.memory_space<vmem>>[vector<16xi32>], vector<16xf32>,
      } {sc.loop_unroll_factor = 2 : i64, sc.parallel_access}
      tpu.vector_store_idx %arg18[%add3A_58], %broadcast_in_dim3A_20 {add = true} : memref<32768xf32, #tpu.memory_space<vmem>>[vector<16xi32>], vector<16xf32>,
      tpu.vector_store_idx %arg18[%add3A_72], %broadcast_in_dim3A_20 {add = true} : memref<32768xf32, #tpu.memory_space<vmem>>[vector<16xi32>], vector<16xf32>,
      tpu.vector_store_idx %arg18[%add3A_86], %broadcast_in_dim3A_20 {add = true} : memref<32768xf32, #tpu.memory_space<vmem>>[vector<16xi32>], vector<16xf32>,
      tpu.vector_store_idx %arg18[%add3A_100], %broadcast_in_dim3A_20 {add = true} : memref<32768xf32, #tpu.memory_space<vmem>>[vector<16xi32>], vector<16xf32>,
      %scan3A_148 = arith.constant 0 : i32
      scf.yield %scan3A_148 : i32
    }
    %scan3A_26 = arith.constant 49 : i32
    %mul3A_27 = arith.constant 16 : i32
    %mul3A_28 = arith.muli %arg0, %mul3A_27 : i32
    %add3A_29 = arith.addi %mul3A_28, %arg1 : i32
    %mul3A_30 = arith.constant 32768 : i32
    %mul3A_31 = arith.muli %add3A_29, %mul3A_30 : i32
    "tpu.region"() ({
      %run_scoped3A = tpu.sem_alloc : memref<!tpu.dma_semaphore, #tpu.memory_space<semaphore_mem>>
      %dma_start3A = tpu.memref_slice %arg8[%mul3A_31] : memref<1048576xf32, #tpu.memory_space<hbm>> -> memref<32768xf32, #tpu.memory_space<hbm>>
      %dma_start3A_44 = tpu.memref_slice %arg8[%mul3A_31] : memref<1048576xf32, #tpu.memory_space<hbm>> -> memref<32768xf32, #tpu.memory_space<hbm>>
      tpu.enqueue_dma source(%arg18 : memref<32768xf32, #tpu.memory_space<vmem>>) target(%dma_start3A_44 : memref<32768xf32, #tpu.memory_space<hbm>>) target_semaphore(%run_scoped3A : memref<!tpu.dma_semaphore, #tpu.memory_space<semaphore_mem>>)
      %dma_wait3A = tpu.memref_slice %arg8[%mul3A_31] : memref<1048576xf32, #tpu.memory_space<hbm>> -> memref<32768xf32, #tpu.memory_space<hbm>>
      %dma_wait3A_45 = tpu.memref_slice %arg8[%mul3A_31] : memref<1048576xf32, #tpu.memory_space<hbm>> -> memref<32768xf32, #tpu.memory_space<hbm>>
      tpu.wait_dma2 semaphore(%run_scoped3A : memref<!tpu.dma_semaphore, #tpu.memory_space<semaphore_mem>>) src(%arg18 : memref<32768xf32, #tpu.memory_space<vmem>>) dst(%dma_wait3A_45 : memref<32768xf32, #tpu.memory_space<hbm>>)
      tpu.yield
    }) : () -> ()
    %mul3A_32 = arith.constant 2 : i32
    %mul3A_33 = arith.muli %arg0, %mul3A_32 : i32
    %mul3A_34 = arith.constant 50176 : i32
    %mul3A_35 = arith.muli %mul3A_33, %mul3A_34 : i32
    %add3A_36 = arith.addi %mul3A_35, %mul3A_0 : i32
    "tpu.region"() ({
      %run_scoped3A = tpu.sem_alloc : memref<!tpu.dma_semaphore, #tpu.memory_space<semaphore_mem>>
      %dma_start3A = tpu.memref_slice %arg9[%add3A_36] : memref<200704xf32, #tpu.memory_space<hbm>> -> memref<3136xf32, #tpu.memory_space<hbm>>
      %dma_start3A_44 = tpu.memref_slice %arg9[%add3A_36] : memref<200704xf32, #tpu.memory_space<hbm>> -> memref<3136xf32, #tpu.memory_space<hbm>>
      tpu.enqueue_dma source(%arg19 : memref<3136xf32, #tpu.memory_space<vmem>>) target(%dma_start3A_44 : memref<3136xf32, #tpu.memory_space<hbm>>) target_semaphore(%run_scoped3A : memref<!tpu.dma_semaphore, #tpu.memory_space<semaphore_mem>>)
      %dma_wait3A = tpu.memref_slice %arg9[%add3A_36] : memref<200704xf32, #tpu.memory_space<hbm>> -> memref<3136xf32, #tpu.memory_space<hbm>>
      %dma_wait3A_45 = tpu.memref_slice %arg9[%add3A_36] : memref<200704xf32, #tpu.memory_space<hbm>> -> memref<3136xf32, #tpu.memory_space<hbm>>
      tpu.wait_dma2 semaphore(%run_scoped3A : memref<!tpu.dma_semaphore, #tpu.memory_space<semaphore_mem>>) src(%arg19 : memref<3136xf32, #tpu.memory_space<vmem>>) dst(%dma_wait3A_45 : memref<3136xf32, #tpu.memory_space<hbm>>)
      tpu.yield
    }) : () -> ()
    %mul3A_37 = arith.constant 2 : i32
    %mul3A_38 = arith.muli %arg0, %mul3A_37 : i32
    %add3A_39 = arith.constant 1 : i32
    %add3A_40 = arith.addi %mul3A_38, %add3A_39 : i32
    %mul3A_41 = arith.constant 50176 : i32
    %mul3A_42 = arith.muli %add3A_40, %mul3A_41 : i32
    %add3A_43 = arith.addi %mul3A_42, %mul3A_0 : i32
    "tpu.region"() ({
      %run_scoped3A = tpu.sem_alloc : memref<!tpu.dma_semaphore, #tpu.memory_space<semaphore_mem>>
      %dma_start3A = tpu.memref_slice %arg9[%add3A_43] : memref<200704xf32, #tpu.memory_space<hbm>> -> memref<3136xf32, #tpu.memory_space<hbm>>
      %dma_start3A_44 = tpu.memref_slice %arg9[%add3A_43] : memref<200704xf32, #tpu.memory_space<hbm>> -> memref<3136xf32, #tpu.memory_space<hbm>>
      tpu.enqueue_dma source(%arg20 : memref<3136xf32, #tpu.memory_space<vmem>>) target(%dma_start3A_44 : memref<3136xf32, #tpu.memory_space<hbm>>) target_semaphore(%run_scoped3A : memref<!tpu.dma_semaphore, #tpu.memory_space<semaphore_mem>>)
      %dma_wait3A = tpu.memref_slice %arg9[%add3A_43] : memref<200704xf32, #tpu.memory_space<hbm>> -> memref<3136xf32, #tpu.memory_space<hbm>>
      %dma_wait3A_45 = tpu.memref_slice %arg9[%add3A_43] : memref<200704xf32, #tpu.memory_space<hbm>> -> memref<3136xf32, #tpu.memory_space<hbm>>
      tpu.wait_dma2 semaphore(%run_scoped3A : memref<!tpu.dma_semaphore, #tpu.memory_space<semaphore_mem>>) src(%arg20 : memref<3136xf32, #tpu.memory_space<vmem>>) dst(%dma_wait3A_45 : memref<3136xf32, #tpu.memory_space<hbm>>)
      tpu.yield
    }) : () -> ()
    return
  }
}

module attributes {stable_mosaic.version = 14 : i64} {
  func.func @_tc1_body(%arg0: memref<128x5xf32, #tpu.memory_space<vmem>>, %arg1: memref<1x6xf32, #tpu.memory_space<vmem>>, %arg2: memref<2x17x128xf32, #tpu.memory_space<vmem>>, %arg3: memref<2x128xf32, #tpu.memory_space<vmem>>, %arg4: memref<2x2x128xf32, #tpu.memory_space<vmem>>, %arg5: memref<2x2xf32, #tpu.memory_space<vmem>>, %arg6: memref<2x7x128xf32, #tpu.memory_space<vmem>>, %arg7: memref<2x128xf32, #tpu.memory_space<vmem>>, %arg8: memref<2x3x128x128xf32, #tpu.memory_space<vmem>>, %arg9: memref<2x8x128xf32, #tpu.memory_space<vmem>>) attributes {dimension_semantics = [], scalar_prefetch = 0 : i64, scratch_operands = 0 : i64, tpu.core_type = #tpu.core_type<tc>} {
    %get3A = arith.constant 0 : index
    %get3A_0 = arith.constant 0 : index
    %get3A_1 = vector.load %arg0[%get3A, %get3A_0] : memref<128x5xf32, #tpu.memory_space<vmem>>, vector<128x5xf32>
    %get3A_2 = arith.constant 0 : index
    %get3A_3 = arith.constant 0 : index
    %get3A_4 = vector.load %arg1[%get3A_2, %get3A_3] : memref<1x6xf32, #tpu.memory_space<vmem>>, vector<1x6xf32>
    %broadcast_in_dim3A = arith.constant 0.000000e+00 : f32
    %broadcast_in_dim3A_5 = vector.broadcast %broadcast_in_dim3A : f32 to vector<128xf32>
    %get3A_6 = arith.constant 0 : index
    %get3A_7 = arith.constant 0 : index
    %get3A_8 = arith.constant 0 : index
    %get3A_9 = vector.load %arg2[%get3A_6, %get3A_7, %get3A_8] : memref<2x17x128xf32, #tpu.memory_space<vmem>>, vector<1x17x128xf32>
    %get3A_10 = vector.shape_cast %get3A_9 : vector<1x17x128xf32> to vector<17x128xf32>
    %get3A_11 = arith.constant 0 : index
    %get3A_12 = arith.constant 0 : index
    %get3A_13 = arith.constant 0 : index
    %get3A_14 = vector.load %arg6[%get3A_11, %get3A_12, %get3A_13] : memref<2x7x128xf32, #tpu.memory_space<vmem>>, vector<1x7x128xf32>
    %get3A_15 = vector.shape_cast %get3A_14 : vector<1x7x128xf32> to vector<7x128xf32>
    %slice3A = vector.extract_strided_slice %get3A_10 {offsets = [0, 0], sizes = [5, 128], strides = [1, 1]} : vector<17x128xf32> to vector<5x128xf32>
    %dot_general3A = arith.constant dense<0.000000e+00> : vector<128x128xf32>
    %dot_general3A_16 = tpu.matmul %slice3A, %get3A_1, %dot_general3A {dimension_numbers = #tpu.dot_dimension_numbers<[0], [1], [1], [0], [0, 1, 1, 0], [], []>, transpose_lhs_hint = false} : vector<5x128xf32>, vector<128x5xf32>, vector<128x128xf32> -> vector<128x128xf32>
    %slice3A_17 = vector.extract_strided_slice %get3A_10 {offsets = [11, 0], sizes = [6, 128], strides = [1, 1]} : vector<17x128xf32> to vector<6x128xf32>
    %dot_general3A_18 = arith.constant dense<0.000000e+00> : vector<1x128xf32>
    %dot_general3A_19 = tpu.matmul %get3A_4, %slice3A_17, %dot_general3A_18 {dimension_numbers = #tpu.dot_dimension_numbers<[1], [0], [0], [1], [0, 0, 1, 1], [], []>, transpose_lhs_hint = false} : vector<1x6xf32>, vector<6x128xf32>, vector<1x128xf32> -> vector<1x128xf32>
    %get3A_20 = arith.constant 0 : index
    %get3A_21 = arith.constant 0 : index
    %get3A_22 = vector.load %arg3[%get3A_20, %get3A_21] : memref<2x128xf32, #tpu.memory_space<vmem>>, vector<1x128xf32>
    %get3A_23 = vector.shape_cast %get3A_22 : vector<1x128xf32> to vector<128xf32>
    %broadcast_in_dim3A_24 = vector.shape_cast %get3A_23 : vector<128xf32> to vector<1x128xf32>
    %add3A = arith.addf %dot_general3A_19, %broadcast_in_dim3A_24 : vector<1x128xf32>
    %broadcast_in_dim3A_25 = arith.constant 1.000000e+00 : f32
    %broadcast_in_dim3A_26 = vector.broadcast %broadcast_in_dim3A_25 : f32 to vector<1x1xf32>
    %dot_general3A_27 = arith.constant dense<0.000000e+00> : vector<128x1xf32>
    %dot_general3A_28 = tpu.matmul %add3A, %broadcast_in_dim3A_26, %dot_general3A_27 {dimension_numbers = #tpu.dot_dimension_numbers<[0], [0], [1], [1], [0, 1, 1, 1], [], []>, transpose_lhs_hint = false} : vector<1x128xf32>, vector<1x1xf32>, vector<128x1xf32> -> vector<128x1xf32>
    %add3A_29 = vector.broadcast %dot_general3A_28 : vector<128x1xf32> to vector<128x128xf32>
    %add3A_30 = arith.addf %dot_general3A_16, %add3A_29 : vector<128x128xf32>
    %swap3A = arith.constant 0 : index
    %swap3A_31 = arith.constant 0 : index
    %swap3A_32 = arith.constant 0 : index
    %swap3A_33 = arith.constant 0 : index
    %swap3A_34 = vector.load %arg8[%swap3A, %swap3A_31, %swap3A_32, %swap3A_33] : memref<2x3x128x128xf32, #tpu.memory_space<vmem>>, vector<1x1x128x128xf32>
    %swap3A_35 = vector.shape_cast %swap3A_34 : vector<1x1x128x128xf32> to vector<128x128xf32>
    %swap3A_36 = vector.shape_cast %add3A_30 : vector<128x128xf32> to vector<1x1x128x128xf32>
    tpu.vector_store %arg8[%swap3A, %swap3A_31, %swap3A_32, %swap3A_33], %swap3A_36 {strides = array<i32>} : memref<2x3x128x128xf32, #tpu.memory_space<vmem>>, vector<1x1x128x128xf32>,
    %slice3A_37 = vector.extract_strided_slice %get3A_10 {offsets = [5, 0], sizes = [5, 128], strides = [1, 1]} : vector<17x128xf32> to vector<5x128xf32>
    %dot_general3A_38 = arith.constant dense<0.000000e+00> : vector<128x128xf32>
    %dot_general3A_39 = tpu.matmul %slice3A_37, %get3A_1, %dot_general3A_38 {dimension_numbers = #tpu.dot_dimension_numbers<[0], [1], [1], [0], [0, 1, 1, 0], [], []>, transpose_lhs_hint = false} : vector<5x128xf32>, vector<128x5xf32>, vector<128x128xf32> -> vector<128x128xf32>
    %swap3A_40 = arith.constant 0 : index
    %swap3A_41 = arith.constant 1 : index
    %swap3A_42 = arith.constant 0 : index
    %swap3A_43 = arith.constant 0 : index
    %swap3A_44 = vector.load %arg8[%swap3A_40, %swap3A_41, %swap3A_42, %swap3A_43] : memref<2x3x128x128xf32, #tpu.memory_space<vmem>>, vector<1x1x128x128xf32>
    %swap3A_45 = vector.shape_cast %swap3A_44 : vector<1x1x128x128xf32> to vector<128x128xf32>
    %swap3A_46 = vector.shape_cast %dot_general3A_39 : vector<128x128xf32> to vector<1x1x128x128xf32>
    tpu.vector_store %arg8[%swap3A_40, %swap3A_41, %swap3A_42, %swap3A_43], %swap3A_46 {strides = array<i32>} : memref<2x3x128x128xf32, #tpu.memory_space<vmem>>, vector<1x1x128x128xf32>,
    %slice3A_47 = vector.extract_strided_slice %get3A_15 {offsets = [0, 0], sizes = [5, 128], strides = [1, 1]} : vector<7x128xf32> to vector<5x128xf32>
    %dot_general3A_48 = arith.constant dense<0.000000e+00> : vector<128x128xf32>
    %dot_general3A_49 = tpu.matmul %slice3A_47, %get3A_1, %dot_general3A_48 {dimension_numbers = #tpu.dot_dimension_numbers<[0], [1], [1], [0], [0, 1, 1, 0], [], []>, transpose_lhs_hint = false} : vector<5x128xf32>, vector<128x5xf32>, vector<128x128xf32> -> vector<128x128xf32>
    %get3A_50 = arith.constant 0 : index
    %get3A_51 = arith.constant 0 : index
    %get3A_52 = vector.load %arg7[%get3A_50, %get3A_51] : memref<2x128xf32, #tpu.memory_space<vmem>>, vector<1x128xf32>
    %get3A_53 = vector.shape_cast %get3A_52 : vector<1x128xf32> to vector<128xf32>
    %broadcast_in_dim3A_54 = vector.shape_cast %get3A_53 : vector<128xf32> to vector<1x128xf32>
    %broadcast_in_dim3A_55 = arith.constant 1.000000e+00 : f32
    %broadcast_in_dim3A_56 = vector.broadcast %broadcast_in_dim3A_55 : f32 to vector<1x1xf32>
    %dot_general3A_57 = arith.constant dense<0.000000e+00> : vector<128x1xf32>
    %dot_general3A_58 = tpu.matmul %broadcast_in_dim3A_54, %broadcast_in_dim3A_56, %dot_general3A_57 {dimension_numbers = #tpu.dot_dimension_numbers<[0], [0], [1], [1], [0, 1, 1, 1], [], []>, transpose_lhs_hint = false} : vector<1x128xf32>, vector<1x1xf32>, vector<128x1xf32> -> vector<128x1xf32>
    %add3A_59 = vector.broadcast %dot_general3A_58 : vector<128x1xf32> to vector<128x128xf32>
    %add3A_60 = arith.addf %dot_general3A_49, %add3A_59 : vector<128x128xf32>
    %swap3A_61 = arith.constant 0 : index
    %swap3A_62 = arith.constant 2 : index
    %swap3A_63 = arith.constant 0 : index
    %swap3A_64 = arith.constant 0 : index
    %swap3A_65 = vector.load %arg8[%swap3A_61, %swap3A_62, %swap3A_63, %swap3A_64] : memref<2x3x128x128xf32, #tpu.memory_space<vmem>>, vector<1x1x128x128xf32>
    %swap3A_66 = vector.shape_cast %swap3A_65 : vector<1x1x128x128xf32> to vector<128x128xf32>
    %swap3A_67 = vector.shape_cast %add3A_60 : vector<128x128xf32> to vector<1x1x128x128xf32>
    tpu.vector_store %arg8[%swap3A_61, %swap3A_62, %swap3A_63, %swap3A_64], %swap3A_67 {strides = array<i32>} : memref<2x3x128x128xf32, #tpu.memory_space<vmem>>, vector<1x1x128x128xf32>,
    %slice3A_68 = vector.extract_strided_slice %get3A_10 {offsets = [10, 0], sizes = [1, 128], strides = [1, 1]} : vector<17x128xf32> to vector<1x128xf32>
    %squeeze3A = vector.shape_cast %slice3A_68 : vector<1x128xf32> to vector<128xf32>
    %get3A_69 = arith.constant 0 : index
    %get3A_70 = arith.constant 0 : index
    %get3A_71 = arith.constant 0 : index
    %get3A_72 = vector.load %arg4[%get3A_69, %get3A_70, %get3A_71] : memref<2x2x128xf32, #tpu.memory_space<vmem>>, vector<1x2x128xf32>
    %get3A_73 = vector.shape_cast %get3A_72 : vector<1x2x128xf32> to vector<2x128xf32>
    %slice3A_74 = vector.extract_strided_slice %get3A_73 {offsets = [0, 0], sizes = [1, 128], strides = [1, 1]} : vector<2x128xf32> to vector<1x128xf32>
    %squeeze3A_75 = vector.shape_cast %slice3A_74 : vector<1x128xf32> to vector<128xf32>
    %get3A_76 = arith.constant 0 : index
    %get3A_77 = arith.constant 0 : index
    %get3A_78 = arith.constant 0 : index
    %get3A_79 = vector.load %arg4[%get3A_76, %get3A_77, %get3A_78] : memref<2x2x128xf32, #tpu.memory_space<vmem>>, vector<1x2x128xf32>
    %get3A_80 = vector.shape_cast %get3A_79 : vector<1x2x128xf32> to vector<2x128xf32>
    %slice3A_81 = vector.extract_strided_slice %get3A_80 {offsets = [1, 0], sizes = [1, 128], strides = [1, 1]} : vector<2x128xf32> to vector<1x128xf32>
    %squeeze3A_82 = vector.shape_cast %slice3A_81 : vector<1x128xf32> to vector<128xf32>
    %slice3A_83 = vector.extract_strided_slice %get3A_15 {offsets = [5, 0], sizes = [1, 128], strides = [1, 1]} : vector<7x128xf32> to vector<1x128xf32>
    %squeeze3A_84 = vector.shape_cast %slice3A_83 : vector<1x128xf32> to vector<128xf32>
    %slice3A_85 = vector.extract_strided_slice %get3A_15 {offsets = [6, 0], sizes = [1, 128], strides = [1, 1]} : vector<7x128xf32> to vector<1x128xf32>
    %squeeze3A_86 = vector.shape_cast %slice3A_85 : vector<1x128xf32> to vector<128xf32>
    %get3A_87 = arith.constant 0 : index
    %get3A_88 = arith.constant 0 : index
    %get3A_89 = vector.load %arg5[%get3A_87, %get3A_88] : memref<2x2xf32, #tpu.memory_space<vmem>>, vector<1x2xf32>
    %get3A_90 = vector.shape_cast %get3A_89 : vector<1x2xf32> to vector<2xf32>
    %broadcast_in_dim3A_91 = arith.constant 0.000000e+00 : f32
    %broadcast_in_dim3A_92 = vector.broadcast %broadcast_in_dim3A_91 : f32 to vector<126xf32>
    %concatenate3A = tpu.concatenate %get3A_90, %broadcast_in_dim3A_92 in 0 : vector<2xf32>, vector<126xf32> -> vector<128xf32>
    %stack3A = vector.shape_cast %squeeze3A : vector<128xf32> to vector<1x128xf32>
    %stack3A_93 = vector.shape_cast %broadcast_in_dim3A_5 : vector<128xf32> to vector<1x128xf32>
    %stack3A_94 = vector.shape_cast %squeeze3A_75 : vector<128xf32> to vector<1x128xf32>
    %stack3A_95 = vector.shape_cast %squeeze3A_82 : vector<128xf32> to vector<1x128xf32>
    %stack3A_96 = vector.shape_cast %squeeze3A_84 : vector<128xf32> to vector<1x128xf32>
    %stack3A_97 = vector.shape_cast %squeeze3A_86 : vector<128xf32> to vector<1x128xf32>
    %stack3A_98 = vector.shape_cast %concatenate3A : vector<128xf32> to vector<1x128xf32>
    %stack3A_99 = vector.shape_cast %broadcast_in_dim3A_5 : vector<128xf32> to vector<1x128xf32>
    %stack3A_100 = tpu.concatenate %stack3A, %stack3A_93, %stack3A_94, %stack3A_95, %stack3A_96, %stack3A_97, %stack3A_98, %stack3A_99 in 0 : vector<1x128xf32>, vector<1x128xf32>, vector<1x128xf32>, vector<1x128xf32>, vector<1x128xf32>, vector<1x128xf32>, vector<1x128xf32>, vector<1x128xf32> -> vector<8x128xf32>
    %swap3A_101 = arith.constant 0 : index
    %swap3A_102 = arith.constant 0 : index
    %swap3A_103 = arith.constant 0 : index
    %swap3A_104 = vector.load %arg9[%swap3A_101, %swap3A_102, %swap3A_103] : memref<2x8x128xf32, #tpu.memory_space<vmem>>, vector<1x8x128xf32>
    %swap3A_105 = vector.shape_cast %swap3A_104 : vector<1x8x128xf32> to vector<8x128xf32>
    %swap3A_106 = vector.shape_cast %stack3A_100 : vector<8x128xf32> to vector<1x8x128xf32>
    tpu.vector_store %arg9[%swap3A_101, %swap3A_102, %swap3A_103], %swap3A_106 {strides = array<i32>} : memref<2x8x128xf32, #tpu.memory_space<vmem>>, vector<1x8x128xf32>,
    %get3A_107 = arith.constant 1 : index
    %get3A_108 = arith.constant 0 : index
    %get3A_109 = arith.constant 0 : index
    %get3A_110 = vector.load %arg2[%get3A_107, %get3A_108, %get3A_109] : memref<2x17x128xf32, #tpu.memory_space<vmem>>, vector<1x17x128xf32>
    %get3A_111 = vector.shape_cast %get3A_110 : vector<1x17x128xf32> to vector<17x128xf32>
    %get3A_112 = arith.constant 1 : index
    %get3A_113 = arith.constant 0 : index
    %get3A_114 = arith.constant 0 : index
    %get3A_115 = vector.load %arg6[%get3A_112, %get3A_113, %get3A_114] : memref<2x7x128xf32, #tpu.memory_space<vmem>>, vector<1x7x128xf32>
    %get3A_116 = vector.shape_cast %get3A_115 : vector<1x7x128xf32> to vector<7x128xf32>
    %slice3A_117 = vector.extract_strided_slice %get3A_111 {offsets = [0, 0], sizes = [5, 128], strides = [1, 1]} : vector<17x128xf32> to vector<5x128xf32>
    %dot_general3A_118 = arith.constant dense<0.000000e+00> : vector<128x128xf32>
    %dot_general3A_119 = tpu.matmul %slice3A_117, %get3A_1, %dot_general3A_118 {dimension_numbers = #tpu.dot_dimension_numbers<[0], [1], [1], [0], [0, 1, 1, 0], [], []>, transpose_lhs_hint = false} : vector<5x128xf32>, vector<128x5xf32>, vector<128x128xf32> -> vector<128x128xf32>
    %slice3A_120 = vector.extract_strided_slice %get3A_111 {offsets = [11, 0], sizes = [6, 128], strides = [1, 1]} : vector<17x128xf32> to vector<6x128xf32>
    %dot_general3A_121 = arith.constant dense<0.000000e+00> : vector<1x128xf32>
    %dot_general3A_122 = tpu.matmul %get3A_4, %slice3A_120, %dot_general3A_121 {dimension_numbers = #tpu.dot_dimension_numbers<[1], [0], [0], [1], [0, 0, 1, 1], [], []>, transpose_lhs_hint = false} : vector<1x6xf32>, vector<6x128xf32>, vector<1x128xf32> -> vector<1x128xf32>
    %get3A_123 = arith.constant 1 : index
    %get3A_124 = arith.constant 0 : index
    %get3A_125 = vector.load %arg3[%get3A_123, %get3A_124] : memref<2x128xf32, #tpu.memory_space<vmem>>, vector<1x128xf32>
    %get3A_126 = vector.shape_cast %get3A_125 : vector<1x128xf32> to vector<128xf32>
    %broadcast_in_dim3A_127 = vector.shape_cast %get3A_126 : vector<128xf32> to vector<1x128xf32>
    %add3A_128 = arith.addf %dot_general3A_122, %broadcast_in_dim3A_127 : vector<1x128xf32>
    %broadcast_in_dim3A_129 = arith.constant 1.000000e+00 : f32
    %broadcast_in_dim3A_130 = vector.broadcast %broadcast_in_dim3A_129 : f32 to vector<1x1xf32>
    %dot_general3A_131 = arith.constant dense<0.000000e+00> : vector<128x1xf32>
    %dot_general3A_132 = tpu.matmul %add3A_128, %broadcast_in_dim3A_130, %dot_general3A_131 {dimension_numbers = #tpu.dot_dimension_numbers<[0], [0], [1], [1], [0, 1, 1, 1], [], []>, transpose_lhs_hint = false} : vector<1x128xf32>, vector<1x1xf32>, vector<128x1xf32> -> vector<128x1xf32>
    %add3A_133 = vector.broadcast %dot_general3A_132 : vector<128x1xf32> to vector<128x128xf32>
    %add3A_134 = arith.addf %dot_general3A_119, %add3A_133 : vector<128x128xf32>
    %swap3A_135 = arith.constant 1 : index
    %swap3A_136 = arith.constant 0 : index
    %swap3A_137 = arith.constant 0 : index
    %swap3A_138 = arith.constant 0 : index
    %swap3A_139 = vector.load %arg8[%swap3A_135, %swap3A_136, %swap3A_137, %swap3A_138] : memref<2x3x128x128xf32, #tpu.memory_space<vmem>>, vector<1x1x128x128xf32>
    %swap3A_140 = vector.shape_cast %swap3A_139 : vector<1x1x128x128xf32> to vector<128x128xf32>
    %swap3A_141 = vector.shape_cast %add3A_134 : vector<128x128xf32> to vector<1x1x128x128xf32>
    tpu.vector_store %arg8[%swap3A_135, %swap3A_136, %swap3A_137, %swap3A_138], %swap3A_141 {strides = array<i32>} : memref<2x3x128x128xf32, #tpu.memory_space<vmem>>, vector<1x1x128x128xf32>,
    %slice3A_142 = vector.extract_strided_slice %get3A_111 {offsets = [5, 0], sizes = [5, 128], strides = [1, 1]} : vector<17x128xf32> to vector<5x128xf32>
    %dot_general3A_143 = arith.constant dense<0.000000e+00> : vector<128x128xf32>
    %dot_general3A_144 = tpu.matmul %slice3A_142, %get3A_1, %dot_general3A_143 {dimension_numbers = #tpu.dot_dimension_numbers<[0], [1], [1], [0], [0, 1, 1, 0], [], []>, transpose_lhs_hint = false} : vector<5x128xf32>, vector<128x5xf32>, vector<128x128xf32> -> vector<128x128xf32>
    %swap3A_145 = arith.constant 1 : index
    %swap3A_146 = arith.constant 1 : index
    %swap3A_147 = arith.constant 0 : index
    %swap3A_148 = arith.constant 0 : index
    %swap3A_149 = vector.load %arg8[%swap3A_145, %swap3A_146, %swap3A_147, %swap3A_148] : memref<2x3x128x128xf32, #tpu.memory_space<vmem>>, vector<1x1x128x128xf32>
    %swap3A_150 = vector.shape_cast %swap3A_149 : vector<1x1x128x128xf32> to vector<128x128xf32>
    %swap3A_151 = vector.shape_cast %dot_general3A_144 : vector<128x128xf32> to vector<1x1x128x128xf32>
    tpu.vector_store %arg8[%swap3A_145, %swap3A_146, %swap3A_147, %swap3A_148], %swap3A_151 {strides = array<i32>} : memref<2x3x128x128xf32, #tpu.memory_space<vmem>>, vector<1x1x128x128xf32>,
    %slice3A_152 = vector.extract_strided_slice %get3A_116 {offsets = [0, 0], sizes = [5, 128], strides = [1, 1]} : vector<7x128xf32> to vector<5x128xf32>
    %dot_general3A_153 = arith.constant dense<0.000000e+00> : vector<128x128xf32>
    %dot_general3A_154 = tpu.matmul %slice3A_152, %get3A_1, %dot_general3A_153 {dimension_numbers = #tpu.dot_dimension_numbers<[0], [1], [1], [0], [0, 1, 1, 0], [], []>, transpose_lhs_hint = false} : vector<5x128xf32>, vector<128x5xf32>, vector<128x128xf32> -> vector<128x128xf32>
    %get3A_155 = arith.constant 1 : index
    %get3A_156 = arith.constant 0 : index
    %get3A_157 = vector.load %arg7[%get3A_155, %get3A_156] : memref<2x128xf32, #tpu.memory_space<vmem>>, vector<1x128xf32>
    %get3A_158 = vector.shape_cast %get3A_157 : vector<1x128xf32> to vector<128xf32>
    %broadcast_in_dim3A_159 = vector.shape_cast %get3A_158 : vector<128xf32> to vector<1x128xf32>
    %broadcast_in_dim3A_160 = arith.constant 1.000000e+00 : f32
    %broadcast_in_dim3A_161 = vector.broadcast %broadcast_in_dim3A_160 : f32 to vector<1x1xf32>
    %dot_general3A_162 = arith.constant dense<0.000000e+00> : vector<128x1xf32>
    %dot_general3A_163 = tpu.matmul %broadcast_in_dim3A_159, %broadcast_in_dim3A_161, %dot_general3A_162 {dimension_numbers = #tpu.dot_dimension_numbers<[0], [0], [1], [1], [0, 1, 1, 1], [], []>, transpose_lhs_hint = false} : vector<1x128xf32>, vector<1x1xf32>, vector<128x1xf32> -> vector<128x1xf32>
    %add3A_164 = vector.broadcast %dot_general3A_163 : vector<128x1xf32> to vector<128x128xf32>
    %add3A_165 = arith.addf %dot_general3A_154, %add3A_164 : vector<128x128xf32>
    %swap3A_166 = arith.constant 1 : index
    %swap3A_167 = arith.constant 2 : index
    %swap3A_168 = arith.constant 0 : index
    %swap3A_169 = arith.constant 0 : index
    %swap3A_170 = vector.load %arg8[%swap3A_166, %swap3A_167, %swap3A_168, %swap3A_169] : memref<2x3x128x128xf32, #tpu.memory_space<vmem>>, vector<1x1x128x128xf32>
    %swap3A_171 = vector.shape_cast %swap3A_170 : vector<1x1x128x128xf32> to vector<128x128xf32>
    %swap3A_172 = vector.shape_cast %add3A_165 : vector<128x128xf32> to vector<1x1x128x128xf32>
    tpu.vector_store %arg8[%swap3A_166, %swap3A_167, %swap3A_168, %swap3A_169], %swap3A_172 {strides = array<i32>} : memref<2x3x128x128xf32, #tpu.memory_space<vmem>>, vector<1x1x128x128xf32>,
    %slice3A_173 = vector.extract_strided_slice %get3A_111 {offsets = [10, 0], sizes = [1, 128], strides = [1, 1]} : vector<17x128xf32> to vector<1x128xf32>
    %squeeze3A_174 = vector.shape_cast %slice3A_173 : vector<1x128xf32> to vector<128xf32>
    %get3A_175 = arith.constant 1 : index
    %get3A_176 = arith.constant 0 : index
    %get3A_177 = arith.constant 0 : index
    %get3A_178 = vector.load %arg4[%get3A_175, %get3A_176, %get3A_177] : memref<2x2x128xf32, #tpu.memory_space<vmem>>, vector<1x2x128xf32>
    %get3A_179 = vector.shape_cast %get3A_178 : vector<1x2x128xf32> to vector<2x128xf32>
    %slice3A_180 = vector.extract_strided_slice %get3A_179 {offsets = [0, 0], sizes = [1, 128], strides = [1, 1]} : vector<2x128xf32> to vector<1x128xf32>
    %squeeze3A_181 = vector.shape_cast %slice3A_180 : vector<1x128xf32> to vector<128xf32>
    %get3A_182 = arith.constant 1 : index
    %get3A_183 = arith.constant 0 : index
    %get3A_184 = arith.constant 0 : index
    %get3A_185 = vector.load %arg4[%get3A_182, %get3A_183, %get3A_184] : memref<2x2x128xf32, #tpu.memory_space<vmem>>, vector<1x2x128xf32>
    %get3A_186 = vector.shape_cast %get3A_185 : vector<1x2x128xf32> to vector<2x128xf32>
    %slice3A_187 = vector.extract_strided_slice %get3A_186 {offsets = [1, 0], sizes = [1, 128], strides = [1, 1]} : vector<2x128xf32> to vector<1x128xf32>
    %squeeze3A_188 = vector.shape_cast %slice3A_187 : vector<1x128xf32> to vector<128xf32>
    %slice3A_189 = vector.extract_strided_slice %get3A_116 {offsets = [5, 0], sizes = [1, 128], strides = [1, 1]} : vector<7x128xf32> to vector<1x128xf32>
    %squeeze3A_190 = vector.shape_cast %slice3A_189 : vector<1x128xf32> to vector<128xf32>
    %slice3A_191 = vector.extract_strided_slice %get3A_116 {offsets = [6, 0], sizes = [1, 128], strides = [1, 1]} : vector<7x128xf32> to vector<1x128xf32>
    %squeeze3A_192 = vector.shape_cast %slice3A_191 : vector<1x128xf32> to vector<128xf32>
    %get3A_193 = arith.constant 1 : index
    %get3A_194 = arith.constant 0 : index
    %get3A_195 = vector.load %arg5[%get3A_193, %get3A_194] : memref<2x2xf32, #tpu.memory_space<vmem>>, vector<1x2xf32>
    %get3A_196 = vector.shape_cast %get3A_195 : vector<1x2xf32> to vector<2xf32>
    %broadcast_in_dim3A_197 = arith.constant 0.000000e+00 : f32
    %broadcast_in_dim3A_198 = vector.broadcast %broadcast_in_dim3A_197 : f32 to vector<126xf32>
    %concatenate3A_199 = tpu.concatenate %get3A_196, %broadcast_in_dim3A_198 in 0 : vector<2xf32>, vector<126xf32> -> vector<128xf32>
    %stack3A_200 = vector.shape_cast %squeeze3A_174 : vector<128xf32> to vector<1x128xf32>
    %stack3A_201 = vector.shape_cast %broadcast_in_dim3A_5 : vector<128xf32> to vector<1x128xf32>
    %stack3A_202 = vector.shape_cast %squeeze3A_181 : vector<128xf32> to vector<1x128xf32>
    %stack3A_203 = vector.shape_cast %squeeze3A_188 : vector<128xf32> to vector<1x128xf32>
    %stack3A_204 = vector.shape_cast %squeeze3A_190 : vector<128xf32> to vector<1x128xf32>
    %stack3A_205 = vector.shape_cast %squeeze3A_192 : vector<128xf32> to vector<1x128xf32>
    %stack3A_206 = vector.shape_cast %concatenate3A_199 : vector<128xf32> to vector<1x128xf32>
    %stack3A_207 = vector.shape_cast %broadcast_in_dim3A_5 : vector<128xf32> to vector<1x128xf32>
    %stack3A_208 = tpu.concatenate %stack3A_200, %stack3A_201, %stack3A_202, %stack3A_203, %stack3A_204, %stack3A_205, %stack3A_206, %stack3A_207 in 0 : vector<1x128xf32>, vector<1x128xf32>, vector<1x128xf32>, vector<1x128xf32>, vector<1x128xf32>, vector<1x128xf32>, vector<1x128xf32>, vector<1x128xf32> -> vector<8x128xf32>
    %swap3A_209 = arith.constant 1 : index
    %swap3A_210 = arith.constant 0 : index
    %swap3A_211 = arith.constant 0 : index
    %swap3A_212 = vector.load %arg9[%swap3A_209, %swap3A_210, %swap3A_211] : memref<2x8x128xf32, #tpu.memory_space<vmem>>, vector<1x8x128xf32>
    %swap3A_213 = vector.shape_cast %swap3A_212 : vector<1x8x128xf32> to vector<8x128xf32>
    %swap3A_214 = vector.shape_cast %stack3A_208 : vector<8x128xf32> to vector<1x8x128xf32>
    tpu.vector_store %arg9[%swap3A_209, %swap3A_210, %swap3A_211], %swap3A_214 {strides = array<i32>} : memref<2x8x128xf32, #tpu.memory_space<vmem>>, vector<1x8x128xf32>,
    return
  }
}

module attributes {stable_mosaic.version = 14 : i64} {
  func.func @_tc2_body(%arg0: memref<2x16x256x128xf32, #tpu.memory_space<vmem>>, %arg1: memref<128x5xf32, #tpu.memory_space<vmem>>, %arg2: memref<1x6xf32, #tpu.memory_space<vmem>>, %arg3: memref<2x128x128xf32, #tpu.memory_space<vmem>>, %arg4: memref<2x128xf32, #tpu.memory_space<vmem>>, %arg5: memref<2x134x256xf32, #tpu.memory_space<vmem>>, %arg6: memref<2x256xf32, #tpu.memory_space<vmem>>, %arg7: memref<2x256x10xf32, #tpu.memory_space<vmem>>, %arg8: memref<2x10xf32, #tpu.memory_space<vmem>>, %arg9: memref<2x16x128xf32, #tpu.memory_space<vmem>>, %arg10: memref<2x128xf32, #tpu.memory_space<vmem>>, %arg11: memref<2x128x12xf32, #tpu.memory_space<vmem>>, %arg12: memref<2x12xf32, #tpu.memory_space<vmem>>, %arg13: memref<2x34x128xf32, #tpu.memory_space<vmem>>, %arg14: memref<2x128xf32, #tpu.memory_space<vmem>>, %arg15: memref<2x1x128xf32, #tpu.memory_space<vmem>>, %arg16: memref<2x1xf32, #tpu.memory_space<vmem>>, %arg17: memref<2x11x128xf32, #tpu.memory_space<vmem>>, %arg18: memref<2x128xf32, #tpu.memory_space<vmem>>, %arg19: memref<2x3x128x128xf32, #tpu.memory_space<vmem>>, %arg20: memref<2x8x128xf32, #tpu.memory_space<vmem>>, %arg21: memref<2x128x10xf32, #tpu.memory_space<vmem>>) attributes {dimension_semantics = [], scalar_prefetch = 0 : i64, scratch_operands = 0 : i64, tpu.core_type = #tpu.core_type<tc>} {
    %get3A = arith.constant 0 : index
    %get3A_0 = arith.constant 0 : index
    %get3A_1 = vector.load %arg1[%get3A, %get3A_0] : memref<128x5xf32, #tpu.memory_space<vmem>>, vector<128x5xf32>
    %get3A_2 = arith.constant 0 : index
    %get3A_3 = arith.constant 0 : index
    %get3A_4 = vector.load %arg2[%get3A_2, %get3A_3] : memref<1x6xf32, #tpu.memory_space<vmem>>, vector<1x6xf32>
    %broadcast_in_dim3A = arith.constant 0.000000e+00 : f32
    %broadcast_in_dim3A_5 = vector.broadcast %broadcast_in_dim3A : f32 to vector<128xf32>
    %get3A_6 = arith.constant 0 : index
    %get3A_7 = arith.constant 0 : index
    %get3A_8 = arith.constant 0 : index
    %get3A_9 = arith.constant 0 : index
    %get3A_10 = vector.load %arg0[%get3A_6, %get3A_7, %get3A_8, %get3A_9] : memref<2x16x256x128xf32, #tpu.memory_space<vmem>>, vector<1x1x256x128xf32>
    %get3A_11 = vector.shape_cast %get3A_10 : vector<1x1x256x128xf32> to vector<256x128xf32>
    %get3A_12 = arith.constant 0 : index
    %get3A_13 = arith.constant 1 : index
    %get3A_14 = arith.constant 0 : index
    %get3A_15 = arith.constant 0 : index
    %get3A_16 = vector.load %arg0[%get3A_12, %get3A_13, %get3A_14, %get3A_15] : memref<2x16x256x128xf32, #tpu.memory_space<vmem>>, vector<1x1x256x128xf32>
    %get3A_17 = vector.shape_cast %get3A_16 : vector<1x1x256x128xf32> to vector<256x128xf32>
    %add3A = arith.addf %get3A_11, %get3A_17 : vector<256x128xf32>
    %get3A_18 = arith.constant 0 : index
    %get3A_19 = arith.constant 2 : index
    %get3A_20 = arith.constant 0 : index
    %get3A_21 = arith.constant 0 : index
    %get3A_22 = vector.load %arg0[%get3A_18, %get3A_19, %get3A_20, %get3A_21] : memref<2x16x256x128xf32, #tpu.memory_space<vmem>>, vector<1x1x256x128xf32>
    %get3A_23 = vector.shape_cast %get3A_22 : vector<1x1x256x128xf32> to vector<256x128xf32>
    %add3A_24 = arith.addf %add3A, %get3A_23 : vector<256x128xf32>
    %get3A_25 = arith.constant 0 : index
    %get3A_26 = arith.constant 3 : index
    %get3A_27 = arith.constant 0 : index
    %get3A_28 = arith.constant 0 : index
    %get3A_29 = vector.load %arg0[%get3A_25, %get3A_26, %get3A_27, %get3A_28] : memref<2x16x256x128xf32, #tpu.memory_space<vmem>>, vector<1x1x256x128xf32>
    %get3A_30 = vector.shape_cast %get3A_29 : vector<1x1x256x128xf32> to vector<256x128xf32>
    %add3A_31 = arith.addf %add3A_24, %get3A_30 : vector<256x128xf32>
    %get3A_32 = arith.constant 0 : index
    %get3A_33 = arith.constant 4 : index
    %get3A_34 = arith.constant 0 : index
    %get3A_35 = arith.constant 0 : index
    %get3A_36 = vector.load %arg0[%get3A_32, %get3A_33, %get3A_34, %get3A_35] : memref<2x16x256x128xf32, #tpu.memory_space<vmem>>, vector<1x1x256x128xf32>
    %get3A_37 = vector.shape_cast %get3A_36 : vector<1x1x256x128xf32> to vector<256x128xf32>
    %add3A_38 = arith.addf %add3A_31, %get3A_37 : vector<256x128xf32>
    %get3A_39 = arith.constant 0 : index
    %get3A_40 = arith.constant 5 : index
    %get3A_41 = arith.constant 0 : index
    %get3A_42 = arith.constant 0 : index
    %get3A_43 = vector.load %arg0[%get3A_39, %get3A_40, %get3A_41, %get3A_42] : memref<2x16x256x128xf32, #tpu.memory_space<vmem>>, vector<1x1x256x128xf32>
    %get3A_44 = vector.shape_cast %get3A_43 : vector<1x1x256x128xf32> to vector<256x128xf32>
    %add3A_45 = arith.addf %add3A_38, %get3A_44 : vector<256x128xf32>
    %get3A_46 = arith.constant 0 : index
    %get3A_47 = arith.constant 6 : index
    %get3A_48 = arith.constant 0 : index
    %get3A_49 = arith.constant 0 : index
    %get3A_50 = vector.load %arg0[%get3A_46, %get3A_47, %get3A_48, %get3A_49] : memref<2x16x256x128xf32, #tpu.memory_space<vmem>>, vector<1x1x256x128xf32>
    %get3A_51 = vector.shape_cast %get3A_50 : vector<1x1x256x128xf32> to vector<256x128xf32>
    %add3A_52 = arith.addf %add3A_45, %get3A_51 : vector<256x128xf32>
    %get3A_53 = arith.constant 0 : index
    %get3A_54 = arith.constant 7 : index
    %get3A_55 = arith.constant 0 : index
    %get3A_56 = arith.constant 0 : index
    %get3A_57 = vector.load %arg0[%get3A_53, %get3A_54, %get3A_55, %get3A_56] : memref<2x16x256x128xf32, #tpu.memory_space<vmem>>, vector<1x1x256x128xf32>
    %get3A_58 = vector.shape_cast %get3A_57 : vector<1x1x256x128xf32> to vector<256x128xf32>
    %add3A_59 = arith.addf %add3A_52, %get3A_58 : vector<256x128xf32>
    %get3A_60 = arith.constant 0 : index
    %get3A_61 = arith.constant 8 : index
    %get3A_62 = arith.constant 0 : index
    %get3A_63 = arith.constant 0 : index
    %get3A_64 = vector.load %arg0[%get3A_60, %get3A_61, %get3A_62, %get3A_63] : memref<2x16x256x128xf32, #tpu.memory_space<vmem>>, vector<1x1x256x128xf32>
    %get3A_65 = vector.shape_cast %get3A_64 : vector<1x1x256x128xf32> to vector<256x128xf32>
    %add3A_66 = arith.addf %add3A_59, %get3A_65 : vector<256x128xf32>
    %get3A_67 = arith.constant 0 : index
    %get3A_68 = arith.constant 9 : index
    %get3A_69 = arith.constant 0 : index
    %get3A_70 = arith.constant 0 : index
    %get3A_71 = vector.load %arg0[%get3A_67, %get3A_68, %get3A_69, %get3A_70] : memref<2x16x256x128xf32, #tpu.memory_space<vmem>>, vector<1x1x256x128xf32>
    %get3A_72 = vector.shape_cast %get3A_71 : vector<1x1x256x128xf32> to vector<256x128xf32>
    %add3A_73 = arith.addf %add3A_66, %get3A_72 : vector<256x128xf32>
    %get3A_74 = arith.constant 0 : index
    %get3A_75 = arith.constant 10 : index
    %get3A_76 = arith.constant 0 : index
    %get3A_77 = arith.constant 0 : index
    %get3A_78 = vector.load %arg0[%get3A_74, %get3A_75, %get3A_76, %get3A_77] : memref<2x16x256x128xf32, #tpu.memory_space<vmem>>, vector<1x1x256x128xf32>
    %get3A_79 = vector.shape_cast %get3A_78 : vector<1x1x256x128xf32> to vector<256x128xf32>
    %add3A_80 = arith.addf %add3A_73, %get3A_79 : vector<256x128xf32>
    %get3A_81 = arith.constant 0 : index
    %get3A_82 = arith.constant 11 : index
    %get3A_83 = arith.constant 0 : index
    %get3A_84 = arith.constant 0 : index
    %get3A_85 = vector.load %arg0[%get3A_81, %get3A_82, %get3A_83, %get3A_84] : memref<2x16x256x128xf32, #tpu.memory_space<vmem>>, vector<1x1x256x128xf32>
    %get3A_86 = vector.shape_cast %get3A_85 : vector<1x1x256x128xf32> to vector<256x128xf32>
    %add3A_87 = arith.addf %add3A_80, %get3A_86 : vector<256x128xf32>
    %get3A_88 = arith.constant 0 : index
    %get3A_89 = arith.constant 12 : index
    %get3A_90 = arith.constant 0 : index
    %get3A_91 = arith.constant 0 : index
    %get3A_92 = vector.load %arg0[%get3A_88, %get3A_89, %get3A_90, %get3A_91] : memref<2x16x256x128xf32, #tpu.memory_space<vmem>>, vector<1x1x256x128xf32>
    %get3A_93 = vector.shape_cast %get3A_92 : vector<1x1x256x128xf32> to vector<256x128xf32>
    %add3A_94 = arith.addf %add3A_87, %get3A_93 : vector<256x128xf32>
    %get3A_95 = arith.constant 0 : index
    %get3A_96 = arith.constant 13 : index
    %get3A_97 = arith.constant 0 : index
    %get3A_98 = arith.constant 0 : index
    %get3A_99 = vector.load %arg0[%get3A_95, %get3A_96, %get3A_97, %get3A_98] : memref<2x16x256x128xf32, #tpu.memory_space<vmem>>, vector<1x1x256x128xf32>
    %get3A_100 = vector.shape_cast %get3A_99 : vector<1x1x256x128xf32> to vector<256x128xf32>
    %add3A_101 = arith.addf %add3A_94, %get3A_100 : vector<256x128xf32>
    %get3A_102 = arith.constant 0 : index
    %get3A_103 = arith.constant 14 : index
    %get3A_104 = arith.constant 0 : index
    %get3A_105 = arith.constant 0 : index
    %get3A_106 = vector.load %arg0[%get3A_102, %get3A_103, %get3A_104, %get3A_105] : memref<2x16x256x128xf32, #tpu.memory_space<vmem>>, vector<1x1x256x128xf32>
    %get3A_107 = vector.shape_cast %get3A_106 : vector<1x1x256x128xf32> to vector<256x128xf32>
    %add3A_108 = arith.addf %add3A_101, %get3A_107 : vector<256x128xf32>
    %get3A_109 = arith.constant 0 : index
    %get3A_110 = arith.constant 15 : index
    %get3A_111 = arith.constant 0 : index
    %get3A_112 = arith.constant 0 : index
    %get3A_113 = vector.load %arg0[%get3A_109, %get3A_110, %get3A_111, %get3A_112] : memref<2x16x256x128xf32, #tpu.memory_space<vmem>>, vector<1x1x256x128xf32>
    %get3A_114 = vector.shape_cast %get3A_113 : vector<1x1x256x128xf32> to vector<256x128xf32>
    %add3A_115 = arith.addf %add3A_108, %get3A_114 : vector<256x128xf32>
    %slice3A = vector.extract_strided_slice %add3A_115 {offsets = [0, 0], sizes = [128, 128], strides = [1, 1]} : vector<256x128xf32> to vector<128x128xf32>
    %get3A_116 = arith.constant 0 : index
    %get3A_117 = arith.constant 0 : index
    %get3A_118 = arith.constant 0 : index
    %get3A_119 = vector.load %arg3[%get3A_116, %get3A_117, %get3A_118] : memref<2x128x128xf32, #tpu.memory_space<vmem>>, vector<1x128x128xf32>
    %get3A_120 = vector.shape_cast %get3A_119 : vector<1x128x128xf32> to vector<128x128xf32>
    %dot_general3A = arith.constant dense<0.000000e+00> : vector<128x128xf32>
    %dot_general3A_121 = tpu.matmul %slice3A, %get3A_120, %dot_general3A {dimension_numbers = #tpu.dot_dimension_numbers<[0], [0], [1], [1], [0, 1, 1, 1], [], []>, transpose_lhs_hint = false} : vector<128x128xf32>, vector<128x128xf32>, vector<128x128xf32> -> vector<128x128xf32>
    %slice3A_122 = vector.extract_strided_slice %dot_general3A_121 {offsets = [0, 0], sizes = [120, 128], strides = [1, 1]} : vector<128x128xf32> to vector<120x128xf32>
    %slice3A_123 = vector.extract_strided_slice %add3A_115 {offsets = [128, 0], sizes = [120, 1], strides = [1, 1]} : vector<256x128xf32> to vector<120x1xf32>
    %get3A_124 = arith.constant 0 : index
    %get3A_125 = arith.constant 0 : index
    %get3A_126 = vector.load %arg4[%get3A_124, %get3A_125] : memref<2x128xf32, #tpu.memory_space<vmem>>, vector<1x128xf32>
    %get3A_127 = vector.shape_cast %get3A_126 : vector<1x128xf32> to vector<128xf32>
    %broadcast_in_dim3A_128 = vector.shape_cast %get3A_127 : vector<128xf32> to vector<1x128xf32>
    %mul3A = vector.broadcast %slice3A_123 : vector<120x1xf32> to vector<120x128xf32>
    %mul3A_129 = vector.broadcast %broadcast_in_dim3A_128 : vector<1x128xf32> to vector<120x128xf32>
    %mul3A_130 = arith.mulf %mul3A, %mul3A_129 : vector<120x128xf32>
    %add3A_131 = arith.addf %slice3A_122, %mul3A_130 : vector<120x128xf32>
    %slice3A_132 = vector.extract_strided_slice %add3A_115 {offsets = [128, 0], sizes = [120, 1], strides = [1, 1]} : vector<256x128xf32> to vector<120x1xf32>
    %max3A = arith.constant 1.000000e+00 : f32
    %max3A_133 = vector.broadcast %max3A : f32 to vector<120x1xf32>
    %max3A_134 = arith.maximumf %slice3A_132, %max3A_133 : vector<120x1xf32>
    %div3A = vector.broadcast %max3A_134 : vector<120x1xf32> to vector<120x128xf32>
    %div3A_135 = arith.divf %add3A_131, %div3A : vector<120x128xf32>
    %get3A_136 = arith.constant 0 : index
    %get3A_137 = arith.constant 0 : index
    %get3A_138 = arith.constant 0 : index
    %get3A_139 = vector.load %arg5[%get3A_136, %get3A_137, %get3A_138] : memref<2x134x256xf32, #tpu.memory_space<vmem>>, vector<1x134x256xf32>
    %get3A_140 = vector.shape_cast %get3A_139 : vector<1x134x256xf32> to vector<134x256xf32>
    %slice3A_141 = vector.extract_strided_slice %get3A_1 {offsets = [0, 0], sizes = [120, 5], strides = [1, 1]} : vector<128x5xf32> to vector<120x5xf32>
    %slice3A_142 = vector.extract_strided_slice %get3A_140 {offsets = [0, 0], sizes = [5, 256], strides = [1, 1]} : vector<134x256xf32> to vector<5x256xf32>
    %convert_element_type3A = arith.truncf %slice3A_141 : vector<120x5xf32> to vector<120x5xbf16>
    %convert_element_type3A_143 = arith.extf %convert_element_type3A : vector<120x5xbf16> to vector<120x5xf32>
    %convert_element_type3A_144 = arith.truncf %slice3A_142 : vector<5x256xf32> to vector<5x256xbf16>
    %convert_element_type3A_145 = arith.extf %convert_element_type3A_144 : vector<5x256xbf16> to vector<5x256xf32>
    %dot_general3A_146 = arith.constant dense<0.000000e+00> : vector<120x256xf32>
    %dot_general3A_147 = tpu.matmul %convert_element_type3A_143, %convert_element_type3A_145, %dot_general3A_146 {dimension_numbers = #tpu.dot_dimension_numbers<[1], [0], [0], [1], [0, 0, 1, 1], [], []>, precision = #tpu.contract_precision<fp32>, transpose_lhs_hint = false} : vector<120x5xf32>, vector<5x256xf32>, vector<120x256xf32> -> vector<120x256xf32>
    %slice3A_148 = vector.extract_strided_slice %get3A_140 {offsets = [5, 0], sizes = [128, 256], strides = [1, 1]} : vector<134x256xf32> to vector<128x256xf32>
    %convert_element_type3A_149 = arith.truncf %div3A_135 : vector<120x128xf32> to vector<120x128xbf16>
    %convert_element_type3A_150 = arith.extf %convert_element_type3A_149 : vector<120x128xbf16> to vector<120x128xf32>
    %convert_element_type3A_151 = arith.truncf %slice3A_148 : vector<128x256xf32> to vector<128x256xbf16>
    %convert_element_type3A_152 = arith.extf %convert_element_type3A_151 : vector<128x256xbf16> to vector<128x256xf32>
    %dot_general3A_153 = arith.constant dense<0.000000e+00> : vector<120x256xf32>
    %dot_general3A_154 = tpu.matmul %convert_element_type3A_150, %convert_element_type3A_152, %dot_general3A_153 {dimension_numbers = #tpu.dot_dimension_numbers<[1], [0], [0], [1], [0, 0, 1, 1], [], []>, precision = #tpu.contract_precision<fp32>, transpose_lhs_hint = false} : vector<120x128xf32>, vector<128x256xf32>, vector<120x256xf32> -> vector<120x256xf32>
    %add3A_155 = arith.addf %dot_general3A_147, %dot_general3A_154 : vector<120x256xf32>
    %convert_element_type3A_156 = arith.truncf %slice3A_132 : vector<120x1xf32> to vector<120x1xbf16>
    %convert_element_type3A_157 = arith.extf %convert_element_type3A_156 : vector<120x1xbf16> to vector<120x1xf32>
    %slice3A_158 = vector.extract_strided_slice %get3A_140 {offsets = [133, 0], sizes = [1, 256], strides = [1, 1]} : vector<134x256xf32> to vector<1x256xf32>
    %squeeze3A = vector.shape_cast %slice3A_158 : vector<1x256xf32> to vector<256xf32>
    %convert_element_type3A_159 = arith.truncf %squeeze3A : vector<256xf32> to vector<256xbf16>
    %convert_element_type3A_160 = arith.extf %convert_element_type3A_159 : vector<256xbf16> to vector<256xf32>
    %broadcast_in_dim3A_161 = vector.shape_cast %convert_element_type3A_160 : vector<256xf32> to vector<1x256xf32>
    %mul3A_162 = vector.broadcast %convert_element_type3A_157 : vector<120x1xf32> to vector<120x256xf32>
    %mul3A_163 = vector.broadcast %broadcast_in_dim3A_161 : vector<1x256xf32> to vector<120x256xf32>
    %mul3A_164 = arith.mulf %mul3A_162, %mul3A_163 : vector<120x256xf32>
    %add3A_165 = arith.addf %add3A_155, %mul3A_164 : vector<120x256xf32>
    %get3A_166 = arith.constant 0 : index
    %get3A_167 = arith.constant 0 : index
    %get3A_168 = vector.load %arg6[%get3A_166, %get3A_167] : memref<2x256xf32, #tpu.memory_space<vmem>>, vector<1x256xf32>
    %get3A_169 = vector.shape_cast %get3A_168 : vector<1x256xf32> to vector<256xf32>
    %broadcast_in_dim3A_170 = vector.shape_cast %get3A_169 : vector<256xf32> to vector<1x256xf32>
    %add3A_171 = vector.broadcast %broadcast_in_dim3A_170 : vector<1x256xf32> to vector<120x256xf32>
    %add3A_172 = arith.addf %add3A_165, %add3A_171 : vector<120x256xf32>
    %max3A_173 = arith.constant 0.000000e+00 : f32
    %max3A_174 = vector.broadcast %max3A_173 : f32 to vector<120x256xf32>
    %max3A_175 = arith.maximumf %add3A_172, %max3A_174 : vector<120x256xf32>
    %get3A_176 = arith.constant 0 : index
    %get3A_177 = arith.constant 0 : index
    %get3A_178 = arith.constant 0 : index
    %get3A_179 = vector.load %arg7[%get3A_176, %get3A_177, %get3A_178] : memref<2x256x10xf32, #tpu.memory_space<vmem>>, vector<1x256x10xf32>
    %get3A_180 = vector.shape_cast %get3A_179 : vector<1x256x10xf32> to vector<256x10xf32>
    %convert_element_type3A_181 = arith.truncf %max3A_175 : vector<120x256xf32> to vector<120x256xbf16>
    %convert_element_type3A_182 = arith.extf %convert_element_type3A_181 : vector<120x256xbf16> to vector<120x256xf32>
    %convert_element_type3A_183 = arith.truncf %get3A_180 : vector<256x10xf32> to vector<256x10xbf16>
    %convert_element_type3A_184 = arith.extf %convert_element_type3A_183 : vector<256x10xbf16> to vector<256x10xf32>
    %dot_general3A_185 = arith.constant dense<0.000000e+00> : vector<120x10xf32>
    %dot_general3A_186 = tpu.matmul %convert_element_type3A_182, %convert_element_type3A_184, %dot_general3A_185 {dimension_numbers = #tpu.dot_dimension_numbers<[1], [0], [0], [1], [0, 0, 1, 1], [], []>, precision = #tpu.contract_precision<fp32>, transpose_lhs_hint = false} : vector<120x256xf32>, vector<256x10xf32>, vector<120x10xf32> -> vector<120x10xf32>
    %get3A_187 = arith.constant 0 : index
    %get3A_188 = arith.constant 0 : index
    %get3A_189 = vector.load %arg8[%get3A_187, %get3A_188] : memref<2x10xf32, #tpu.memory_space<vmem>>, vector<1x10xf32>
    %get3A_190 = vector.shape_cast %get3A_189 : vector<1x10xf32> to vector<10xf32>
    %broadcast_in_dim3A_191 = vector.shape_cast %get3A_190 : vector<10xf32> to vector<1x10xf32>
    %add3A_192 = vector.broadcast %broadcast_in_dim3A_191 : vector<1x10xf32> to vector<120x10xf32>
    %add3A_193 = arith.addf %dot_general3A_186, %add3A_192 : vector<120x10xf32>
    %broadcast_in_dim3A_194 = arith.constant 0.000000e+00 : f32
    %broadcast_in_dim3A_195 = vector.broadcast %broadcast_in_dim3A_194 : f32 to vector<8x10xf32>
    %concatenate3A = tpu.concatenate %add3A_193, %broadcast_in_dim3A_195 in 0 : vector<120x10xf32>, vector<8x10xf32> -> vector<128x10xf32>
    %swap3A = arith.constant 0 : index
    %swap3A_196 = arith.constant 0 : index
    %swap3A_197 = arith.constant 0 : index
    %swap3A_198 = vector.load %arg21[%swap3A, %swap3A_196, %swap3A_197] : memref<2x128x10xf32, #tpu.memory_space<vmem>>, vector<1x128x10xf32>
    %swap3A_199 = vector.shape_cast %swap3A_198 : vector<1x128x10xf32> to vector<128x10xf32>
    %swap3A_200 = vector.shape_cast %concatenate3A : vector<128x10xf32> to vector<1x128x10xf32>
    tpu.vector_store %arg21[%swap3A, %swap3A_196, %swap3A_197], %swap3A_200 {strides = array<i32>} : memref<2x128x10xf32, #tpu.memory_space<vmem>>, vector<1x128x10xf32>,
    %reduce_sum3A = arith.constant dense<0.000000e+00> : vector<10xf32>
    %reduce_sum3A_201 = vector.multi_reduction <add>, %add3A_193, %reduce_sum3A [0] : vector<120x10xf32> to vector<10xf32>
    %broadcast_in_dim3A_202 = vector.shape_cast %reduce_sum3A_201 : vector<10xf32> to vector<1x10xf32>
    %div3A_203 = arith.constant 1.200000e+02 : f32
    %div3A_204 = vector.broadcast %div3A_203 : f32 to vector<1x10xf32>
    %div3A_205 = arith.divf %broadcast_in_dim3A_202, %div3A_204 : vector<1x10xf32>
    %get3A_206 = arith.constant 0 : index
    %get3A_207 = arith.constant 0 : index
    %get3A_208 = arith.constant 0 : index
    %get3A_209 = vector.load %arg9[%get3A_206, %get3A_207, %get3A_208] : memref<2x16x128xf32, #tpu.memory_space<vmem>>, vector<1x16x128xf32>
    %get3A_210 = vector.shape_cast %get3A_209 : vector<1x16x128xf32> to vector<16x128xf32>
    %slice3A_211 = vector.extract_strided_slice %get3A_210 {offsets = [0, 0], sizes = [6, 128], strides = [1, 1]} : vector<16x128xf32> to vector<6x128xf32>
    %dot_general3A_212 = arith.constant dense<0.000000e+00> : vector<1x128xf32>
    %dot_general3A_213 = tpu.matmul %get3A_4, %slice3A_211, %dot_general3A_212 {dimension_numbers = #tpu.dot_dimension_numbers<[1], [0], [0], [1], [0, 0, 1, 1], [], []>, transpose_lhs_hint = false} : vector<1x6xf32>, vector<6x128xf32>, vector<1x128xf32> -> vector<1x128xf32>
    %slice3A_214 = vector.extract_strided_slice %get3A_210 {offsets = [6, 0], sizes = [10, 128], strides = [1, 1]} : vector<16x128xf32> to vector<10x128xf32>
    %dot_general3A_215 = arith.constant dense<0.000000e+00> : vector<1x128xf32>
    %dot_general3A_216 = tpu.matmul %div3A_205, %slice3A_214, %dot_general3A_215 {dimension_numbers = #tpu.dot_dimension_numbers<[1], [0], [0], [1], [0, 0, 1, 1], [], []>, transpose_lhs_hint = false} : vector<1x10xf32>, vector<10x128xf32>, vector<1x128xf32> -> vector<1x128xf32>
    %add3A_217 = arith.addf %dot_general3A_213, %dot_general3A_216 : vector<1x128xf32>
    %get3A_218 = arith.constant 0 : index
    %get3A_219 = arith.constant 0 : index
    %get3A_220 = vector.load %arg10[%get3A_218, %get3A_219] : memref<2x128xf32, #tpu.memory_space<vmem>>, vector<1x128xf32>
    %get3A_221 = vector.shape_cast %get3A_220 : vector<1x128xf32> to vector<128xf32>
    %broadcast_in_dim3A_222 = vector.shape_cast %get3A_221 : vector<128xf32> to vector<1x128xf32>
    %add3A_223 = arith.addf %add3A_217, %broadcast_in_dim3A_222 : vector<1x128xf32>
    %max3A_224 = arith.constant 0.000000e+00 : f32
    %max3A_225 = vector.broadcast %max3A_224 : f32 to vector<1x128xf32>
    %max3A_226 = arith.maximumf %add3A_223, %max3A_225 : vector<1x128xf32>
    %get3A_227 = arith.constant 0 : index
    %get3A_228 = arith.constant 0 : index
    %get3A_229 = arith.constant 0 : index
    %get3A_230 = vector.load %arg11[%get3A_227, %get3A_228, %get3A_229] : memref<2x128x12xf32, #tpu.memory_space<vmem>>, vector<1x128x12xf32>
    %get3A_231 = vector.shape_cast %get3A_230 : vector<1x128x12xf32> to vector<128x12xf32>
    %dot_general3A_232 = arith.constant dense<0.000000e+00> : vector<1x12xf32>
    %dot_general3A_233 = tpu.matmul %max3A_226, %get3A_231, %dot_general3A_232 {dimension_numbers = #tpu.dot_dimension_numbers<[1], [0], [0], [1], [0, 0, 1, 1], [], []>, transpose_lhs_hint = false} : vector<1x128xf32>, vector<128x12xf32>, vector<1x12xf32> -> vector<1x12xf32>
    %get3A_234 = arith.constant 0 : index
    %get3A_235 = arith.constant 0 : index
    %get3A_236 = vector.load %arg12[%get3A_234, %get3A_235] : memref<2x12xf32, #tpu.memory_space<vmem>>, vector<1x12xf32>
    %get3A_237 = vector.shape_cast %get3A_236 : vector<1x12xf32> to vector<12xf32>
    %broadcast_in_dim3A_238 = vector.shape_cast %get3A_237 : vector<12xf32> to vector<1x12xf32>
    %add3A_239 = arith.addf %dot_general3A_233, %broadcast_in_dim3A_238 : vector<1x12xf32>
    %get3A_240 = arith.constant 0 : index
    %get3A_241 = arith.constant 0 : index
    %get3A_242 = arith.constant 0 : index
    %get3A_243 = vector.load %arg13[%get3A_240, %get3A_241, %get3A_242] : memref<2x34x128xf32, #tpu.memory_space<vmem>>, vector<1x34x128xf32>
    %get3A_244 = vector.shape_cast %get3A_243 : vector<1x34x128xf32> to vector<34x128xf32>
    %get3A_245 = arith.constant 0 : index
    %get3A_246 = arith.constant 0 : index
    %get3A_247 = arith.constant 0 : index
    %get3A_248 = vector.load %arg17[%get3A_245, %get3A_246, %get3A_247] : memref<2x11x128xf32, #tpu.memory_space<vmem>>, vector<1x11x128xf32>
    %get3A_249 = vector.shape_cast %get3A_248 : vector<1x11x128xf32> to vector<11x128xf32>
    %slice3A_250 = vector.extract_strided_slice %get3A_244 {offsets = [0, 0], sizes = [10, 128], strides = [1, 1]} : vector<34x128xf32> to vector<10x128xf32>
    %dot_general3A_251 = arith.constant dense<0.000000e+00> : vector<128x128xf32>
    %dot_general3A_252 = tpu.matmul %slice3A_250, %concatenate3A, %dot_general3A_251 {dimension_numbers = #tpu.dot_dimension_numbers<[0], [1], [1], [0], [0, 1, 1, 0], [], []>, transpose_lhs_hint = false} : vector<10x128xf32>, vector<128x10xf32>, vector<128x128xf32> -> vector<128x128xf32>
    %slice3A_253 = vector.extract_strided_slice %get3A_244 {offsets = [22, 0], sizes = [12, 128], strides = [1, 1]} : vector<34x128xf32> to vector<12x128xf32>
    %dot_general3A_254 = arith.constant dense<0.000000e+00> : vector<1x128xf32>
    %dot_general3A_255 = tpu.matmul %add3A_239, %slice3A_253, %dot_general3A_254 {dimension_numbers = #tpu.dot_dimension_numbers<[1], [0], [0], [1], [0, 0, 1, 1], [], []>, transpose_lhs_hint = false} : vector<1x12xf32>, vector<12x128xf32>, vector<1x128xf32> -> vector<1x128xf32>
    %get3A_256 = arith.constant 0 : index
    %get3A_257 = arith.constant 0 : index
    %get3A_258 = vector.load %arg14[%get3A_256, %get3A_257] : memref<2x128xf32, #tpu.memory_space<vmem>>, vector<1x128xf32>
    %get3A_259 = vector.shape_cast %get3A_258 : vector<1x128xf32> to vector<128xf32>
    %broadcast_in_dim3A_260 = vector.shape_cast %get3A_259 : vector<128xf32> to vector<1x128xf32>
    %add3A_261 = arith.addf %dot_general3A_255, %broadcast_in_dim3A_260 : vector<1x128xf32>
    %broadcast_in_dim3A_262 = arith.constant 1.000000e+00 : f32
    %broadcast_in_dim3A_263 = vector.broadcast %broadcast_in_dim3A_262 : f32 to vector<1x1xf32>
    %dot_general3A_264 = arith.constant dense<0.000000e+00> : vector<128x1xf32>
    %dot_general3A_265 = tpu.matmul %add3A_261, %broadcast_in_dim3A_263, %dot_general3A_264 {dimension_numbers = #tpu.dot_dimension_numbers<[0], [0], [1], [1], [0, 1, 1, 1], [], []>, transpose_lhs_hint = false} : vector<1x128xf32>, vector<1x1xf32>, vector<128x1xf32> -> vector<128x1xf32>
    %add3A_266 = vector.broadcast %dot_general3A_265 : vector<128x1xf32> to vector<128x128xf32>
    %add3A_267 = arith.addf %dot_general3A_252, %add3A_266 : vector<128x128xf32>
    %swap3A_268 = arith.constant 0 : index
    %swap3A_269 = arith.constant 0 : index
    %swap3A_270 = arith.constant 0 : index
    %swap3A_271 = arith.constant 0 : index
    %swap3A_272 = vector.load %arg19[%swap3A_268, %swap3A_269, %swap3A_270, %swap3A_271] : memref<2x3x128x128xf32, #tpu.memory_space<vmem>>, vector<1x1x128x128xf32>
    %swap3A_273 = vector.shape_cast %swap3A_272 : vector<1x1x128x128xf32> to vector<128x128xf32>
    %swap3A_274 = vector.shape_cast %add3A_267 : vector<128x128xf32> to vector<1x1x128x128xf32>
    tpu.vector_store %arg19[%swap3A_268, %swap3A_269, %swap3A_270, %swap3A_271], %swap3A_274 {strides = array<i32>} : memref<2x3x128x128xf32, #tpu.memory_space<vmem>>, vector<1x1x128x128xf32>,
    %slice3A_275 = vector.extract_strided_slice %get3A_244 {offsets = [10, 0], sizes = [10, 128], strides = [1, 1]} : vector<34x128xf32> to vector<10x128xf32>
    %dot_general3A_276 = arith.constant dense<0.000000e+00> : vector<128x128xf32>
    %dot_general3A_277 = tpu.matmul %slice3A_275, %concatenate3A, %dot_general3A_276 {dimension_numbers = #tpu.dot_dimension_numbers<[0], [1], [1], [0], [0, 1, 1, 0], [], []>, transpose_lhs_hint = false} : vector<10x128xf32>, vector<128x10xf32>, vector<128x128xf32> -> vector<128x128xf32>
    %swap3A_278 = arith.constant 0 : index
    %swap3A_279 = arith.constant 1 : index
    %swap3A_280 = arith.constant 0 : index
    %swap3A_281 = arith.constant 0 : index
    %swap3A_282 = vector.load %arg19[%swap3A_278, %swap3A_279, %swap3A_280, %swap3A_281] : memref<2x3x128x128xf32, #tpu.memory_space<vmem>>, vector<1x1x128x128xf32>
    %swap3A_283 = vector.shape_cast %swap3A_282 : vector<1x1x128x128xf32> to vector<128x128xf32>
    %swap3A_284 = vector.shape_cast %dot_general3A_277 : vector<128x128xf32> to vector<1x1x128x128xf32>
    tpu.vector_store %arg19[%swap3A_278, %swap3A_279, %swap3A_280, %swap3A_281], %swap3A_284 {strides = array<i32>} : memref<2x3x128x128xf32, #tpu.memory_space<vmem>>, vector<1x1x128x128xf32>,
    %slice3A_285 = vector.extract_strided_slice %get3A_249 {offsets = [0, 0], sizes = [10, 128], strides = [1, 1]} : vector<11x128xf32> to vector<10x128xf32>
    %dot_general3A_286 = arith.constant dense<0.000000e+00> : vector<128x128xf32>
    %dot_general3A_287 = tpu.matmul %slice3A_285, %concatenate3A, %dot_general3A_286 {dimension_numbers = #tpu.dot_dimension_numbers<[0], [1], [1], [0], [0, 1, 1, 0], [], []>, transpose_lhs_hint = false} : vector<10x128xf32>, vector<128x10xf32>, vector<128x128xf32> -> vector<128x128xf32>
    %get3A_288 = arith.constant 0 : index
    %get3A_289 = arith.constant 0 : index
    %get3A_290 = vector.load %arg18[%get3A_288, %get3A_289] : memref<2x128xf32, #tpu.memory_space<vmem>>, vector<1x128xf32>
    %get3A_291 = vector.shape_cast %get3A_290 : vector<1x128xf32> to vector<128xf32>
    %broadcast_in_dim3A_292 = vector.shape_cast %get3A_291 : vector<128xf32> to vector<1x128xf32>
    %broadcast_in_dim3A_293 = arith.constant 1.000000e+00 : f32
    %broadcast_in_dim3A_294 = vector.broadcast %broadcast_in_dim3A_293 : f32 to vector<1x1xf32>
    %dot_general3A_295 = arith.constant dense<0.000000e+00> : vector<128x1xf32>
    %dot_general3A_296 = tpu.matmul %broadcast_in_dim3A_292, %broadcast_in_dim3A_294, %dot_general3A_295 {dimension_numbers = #tpu.dot_dimension_numbers<[0], [0], [1], [1], [0, 1, 1, 1], [], []>, transpose_lhs_hint = false} : vector<1x128xf32>, vector<1x1xf32>, vector<128x1xf32> -> vector<128x1xf32>
    %add3A_297 = vector.broadcast %dot_general3A_296 : vector<128x1xf32> to vector<128x128xf32>
    %add3A_298 = arith.addf %dot_general3A_287, %add3A_297 : vector<128x128xf32>
    %swap3A_299 = arith.constant 0 : index
    %swap3A_300 = arith.constant 2 : index
    %swap3A_301 = arith.constant 0 : index
    %swap3A_302 = arith.constant 0 : index
    %swap3A_303 = vector.load %arg19[%swap3A_299, %swap3A_300, %swap3A_301, %swap3A_302] : memref<2x3x128x128xf32, #tpu.memory_space<vmem>>, vector<1x1x128x128xf32>
    %swap3A_304 = vector.shape_cast %swap3A_303 : vector<1x1x128x128xf32> to vector<128x128xf32>
    %swap3A_305 = vector.shape_cast %add3A_298 : vector<128x128xf32> to vector<1x1x128x128xf32>
    tpu.vector_store %arg19[%swap3A_299, %swap3A_300, %swap3A_301, %swap3A_302], %swap3A_305 {strides = array<i32>} : memref<2x3x128x128xf32, #tpu.memory_space<vmem>>, vector<1x1x128x128xf32>,
    %slice3A_306 = vector.extract_strided_slice %get3A_244 {offsets = [20, 0], sizes = [1, 128], strides = [1, 1]} : vector<34x128xf32> to vector<1x128xf32>
    %squeeze3A_307 = vector.shape_cast %slice3A_306 : vector<1x128xf32> to vector<128xf32>
    %slice3A_308 = vector.extract_strided_slice %get3A_244 {offsets = [21, 0], sizes = [1, 128], strides = [1, 1]} : vector<34x128xf32> to vector<1x128xf32>
    %squeeze3A_309 = vector.shape_cast %slice3A_308 : vector<1x128xf32> to vector<128xf32>
    %get3A_310 = arith.constant 0 : index
    %get3A_311 = arith.constant 0 : index
    %get3A_312 = arith.constant 0 : index
    %get3A_313 = vector.load %arg15[%get3A_310, %get3A_311, %get3A_312] : memref<2x1x128xf32, #tpu.memory_space<vmem>>, vector<1x1x128xf32>
    %get3A_314 = vector.shape_cast %get3A_313 : vector<1x1x128xf32> to vector<1x128xf32>
    %squeeze3A_315 = vector.shape_cast %get3A_314 : vector<1x128xf32> to vector<128xf32>
    %slice3A_316 = vector.extract_strided_slice %get3A_249 {offsets = [10, 0], sizes = [1, 128], strides = [1, 1]} : vector<11x128xf32> to vector<1x128xf32>
    %squeeze3A_317 = vector.shape_cast %slice3A_316 : vector<1x128xf32> to vector<128xf32>
    %get3A_318 = arith.constant 0 : index
    %get3A_319 = arith.constant 0 : index
    %get3A_320 = vector.load %arg16[%get3A_318, %get3A_319] : memref<2x1xf32, #tpu.memory_space<vmem>>, vector<1x1xf32>
    %get3A_321 = vector.shape_cast %get3A_320 : vector<1x1xf32> to vector<1xf32>
    %broadcast_in_dim3A_322 = arith.constant 0.000000e+00 : f32
    %broadcast_in_dim3A_323 = vector.broadcast %broadcast_in_dim3A_322 : f32 to vector<127xf32>
    %concatenate3A_324 = tpu.concatenate %get3A_321, %broadcast_in_dim3A_323 in 0 : vector<1xf32>, vector<127xf32> -> vector<128xf32>
    %stack3A = vector.shape_cast %squeeze3A_307 : vector<128xf32> to vector<1x128xf32>
    %stack3A_325 = vector.shape_cast %squeeze3A_309 : vector<128xf32> to vector<1x128xf32>
    %stack3A_326 = vector.shape_cast %squeeze3A_315 : vector<128xf32> to vector<1x128xf32>
    %stack3A_327 = vector.shape_cast %broadcast_in_dim3A_5 : vector<128xf32> to vector<1x128xf32>
    %stack3A_328 = vector.shape_cast %squeeze3A_317 : vector<128xf32> to vector<1x128xf32>
    %stack3A_329 = vector.shape_cast %broadcast_in_dim3A_5 : vector<128xf32> to vector<1x128xf32>
    %stack3A_330 = vector.shape_cast %concatenate3A_324 : vector<128xf32> to vector<1x128xf32>
    %stack3A_331 = vector.shape_cast %broadcast_in_dim3A_5 : vector<128xf32> to vector<1x128xf32>
    %stack3A_332 = tpu.concatenate %stack3A, %stack3A_325, %stack3A_326, %stack3A_327, %stack3A_328, %stack3A_329, %stack3A_330, %stack3A_331 in 0 : vector<1x128xf32>, vector<1x128xf32>, vector<1x128xf32>, vector<1x128xf32>, vector<1x128xf32>, vector<1x128xf32>, vector<1x128xf32>, vector<1x128xf32> -> vector<8x128xf32>
    %swap3A_333 = arith.constant 0 : index
    %swap3A_334 = arith.constant 0 : index
    %swap3A_335 = arith.constant 0 : index
    %swap3A_336 = vector.load %arg20[%swap3A_333, %swap3A_334, %swap3A_335] : memref<2x8x128xf32, #tpu.memory_space<vmem>>, vector<1x8x128xf32>
    %swap3A_337 = vector.shape_cast %swap3A_336 : vector<1x8x128xf32> to vector<8x128xf32>
    %swap3A_338 = vector.shape_cast %stack3A_332 : vector<8x128xf32> to vector<1x8x128xf32>
    tpu.vector_store %arg20[%swap3A_333, %swap3A_334, %swap3A_335], %swap3A_338 {strides = array<i32>} : memref<2x8x128xf32, #tpu.memory_space<vmem>>, vector<1x8x128xf32>,
    %get3A_339 = arith.constant 1 : index
    %get3A_340 = arith.constant 0 : index
    %get3A_341 = arith.constant 0 : index
    %get3A_342 = arith.constant 0 : index
    %get3A_343 = vector.load %arg0[%get3A_339, %get3A_340, %get3A_341, %get3A_342] : memref<2x16x256x128xf32, #tpu.memory_space<vmem>>, vector<1x1x256x128xf32>
    %get3A_344 = vector.shape_cast %get3A_343 : vector<1x1x256x128xf32> to vector<256x128xf32>
    %get3A_345 = arith.constant 1 : index
    %get3A_346 = arith.constant 1 : index
    %get3A_347 = arith.constant 0 : index
    %get3A_348 = arith.constant 0 : index
    %get3A_349 = vector.load %arg0[%get3A_345, %get3A_346, %get3A_347, %get3A_348] : memref<2x16x256x128xf32, #tpu.memory_space<vmem>>, vector<1x1x256x128xf32>
    %get3A_350 = vector.shape_cast %get3A_349 : vector<1x1x256x128xf32> to vector<256x128xf32>
    %add3A_351 = arith.addf %get3A_344, %get3A_350 : vector<256x128xf32>
    %get3A_352 = arith.constant 1 : index
    %get3A_353 = arith.constant 2 : index
    %get3A_354 = arith.constant 0 : index
    %get3A_355 = arith.constant 0 : index
    %get3A_356 = vector.load %arg0[%get3A_352, %get3A_353, %get3A_354, %get3A_355] : memref<2x16x256x128xf32, #tpu.memory_space<vmem>>, vector<1x1x256x128xf32>
    %get3A_357 = vector.shape_cast %get3A_356 : vector<1x1x256x128xf32> to vector<256x128xf32>
    %add3A_358 = arith.addf %add3A_351, %get3A_357 : vector<256x128xf32>
    %get3A_359 = arith.constant 1 : index
    %get3A_360 = arith.constant 3 : index
    %get3A_361 = arith.constant 0 : index
    %get3A_362 = arith.constant 0 : index
    %get3A_363 = vector.load %arg0[%get3A_359, %get3A_360, %get3A_361, %get3A_362] : memref<2x16x256x128xf32, #tpu.memory_space<vmem>>, vector<1x1x256x128xf32>
    %get3A_364 = vector.shape_cast %get3A_363 : vector<1x1x256x128xf32> to vector<256x128xf32>
    %add3A_365 = arith.addf %add3A_358, %get3A_364 : vector<256x128xf32>
    %get3A_366 = arith.constant 1 : index
    %get3A_367 = arith.constant 4 : index
    %get3A_368 = arith.constant 0 : index
    %get3A_369 = arith.constant 0 : index
    %get3A_370 = vector.load %arg0[%get3A_366, %get3A_367, %get3A_368, %get3A_369] : memref<2x16x256x128xf32, #tpu.memory_space<vmem>>, vector<1x1x256x128xf32>
    %get3A_371 = vector.shape_cast %get3A_370 : vector<1x1x256x128xf32> to vector<256x128xf32>
    %add3A_372 = arith.addf %add3A_365, %get3A_371 : vector<256x128xf32>
    %get3A_373 = arith.constant 1 : index
    %get3A_374 = arith.constant 5 : index
    %get3A_375 = arith.constant 0 : index
    %get3A_376 = arith.constant 0 : index
    %get3A_377 = vector.load %arg0[%get3A_373, %get3A_374, %get3A_375, %get3A_376] : memref<2x16x256x128xf32, #tpu.memory_space<vmem>>, vector<1x1x256x128xf32>
    %get3A_378 = vector.shape_cast %get3A_377 : vector<1x1x256x128xf32> to vector<256x128xf32>
    %add3A_379 = arith.addf %add3A_372, %get3A_378 : vector<256x128xf32>
    %get3A_380 = arith.constant 1 : index
    %get3A_381 = arith.constant 6 : index
    %get3A_382 = arith.constant 0 : index
    %get3A_383 = arith.constant 0 : index
    %get3A_384 = vector.load %arg0[%get3A_380, %get3A_381, %get3A_382, %get3A_383] : memref<2x16x256x128xf32, #tpu.memory_space<vmem>>, vector<1x1x256x128xf32>
    %get3A_385 = vector.shape_cast %get3A_384 : vector<1x1x256x128xf32> to vector<256x128xf32>
    %add3A_386 = arith.addf %add3A_379, %get3A_385 : vector<256x128xf32>
    %get3A_387 = arith.constant 1 : index
    %get3A_388 = arith.constant 7 : index
    %get3A_389 = arith.constant 0 : index
    %get3A_390 = arith.constant 0 : index
    %get3A_391 = vector.load %arg0[%get3A_387, %get3A_388, %get3A_389, %get3A_390] : memref<2x16x256x128xf32, #tpu.memory_space<vmem>>, vector<1x1x256x128xf32>
    %get3A_392 = vector.shape_cast %get3A_391 : vector<1x1x256x128xf32> to vector<256x128xf32>
    %add3A_393 = arith.addf %add3A_386, %get3A_392 : vector<256x128xf32>
    %get3A_394 = arith.constant 1 : index
    %get3A_395 = arith.constant 8 : index
    %get3A_396 = arith.constant 0 : index
    %get3A_397 = arith.constant 0 : index
    %get3A_398 = vector.load %arg0[%get3A_394, %get3A_395, %get3A_396, %get3A_397] : memref<2x16x256x128xf32, #tpu.memory_space<vmem>>, vector<1x1x256x128xf32>
    %get3A_399 = vector.shape_cast %get3A_398 : vector<1x1x256x128xf32> to vector<256x128xf32>
    %add3A_400 = arith.addf %add3A_393, %get3A_399 : vector<256x128xf32>
    %get3A_401 = arith.constant 1 : index
    %get3A_402 = arith.constant 9 : index
    %get3A_403 = arith.constant 0 : index
    %get3A_404 = arith.constant 0 : index
    %get3A_405 = vector.load %arg0[%get3A_401, %get3A_402, %get3A_403, %get3A_404] : memref<2x16x256x128xf32, #tpu.memory_space<vmem>>, vector<1x1x256x128xf32>
    %get3A_406 = vector.shape_cast %get3A_405 : vector<1x1x256x128xf32> to vector<256x128xf32>
    %add3A_407 = arith.addf %add3A_400, %get3A_406 : vector<256x128xf32>
    %get3A_408 = arith.constant 1 : index
    %get3A_409 = arith.constant 10 : index
    %get3A_410 = arith.constant 0 : index
    %get3A_411 = arith.constant 0 : index
    %get3A_412 = vector.load %arg0[%get3A_408, %get3A_409, %get3A_410, %get3A_411] : memref<2x16x256x128xf32, #tpu.memory_space<vmem>>, vector<1x1x256x128xf32>
    %get3A_413 = vector.shape_cast %get3A_412 : vector<1x1x256x128xf32> to vector<256x128xf32>
    %add3A_414 = arith.addf %add3A_407, %get3A_413 : vector<256x128xf32>
    %get3A_415 = arith.constant 1 : index
    %get3A_416 = arith.constant 11 : index
    %get3A_417 = arith.constant 0 : index
    %get3A_418 = arith.constant 0 : index
    %get3A_419 = vector.load %arg0[%get3A_415, %get3A_416, %get3A_417, %get3A_418] : memref<2x16x256x128xf32, #tpu.memory_space<vmem>>, vector<1x1x256x128xf32>
    %get3A_420 = vector.shape_cast %get3A_419 : vector<1x1x256x128xf32> to vector<256x128xf32>
    %add3A_421 = arith.addf %add3A_414, %get3A_420 : vector<256x128xf32>
    %get3A_422 = arith.constant 1 : index
    %get3A_423 = arith.constant 12 : index
    %get3A_424 = arith.constant 0 : index
    %get3A_425 = arith.constant 0 : index
    %get3A_426 = vector.load %arg0[%get3A_422, %get3A_423, %get3A_424, %get3A_425] : memref<2x16x256x128xf32, #tpu.memory_space<vmem>>, vector<1x1x256x128xf32>
    %get3A_427 = vector.shape_cast %get3A_426 : vector<1x1x256x128xf32> to vector<256x128xf32>
    %add3A_428 = arith.addf %add3A_421, %get3A_427 : vector<256x128xf32>
    %get3A_429 = arith.constant 1 : index
    %get3A_430 = arith.constant 13 : index
    %get3A_431 = arith.constant 0 : index
    %get3A_432 = arith.constant 0 : index
    %get3A_433 = vector.load %arg0[%get3A_429, %get3A_430, %get3A_431, %get3A_432] : memref<2x16x256x128xf32, #tpu.memory_space<vmem>>, vector<1x1x256x128xf32>
    %get3A_434 = vector.shape_cast %get3A_433 : vector<1x1x256x128xf32> to vector<256x128xf32>
    %add3A_435 = arith.addf %add3A_428, %get3A_434 : vector<256x128xf32>
    %get3A_436 = arith.constant 1 : index
    %get3A_437 = arith.constant 14 : index
    %get3A_438 = arith.constant 0 : index
    %get3A_439 = arith.constant 0 : index
    %get3A_440 = vector.load %arg0[%get3A_436, %get3A_437, %get3A_438, %get3A_439] : memref<2x16x256x128xf32, #tpu.memory_space<vmem>>, vector<1x1x256x128xf32>
    %get3A_441 = vector.shape_cast %get3A_440 : vector<1x1x256x128xf32> to vector<256x128xf32>
    %add3A_442 = arith.addf %add3A_435, %get3A_441 : vector<256x128xf32>
    %get3A_443 = arith.constant 1 : index
    %get3A_444 = arith.constant 15 : index
    %get3A_445 = arith.constant 0 : index
    %get3A_446 = arith.constant 0 : index
    %get3A_447 = vector.load %arg0[%get3A_443, %get3A_444, %get3A_445, %get3A_446] : memref<2x16x256x128xf32, #tpu.memory_space<vmem>>, vector<1x1x256x128xf32>
    %get3A_448 = vector.shape_cast %get3A_447 : vector<1x1x256x128xf32> to vector<256x128xf32>
    %add3A_449 = arith.addf %add3A_442, %get3A_448 : vector<256x128xf32>
    %slice3A_450 = vector.extract_strided_slice %add3A_449 {offsets = [0, 0], sizes = [128, 128], strides = [1, 1]} : vector<256x128xf32> to vector<128x128xf32>
    %get3A_451 = arith.constant 1 : index
    %get3A_452 = arith.constant 0 : index
    %get3A_453 = arith.constant 0 : index
    %get3A_454 = vector.load %arg3[%get3A_451, %get3A_452, %get3A_453] : memref<2x128x128xf32, #tpu.memory_space<vmem>>, vector<1x128x128xf32>
    %get3A_455 = vector.shape_cast %get3A_454 : vector<1x128x128xf32> to vector<128x128xf32>
    %dot_general3A_456 = arith.constant dense<0.000000e+00> : vector<128x128xf32>
    %dot_general3A_457 = tpu.matmul %slice3A_450, %get3A_455, %dot_general3A_456 {dimension_numbers = #tpu.dot_dimension_numbers<[0], [0], [1], [1], [0, 1, 1, 1], [], []>, transpose_lhs_hint = false} : vector<128x128xf32>, vector<128x128xf32>, vector<128x128xf32> -> vector<128x128xf32>
    %slice3A_458 = vector.extract_strided_slice %dot_general3A_457 {offsets = [0, 0], sizes = [120, 128], strides = [1, 1]} : vector<128x128xf32> to vector<120x128xf32>
    %slice3A_459 = vector.extract_strided_slice %add3A_449 {offsets = [128, 0], sizes = [120, 1], strides = [1, 1]} : vector<256x128xf32> to vector<120x1xf32>
    %get3A_460 = arith.constant 1 : index
    %get3A_461 = arith.constant 0 : index
    %get3A_462 = vector.load %arg4[%get3A_460, %get3A_461] : memref<2x128xf32, #tpu.memory_space<vmem>>, vector<1x128xf32>
    %get3A_463 = vector.shape_cast %get3A_462 : vector<1x128xf32> to vector<128xf32>
    %broadcast_in_dim3A_464 = vector.shape_cast %get3A_463 : vector<128xf32> to vector<1x128xf32>
    %mul3A_465 = vector.broadcast %slice3A_459 : vector<120x1xf32> to vector<120x128xf32>
    %mul3A_466 = vector.broadcast %broadcast_in_dim3A_464 : vector<1x128xf32> to vector<120x128xf32>
    %mul3A_467 = arith.mulf %mul3A_465, %mul3A_466 : vector<120x128xf32>
    %add3A_468 = arith.addf %slice3A_458, %mul3A_467 : vector<120x128xf32>
    %slice3A_469 = vector.extract_strided_slice %add3A_449 {offsets = [128, 0], sizes = [120, 1], strides = [1, 1]} : vector<256x128xf32> to vector<120x1xf32>
    %max3A_470 = arith.constant 1.000000e+00 : f32
    %max3A_471 = vector.broadcast %max3A_470 : f32 to vector<120x1xf32>
    %max3A_472 = arith.maximumf %slice3A_469, %max3A_471 : vector<120x1xf32>
    %div3A_473 = vector.broadcast %max3A_472 : vector<120x1xf32> to vector<120x128xf32>
    %div3A_474 = arith.divf %add3A_468, %div3A_473 : vector<120x128xf32>
    %get3A_475 = arith.constant 1 : index
    %get3A_476 = arith.constant 0 : index
    %get3A_477 = arith.constant 0 : index
    %get3A_478 = vector.load %arg5[%get3A_475, %get3A_476, %get3A_477] : memref<2x134x256xf32, #tpu.memory_space<vmem>>, vector<1x134x256xf32>
    %get3A_479 = vector.shape_cast %get3A_478 : vector<1x134x256xf32> to vector<134x256xf32>
    %slice3A_480 = vector.extract_strided_slice %get3A_1 {offsets = [0, 0], sizes = [120, 5], strides = [1, 1]} : vector<128x5xf32> to vector<120x5xf32>
    %slice3A_481 = vector.extract_strided_slice %get3A_479 {offsets = [0, 0], sizes = [5, 256], strides = [1, 1]} : vector<134x256xf32> to vector<5x256xf32>
    %convert_element_type3A_482 = arith.truncf %slice3A_480 : vector<120x5xf32> to vector<120x5xbf16>
    %convert_element_type3A_483 = arith.extf %convert_element_type3A_482 : vector<120x5xbf16> to vector<120x5xf32>
    %convert_element_type3A_484 = arith.truncf %slice3A_481 : vector<5x256xf32> to vector<5x256xbf16>
    %convert_element_type3A_485 = arith.extf %convert_element_type3A_484 : vector<5x256xbf16> to vector<5x256xf32>
    %dot_general3A_486 = arith.constant dense<0.000000e+00> : vector<120x256xf32>
    %dot_general3A_487 = tpu.matmul %convert_element_type3A_483, %convert_element_type3A_485, %dot_general3A_486 {dimension_numbers = #tpu.dot_dimension_numbers<[1], [0], [0], [1], [0, 0, 1, 1], [], []>, precision = #tpu.contract_precision<fp32>, transpose_lhs_hint = false} : vector<120x5xf32>, vector<5x256xf32>, vector<120x256xf32> -> vector<120x256xf32>
    %slice3A_488 = vector.extract_strided_slice %get3A_479 {offsets = [5, 0], sizes = [128, 256], strides = [1, 1]} : vector<134x256xf32> to vector<128x256xf32>
    %convert_element_type3A_489 = arith.truncf %div3A_474 : vector<120x128xf32> to vector<120x128xbf16>
    %convert_element_type3A_490 = arith.extf %convert_element_type3A_489 : vector<120x128xbf16> to vector<120x128xf32>
    %convert_element_type3A_491 = arith.truncf %slice3A_488 : vector<128x256xf32> to vector<128x256xbf16>
    %convert_element_type3A_492 = arith.extf %convert_element_type3A_491 : vector<128x256xbf16> to vector<128x256xf32>
    %dot_general3A_493 = arith.constant dense<0.000000e+00> : vector<120x256xf32>
    %dot_general3A_494 = tpu.matmul %convert_element_type3A_490, %convert_element_type3A_492, %dot_general3A_493 {dimension_numbers = #tpu.dot_dimension_numbers<[1], [0], [0], [1], [0, 0, 1, 1], [], []>, precision = #tpu.contract_precision<fp32>, transpose_lhs_hint = false} : vector<120x128xf32>, vector<128x256xf32>, vector<120x256xf32> -> vector<120x256xf32>
    %add3A_495 = arith.addf %dot_general3A_487, %dot_general3A_494 : vector<120x256xf32>
    %convert_element_type3A_496 = arith.truncf %slice3A_469 : vector<120x1xf32> to vector<120x1xbf16>
    %convert_element_type3A_497 = arith.extf %convert_element_type3A_496 : vector<120x1xbf16> to vector<120x1xf32>
    %slice3A_498 = vector.extract_strided_slice %get3A_479 {offsets = [133, 0], sizes = [1, 256], strides = [1, 1]} : vector<134x256xf32> to vector<1x256xf32>
    %squeeze3A_499 = vector.shape_cast %slice3A_498 : vector<1x256xf32> to vector<256xf32>
    %convert_element_type3A_500 = arith.truncf %squeeze3A_499 : vector<256xf32> to vector<256xbf16>
    %convert_element_type3A_501 = arith.extf %convert_element_type3A_500 : vector<256xbf16> to vector<256xf32>
    %broadcast_in_dim3A_502 = vector.shape_cast %convert_element_type3A_501 : vector<256xf32> to vector<1x256xf32>
    %mul3A_503 = vector.broadcast %convert_element_type3A_497 : vector<120x1xf32> to vector<120x256xf32>
    %mul3A_504 = vector.broadcast %broadcast_in_dim3A_502 : vector<1x256xf32> to vector<120x256xf32>
    %mul3A_505 = arith.mulf %mul3A_503, %mul3A_504 : vector<120x256xf32>
    %add3A_506 = arith.addf %add3A_495, %mul3A_505 : vector<120x256xf32>
    %get3A_507 = arith.constant 1 : index
    %get3A_508 = arith.constant 0 : index
    %get3A_509 = vector.load %arg6[%get3A_507, %get3A_508] : memref<2x256xf32, #tpu.memory_space<vmem>>, vector<1x256xf32>
    %get3A_510 = vector.shape_cast %get3A_509 : vector<1x256xf32> to vector<256xf32>
    %broadcast_in_dim3A_511 = vector.shape_cast %get3A_510 : vector<256xf32> to vector<1x256xf32>
    %add3A_512 = vector.broadcast %broadcast_in_dim3A_511 : vector<1x256xf32> to vector<120x256xf32>
    %add3A_513 = arith.addf %add3A_506, %add3A_512 : vector<120x256xf32>
    %max3A_514 = arith.constant 0.000000e+00 : f32
    %max3A_515 = vector.broadcast %max3A_514 : f32 to vector<120x256xf32>
    %max3A_516 = arith.maximumf %add3A_513, %max3A_515 : vector<120x256xf32>
    %get3A_517 = arith.constant 1 : index
    %get3A_518 = arith.constant 0 : index
    %get3A_519 = arith.constant 0 : index
    %get3A_520 = vector.load %arg7[%get3A_517, %get3A_518, %get3A_519] : memref<2x256x10xf32, #tpu.memory_space<vmem>>, vector<1x256x10xf32>
    %get3A_521 = vector.shape_cast %get3A_520 : vector<1x256x10xf32> to vector<256x10xf32>
    %convert_element_type3A_522 = arith.truncf %max3A_516 : vector<120x256xf32> to vector<120x256xbf16>
    %convert_element_type3A_523 = arith.extf %convert_element_type3A_522 : vector<120x256xbf16> to vector<120x256xf32>
    %convert_element_type3A_524 = arith.truncf %get3A_521 : vector<256x10xf32> to vector<256x10xbf16>
    %convert_element_type3A_525 = arith.extf %convert_element_type3A_524 : vector<256x10xbf16> to vector<256x10xf32>
    %dot_general3A_526 = arith.constant dense<0.000000e+00> : vector<120x10xf32>
    %dot_general3A_527 = tpu.matmul %convert_element_type3A_523, %convert_element_type3A_525, %dot_general3A_526 {dimension_numbers = #tpu.dot_dimension_numbers<[1], [0], [0], [1], [0, 0, 1, 1], [], []>, precision = #tpu.contract_precision<fp32>, transpose_lhs_hint = false} : vector<120x256xf32>, vector<256x10xf32>, vector<120x10xf32> -> vector<120x10xf32>
    %get3A_528 = arith.constant 1 : index
    %get3A_529 = arith.constant 0 : index
    %get3A_530 = vector.load %arg8[%get3A_528, %get3A_529] : memref<2x10xf32, #tpu.memory_space<vmem>>, vector<1x10xf32>
    %get3A_531 = vector.shape_cast %get3A_530 : vector<1x10xf32> to vector<10xf32>
    %broadcast_in_dim3A_532 = vector.shape_cast %get3A_531 : vector<10xf32> to vector<1x10xf32>
    %add3A_533 = vector.broadcast %broadcast_in_dim3A_532 : vector<1x10xf32> to vector<120x10xf32>
    %add3A_534 = arith.addf %dot_general3A_527, %add3A_533 : vector<120x10xf32>
    %broadcast_in_dim3A_535 = arith.constant 0.000000e+00 : f32
    %broadcast_in_dim3A_536 = vector.broadcast %broadcast_in_dim3A_535 : f32 to vector<8x10xf32>
    %concatenate3A_537 = tpu.concatenate %add3A_534, %broadcast_in_dim3A_536 in 0 : vector<120x10xf32>, vector<8x10xf32> -> vector<128x10xf32>
    %swap3A_538 = arith.constant 1 : index
    %swap3A_539 = arith.constant 0 : index
    %swap3A_540 = arith.constant 0 : index
    %swap3A_541 = vector.load %arg21[%swap3A_538, %swap3A_539, %swap3A_540] : memref<2x128x10xf32, #tpu.memory_space<vmem>>, vector<1x128x10xf32>
    %swap3A_542 = vector.shape_cast %swap3A_541 : vector<1x128x10xf32> to vector<128x10xf32>
    %swap3A_543 = vector.shape_cast %concatenate3A_537 : vector<128x10xf32> to vector<1x128x10xf32>
    tpu.vector_store %arg21[%swap3A_538, %swap3A_539, %swap3A_540], %swap3A_543 {strides = array<i32>} : memref<2x128x10xf32, #tpu.memory_space<vmem>>, vector<1x128x10xf32>,
    %reduce_sum3A_544 = arith.constant dense<0.000000e+00> : vector<10xf32>
    %reduce_sum3A_545 = vector.multi_reduction <add>, %add3A_534, %reduce_sum3A_544 [0] : vector<120x10xf32> to vector<10xf32>
    %broadcast_in_dim3A_546 = vector.shape_cast %reduce_sum3A_545 : vector<10xf32> to vector<1x10xf32>
    %div3A_547 = arith.constant 1.200000e+02 : f32
    %div3A_548 = vector.broadcast %div3A_547 : f32 to vector<1x10xf32>
    %div3A_549 = arith.divf %broadcast_in_dim3A_546, %div3A_548 : vector<1x10xf32>
    %get3A_550 = arith.constant 1 : index
    %get3A_551 = arith.constant 0 : index
    %get3A_552 = arith.constant 0 : index
    %get3A_553 = vector.load %arg9[%get3A_550, %get3A_551, %get3A_552] : memref<2x16x128xf32, #tpu.memory_space<vmem>>, vector<1x16x128xf32>
    %get3A_554 = vector.shape_cast %get3A_553 : vector<1x16x128xf32> to vector<16x128xf32>
    %slice3A_555 = vector.extract_strided_slice %get3A_554 {offsets = [0, 0], sizes = [6, 128], strides = [1, 1]} : vector<16x128xf32> to vector<6x128xf32>
    %dot_general3A_556 = arith.constant dense<0.000000e+00> : vector<1x128xf32>
    %dot_general3A_557 = tpu.matmul %get3A_4, %slice3A_555, %dot_general3A_556 {dimension_numbers = #tpu.dot_dimension_numbers<[1], [0], [0], [1], [0, 0, 1, 1], [], []>, transpose_lhs_hint = false} : vector<1x6xf32>, vector<6x128xf32>, vector<1x128xf32> -> vector<1x128xf32>
    %slice3A_558 = vector.extract_strided_slice %get3A_554 {offsets = [6, 0], sizes = [10, 128], strides = [1, 1]} : vector<16x128xf32> to vector<10x128xf32>
    %dot_general3A_559 = arith.constant dense<0.000000e+00> : vector<1x128xf32>
    %dot_general3A_560 = tpu.matmul %div3A_549, %slice3A_558, %dot_general3A_559 {dimension_numbers = #tpu.dot_dimension_numbers<[1], [0], [0], [1], [0, 0, 1, 1], [], []>, transpose_lhs_hint = false} : vector<1x10xf32>, vector<10x128xf32>, vector<1x128xf32> -> vector<1x128xf32>
    %add3A_561 = arith.addf %dot_general3A_557, %dot_general3A_560 : vector<1x128xf32>
    %get3A_562 = arith.constant 1 : index
    %get3A_563 = arith.constant 0 : index
    %get3A_564 = vector.load %arg10[%get3A_562, %get3A_563] : memref<2x128xf32, #tpu.memory_space<vmem>>, vector<1x128xf32>
    %get3A_565 = vector.shape_cast %get3A_564 : vector<1x128xf32> to vector<128xf32>
    %broadcast_in_dim3A_566 = vector.shape_cast %get3A_565 : vector<128xf32> to vector<1x128xf32>
    %add3A_567 = arith.addf %add3A_561, %broadcast_in_dim3A_566 : vector<1x128xf32>
    %max3A_568 = arith.constant 0.000000e+00 : f32
    %max3A_569 = vector.broadcast %max3A_568 : f32 to vector<1x128xf32>
    %max3A_570 = arith.maximumf %add3A_567, %max3A_569 : vector<1x128xf32>
    %get3A_571 = arith.constant 1 : index
    %get3A_572 = arith.constant 0 : index
    %get3A_573 = arith.constant 0 : index
    %get3A_574 = vector.load %arg11[%get3A_571, %get3A_572, %get3A_573] : memref<2x128x12xf32, #tpu.memory_space<vmem>>, vector<1x128x12xf32>
    %get3A_575 = vector.shape_cast %get3A_574 : vector<1x128x12xf32> to vector<128x12xf32>
    %dot_general3A_576 = arith.constant dense<0.000000e+00> : vector<1x12xf32>
    %dot_general3A_577 = tpu.matmul %max3A_570, %get3A_575, %dot_general3A_576 {dimension_numbers = #tpu.dot_dimension_numbers<[1], [0], [0], [1], [0, 0, 1, 1], [], []>, transpose_lhs_hint = false} : vector<1x128xf32>, vector<128x12xf32>, vector<1x12xf32> -> vector<1x12xf32>
    %get3A_578 = arith.constant 1 : index
    %get3A_579 = arith.constant 0 : index
    %get3A_580 = vector.load %arg12[%get3A_578, %get3A_579] : memref<2x12xf32, #tpu.memory_space<vmem>>, vector<1x12xf32>
    %get3A_581 = vector.shape_cast %get3A_580 : vector<1x12xf32> to vector<12xf32>
    %broadcast_in_dim3A_582 = vector.shape_cast %get3A_581 : vector<12xf32> to vector<1x12xf32>
    %add3A_583 = arith.addf %dot_general3A_577, %broadcast_in_dim3A_582 : vector<1x12xf32>
    %get3A_584 = arith.constant 1 : index
    %get3A_585 = arith.constant 0 : index
    %get3A_586 = arith.constant 0 : index
    %get3A_587 = vector.load %arg13[%get3A_584, %get3A_585, %get3A_586] : memref<2x34x128xf32, #tpu.memory_space<vmem>>, vector<1x34x128xf32>
    %get3A_588 = vector.shape_cast %get3A_587 : vector<1x34x128xf32> to vector<34x128xf32>
    %get3A_589 = arith.constant 1 : index
    %get3A_590 = arith.constant 0 : index
    %get3A_591 = arith.constant 0 : index
    %get3A_592 = vector.load %arg17[%get3A_589, %get3A_590, %get3A_591] : memref<2x11x128xf32, #tpu.memory_space<vmem>>, vector<1x11x128xf32>
    %get3A_593 = vector.shape_cast %get3A_592 : vector<1x11x128xf32> to vector<11x128xf32>
    %slice3A_594 = vector.extract_strided_slice %get3A_588 {offsets = [0, 0], sizes = [10, 128], strides = [1, 1]} : vector<34x128xf32> to vector<10x128xf32>
    %dot_general3A_595 = arith.constant dense<0.000000e+00> : vector<128x128xf32>
    %dot_general3A_596 = tpu.matmul %slice3A_594, %concatenate3A_537, %dot_general3A_595 {dimension_numbers = #tpu.dot_dimension_numbers<[0], [1], [1], [0], [0, 1, 1, 0], [], []>, transpose_lhs_hint = false} : vector<10x128xf32>, vector<128x10xf32>, vector<128x128xf32> -> vector<128x128xf32>
    %slice3A_597 = vector.extract_strided_slice %get3A_588 {offsets = [22, 0], sizes = [12, 128], strides = [1, 1]} : vector<34x128xf32> to vector<12x128xf32>
    %dot_general3A_598 = arith.constant dense<0.000000e+00> : vector<1x128xf32>
    %dot_general3A_599 = tpu.matmul %add3A_583, %slice3A_597, %dot_general3A_598 {dimension_numbers = #tpu.dot_dimension_numbers<[1], [0], [0], [1], [0, 0, 1, 1], [], []>, transpose_lhs_hint = false} : vector<1x12xf32>, vector<12x128xf32>, vector<1x128xf32> -> vector<1x128xf32>
    %get3A_600 = arith.constant 1 : index
    %get3A_601 = arith.constant 0 : index
    %get3A_602 = vector.load %arg14[%get3A_600, %get3A_601] : memref<2x128xf32, #tpu.memory_space<vmem>>, vector<1x128xf32>
    %get3A_603 = vector.shape_cast %get3A_602 : vector<1x128xf32> to vector<128xf32>
    %broadcast_in_dim3A_604 = vector.shape_cast %get3A_603 : vector<128xf32> to vector<1x128xf32>
    %add3A_605 = arith.addf %dot_general3A_599, %broadcast_in_dim3A_604 : vector<1x128xf32>
    %broadcast_in_dim3A_606 = arith.constant 1.000000e+00 : f32
    %broadcast_in_dim3A_607 = vector.broadcast %broadcast_in_dim3A_606 : f32 to vector<1x1xf32>
    %dot_general3A_608 = arith.constant dense<0.000000e+00> : vector<128x1xf32>
    %dot_general3A_609 = tpu.matmul %add3A_605, %broadcast_in_dim3A_607, %dot_general3A_608 {dimension_numbers = #tpu.dot_dimension_numbers<[0], [0], [1], [1], [0, 1, 1, 1], [], []>, transpose_lhs_hint = false} : vector<1x128xf32>, vector<1x1xf32>, vector<128x1xf32> -> vector<128x1xf32>
    %add3A_610 = vector.broadcast %dot_general3A_609 : vector<128x1xf32> to vector<128x128xf32>
    %add3A_611 = arith.addf %dot_general3A_596, %add3A_610 : vector<128x128xf32>
    %swap3A_612 = arith.constant 1 : index
    %swap3A_613 = arith.constant 0 : index
    %swap3A_614 = arith.constant 0 : index
    %swap3A_615 = arith.constant 0 : index
    %swap3A_616 = vector.load %arg19[%swap3A_612, %swap3A_613, %swap3A_614, %swap3A_615] : memref<2x3x128x128xf32, #tpu.memory_space<vmem>>, vector<1x1x128x128xf32>
    %swap3A_617 = vector.shape_cast %swap3A_616 : vector<1x1x128x128xf32> to vector<128x128xf32>
    %swap3A_618 = vector.shape_cast %add3A_611 : vector<128x128xf32> to vector<1x1x128x128xf32>
    tpu.vector_store %arg19[%swap3A_612, %swap3A_613, %swap3A_614, %swap3A_615], %swap3A_618 {strides = array<i32>} : memref<2x3x128x128xf32, #tpu.memory_space<vmem>>, vector<1x1x128x128xf32>,
    %slice3A_619 = vector.extract_strided_slice %get3A_588 {offsets = [10, 0], sizes = [10, 128], strides = [1, 1]} : vector<34x128xf32> to vector<10x128xf32>
    %dot_general3A_620 = arith.constant dense<0.000000e+00> : vector<128x128xf32>
    %dot_general3A_621 = tpu.matmul %slice3A_619, %concatenate3A_537, %dot_general3A_620 {dimension_numbers = #tpu.dot_dimension_numbers<[0], [1], [1], [0], [0, 1, 1, 0], [], []>, transpose_lhs_hint = false} : vector<10x128xf32>, vector<128x10xf32>, vector<128x128xf32> -> vector<128x128xf32>
    %swap3A_622 = arith.constant 1 : index
    %swap3A_623 = arith.constant 1 : index
    %swap3A_624 = arith.constant 0 : index
    %swap3A_625 = arith.constant 0 : index
    %swap3A_626 = vector.load %arg19[%swap3A_622, %swap3A_623, %swap3A_624, %swap3A_625] : memref<2x3x128x128xf32, #tpu.memory_space<vmem>>, vector<1x1x128x128xf32>
    %swap3A_627 = vector.shape_cast %swap3A_626 : vector<1x1x128x128xf32> to vector<128x128xf32>
    %swap3A_628 = vector.shape_cast %dot_general3A_621 : vector<128x128xf32> to vector<1x1x128x128xf32>
    tpu.vector_store %arg19[%swap3A_622, %swap3A_623, %swap3A_624, %swap3A_625], %swap3A_628 {strides = array<i32>} : memref<2x3x128x128xf32, #tpu.memory_space<vmem>>, vector<1x1x128x128xf32>,
    %slice3A_629 = vector.extract_strided_slice %get3A_593 {offsets = [0, 0], sizes = [10, 128], strides = [1, 1]} : vector<11x128xf32> to vector<10x128xf32>
    %dot_general3A_630 = arith.constant dense<0.000000e+00> : vector<128x128xf32>
    %dot_general3A_631 = tpu.matmul %slice3A_629, %concatenate3A_537, %dot_general3A_630 {dimension_numbers = #tpu.dot_dimension_numbers<[0], [1], [1], [0], [0, 1, 1, 0], [], []>, transpose_lhs_hint = false} : vector<10x128xf32>, vector<128x10xf32>, vector<128x128xf32> -> vector<128x128xf32>
    %get3A_632 = arith.constant 1 : index
    %get3A_633 = arith.constant 0 : index
    %get3A_634 = vector.load %arg18[%get3A_632, %get3A_633] : memref<2x128xf32, #tpu.memory_space<vmem>>, vector<1x128xf32>
    %get3A_635 = vector.shape_cast %get3A_634 : vector<1x128xf32> to vector<128xf32>
    %broadcast_in_dim3A_636 = vector.shape_cast %get3A_635 : vector<128xf32> to vector<1x128xf32>
    %broadcast_in_dim3A_637 = arith.constant 1.000000e+00 : f32
    %broadcast_in_dim3A_638 = vector.broadcast %broadcast_in_dim3A_637 : f32 to vector<1x1xf32>
    %dot_general3A_639 = arith.constant dense<0.000000e+00> : vector<128x1xf32>
    %dot_general3A_640 = tpu.matmul %broadcast_in_dim3A_636, %broadcast_in_dim3A_638, %dot_general3A_639 {dimension_numbers = #tpu.dot_dimension_numbers<[0], [0], [1], [1], [0, 1, 1, 1], [], []>, transpose_lhs_hint = false} : vector<1x128xf32>, vector<1x1xf32>, vector<128x1xf32> -> vector<128x1xf32>
    %add3A_641 = vector.broadcast %dot_general3A_640 : vector<128x1xf32> to vector<128x128xf32>
    %add3A_642 = arith.addf %dot_general3A_631, %add3A_641 : vector<128x128xf32>
    %swap3A_643 = arith.constant 1 : index
    %swap3A_644 = arith.constant 2 : index
    %swap3A_645 = arith.constant 0 : index
    %swap3A_646 = arith.constant 0 : index
    %swap3A_647 = vector.load %arg19[%swap3A_643, %swap3A_644, %swap3A_645, %swap3A_646] : memref<2x3x128x128xf32, #tpu.memory_space<vmem>>, vector<1x1x128x128xf32>
    %swap3A_648 = vector.shape_cast %swap3A_647 : vector<1x1x128x128xf32> to vector<128x128xf32>
    %swap3A_649 = vector.shape_cast %add3A_642 : vector<128x128xf32> to vector<1x1x128x128xf32>
    tpu.vector_store %arg19[%swap3A_643, %swap3A_644, %swap3A_645, %swap3A_646], %swap3A_649 {strides = array<i32>} : memref<2x3x128x128xf32, #tpu.memory_space<vmem>>, vector<1x1x128x128xf32>,
    %slice3A_650 = vector.extract_strided_slice %get3A_588 {offsets = [20, 0], sizes = [1, 128], strides = [1, 1]} : vector<34x128xf32> to vector<1x128xf32>
    %squeeze3A_651 = vector.shape_cast %slice3A_650 : vector<1x128xf32> to vector<128xf32>
    %slice3A_652 = vector.extract_strided_slice %get3A_588 {offsets = [21, 0], sizes = [1, 128], strides = [1, 1]} : vector<34x128xf32> to vector<1x128xf32>
    %squeeze3A_653 = vector.shape_cast %slice3A_652 : vector<1x128xf32> to vector<128xf32>
    %get3A_654 = arith.constant 1 : index
    %get3A_655 = arith.constant 0 : index
    %get3A_656 = arith.constant 0 : index
    %get3A_657 = vector.load %arg15[%get3A_654, %get3A_655, %get3A_656] : memref<2x1x128xf32, #tpu.memory_space<vmem>>, vector<1x1x128xf32>
    %get3A_658 = vector.shape_cast %get3A_657 : vector<1x1x128xf32> to vector<1x128xf32>
    %squeeze3A_659 = vector.shape_cast %get3A_658 : vector<1x128xf32> to vector<128xf32>
    %slice3A_660 = vector.extract_strided_slice %get3A_593 {offsets = [10, 0], sizes = [1, 128], strides = [1, 1]} : vector<11x128xf32> to vector<1x128xf32>
    %squeeze3A_661 = vector.shape_cast %slice3A_660 : vector<1x128xf32> to vector<128xf32>
    %get3A_662 = arith.constant 1 : index
    %get3A_663 = arith.constant 0 : index
    %get3A_664 = vector.load %arg16[%get3A_662, %get3A_663] : memref<2x1xf32, #tpu.memory_space<vmem>>, vector<1x1xf32>
    %get3A_665 = vector.shape_cast %get3A_664 : vector<1x1xf32> to vector<1xf32>
    %broadcast_in_dim3A_666 = arith.constant 0.000000e+00 : f32
    %broadcast_in_dim3A_667 = vector.broadcast %broadcast_in_dim3A_666 : f32 to vector<127xf32>
    %concatenate3A_668 = tpu.concatenate %get3A_665, %broadcast_in_dim3A_667 in 0 : vector<1xf32>, vector<127xf32> -> vector<128xf32>
    %stack3A_669 = vector.shape_cast %squeeze3A_651 : vector<128xf32> to vector<1x128xf32>
    %stack3A_670 = vector.shape_cast %squeeze3A_653 : vector<128xf32> to vector<1x128xf32>
    %stack3A_671 = vector.shape_cast %squeeze3A_659 : vector<128xf32> to vector<1x128xf32>
    %stack3A_672 = vector.shape_cast %broadcast_in_dim3A_5 : vector<128xf32> to vector<1x128xf32>
    %stack3A_673 = vector.shape_cast %squeeze3A_661 : vector<128xf32> to vector<1x128xf32>
    %stack3A_674 = vector.shape_cast %broadcast_in_dim3A_5 : vector<128xf32> to vector<1x128xf32>
    %stack3A_675 = vector.shape_cast %concatenate3A_668 : vector<128xf32> to vector<1x128xf32>
    %stack3A_676 = vector.shape_cast %broadcast_in_dim3A_5 : vector<128xf32> to vector<1x128xf32>
    %stack3A_677 = tpu.concatenate %stack3A_669, %stack3A_670, %stack3A_671, %stack3A_672, %stack3A_673, %stack3A_674, %stack3A_675, %stack3A_676 in 0 : vector<1x128xf32>, vector<1x128xf32>, vector<1x128xf32>, vector<1x128xf32>, vector<1x128xf32>, vector<1x128xf32>, vector<1x128xf32>, vector<1x128xf32> -> vector<8x128xf32>
    %swap3A_678 = arith.constant 1 : index
    %swap3A_679 = arith.constant 0 : index
    %swap3A_680 = arith.constant 0 : index
    %swap3A_681 = vector.load %arg20[%swap3A_678, %swap3A_679, %swap3A_680] : memref<2x8x128xf32, #tpu.memory_space<vmem>>, vector<1x8x128xf32>
    %swap3A_682 = vector.shape_cast %swap3A_681 : vector<1x8x128xf32> to vector<8x128xf32>
    %swap3A_683 = vector.shape_cast %stack3A_677 : vector<8x128xf32> to vector<1x8x128xf32>
    tpu.vector_store %arg20[%swap3A_678, %swap3A_679, %swap3A_680], %swap3A_683 {strides = array<i32>} : memref<2x8x128xf32, #tpu.memory_space<vmem>>, vector<1x8x128xf32>,
    return
  }
}

module attributes {stable_mosaic.version = 14 : i64} {
  func.func @_tc3_body(%arg0: memref<2x16x256x128xf32, #tpu.memory_space<vmem>>, %arg1: memref<2x128x10xf32, #tpu.memory_space<vmem>>, %arg2: memref<2x128x128xf32, #tpu.memory_space<vmem>>, %arg3: memref<2x128xf32, #tpu.memory_space<vmem>>, %arg4: memref<2x139x256xf32, #tpu.memory_space<vmem>>, %arg5: memref<2x256xf32, #tpu.memory_space<vmem>>, %arg6: memref<2x1x256xf32, #tpu.memory_space<vmem>>, %arg7: memref<2x1xf32, #tpu.memory_space<vmem>>, %arg8: memref<2x120xf32, #tpu.memory_space<vmem>>) attributes {dimension_semantics = [], scalar_prefetch = 0 : i64, scratch_operands = 0 : i64, tpu.core_type = #tpu.core_type<tc>} {
    %get3A = arith.constant 0 : index
    %get3A_0 = arith.constant 0 : index
    %get3A_1 = arith.constant 0 : index
    %get3A_2 = arith.constant 0 : index
    %get3A_3 = vector.load %arg0[%get3A, %get3A_0, %get3A_1, %get3A_2] : memref<2x16x256x128xf32, #tpu.memory_space<vmem>>, vector<1x1x256x128xf32>
    %get3A_4 = vector.shape_cast %get3A_3 : vector<1x1x256x128xf32> to vector<256x128xf32>
    %get3A_5 = arith.constant 0 : index
    %get3A_6 = arith.constant 1 : index
    %get3A_7 = arith.constant 0 : index
    %get3A_8 = arith.constant 0 : index
    %get3A_9 = vector.load %arg0[%get3A_5, %get3A_6, %get3A_7, %get3A_8] : memref<2x16x256x128xf32, #tpu.memory_space<vmem>>, vector<1x1x256x128xf32>
    %get3A_10 = vector.shape_cast %get3A_9 : vector<1x1x256x128xf32> to vector<256x128xf32>
    %add3A = arith.addf %get3A_4, %get3A_10 : vector<256x128xf32>
    %get3A_11 = arith.constant 0 : index
    %get3A_12 = arith.constant 2 : index
    %get3A_13 = arith.constant 0 : index
    %get3A_14 = arith.constant 0 : index
    %get3A_15 = vector.load %arg0[%get3A_11, %get3A_12, %get3A_13, %get3A_14] : memref<2x16x256x128xf32, #tpu.memory_space<vmem>>, vector<1x1x256x128xf32>
    %get3A_16 = vector.shape_cast %get3A_15 : vector<1x1x256x128xf32> to vector<256x128xf32>
    %add3A_17 = arith.addf %add3A, %get3A_16 : vector<256x128xf32>
    %get3A_18 = arith.constant 0 : index
    %get3A_19 = arith.constant 3 : index
    %get3A_20 = arith.constant 0 : index
    %get3A_21 = arith.constant 0 : index
    %get3A_22 = vector.load %arg0[%get3A_18, %get3A_19, %get3A_20, %get3A_21] : memref<2x16x256x128xf32, #tpu.memory_space<vmem>>, vector<1x1x256x128xf32>
    %get3A_23 = vector.shape_cast %get3A_22 : vector<1x1x256x128xf32> to vector<256x128xf32>
    %add3A_24 = arith.addf %add3A_17, %get3A_23 : vector<256x128xf32>
    %get3A_25 = arith.constant 0 : index
    %get3A_26 = arith.constant 4 : index
    %get3A_27 = arith.constant 0 : index
    %get3A_28 = arith.constant 0 : index
    %get3A_29 = vector.load %arg0[%get3A_25, %get3A_26, %get3A_27, %get3A_28] : memref<2x16x256x128xf32, #tpu.memory_space<vmem>>, vector<1x1x256x128xf32>
    %get3A_30 = vector.shape_cast %get3A_29 : vector<1x1x256x128xf32> to vector<256x128xf32>
    %add3A_31 = arith.addf %add3A_24, %get3A_30 : vector<256x128xf32>
    %get3A_32 = arith.constant 0 : index
    %get3A_33 = arith.constant 5 : index
    %get3A_34 = arith.constant 0 : index
    %get3A_35 = arith.constant 0 : index
    %get3A_36 = vector.load %arg0[%get3A_32, %get3A_33, %get3A_34, %get3A_35] : memref<2x16x256x128xf32, #tpu.memory_space<vmem>>, vector<1x1x256x128xf32>
    %get3A_37 = vector.shape_cast %get3A_36 : vector<1x1x256x128xf32> to vector<256x128xf32>
    %add3A_38 = arith.addf %add3A_31, %get3A_37 : vector<256x128xf32>
    %get3A_39 = arith.constant 0 : index
    %get3A_40 = arith.constant 6 : index
    %get3A_41 = arith.constant 0 : index
    %get3A_42 = arith.constant 0 : index
    %get3A_43 = vector.load %arg0[%get3A_39, %get3A_40, %get3A_41, %get3A_42] : memref<2x16x256x128xf32, #tpu.memory_space<vmem>>, vector<1x1x256x128xf32>
    %get3A_44 = vector.shape_cast %get3A_43 : vector<1x1x256x128xf32> to vector<256x128xf32>
    %add3A_45 = arith.addf %add3A_38, %get3A_44 : vector<256x128xf32>
    %get3A_46 = arith.constant 0 : index
    %get3A_47 = arith.constant 7 : index
    %get3A_48 = arith.constant 0 : index
    %get3A_49 = arith.constant 0 : index
    %get3A_50 = vector.load %arg0[%get3A_46, %get3A_47, %get3A_48, %get3A_49] : memref<2x16x256x128xf32, #tpu.memory_space<vmem>>, vector<1x1x256x128xf32>
    %get3A_51 = vector.shape_cast %get3A_50 : vector<1x1x256x128xf32> to vector<256x128xf32>
    %add3A_52 = arith.addf %add3A_45, %get3A_51 : vector<256x128xf32>
    %get3A_53 = arith.constant 0 : index
    %get3A_54 = arith.constant 8 : index
    %get3A_55 = arith.constant 0 : index
    %get3A_56 = arith.constant 0 : index
    %get3A_57 = vector.load %arg0[%get3A_53, %get3A_54, %get3A_55, %get3A_56] : memref<2x16x256x128xf32, #tpu.memory_space<vmem>>, vector<1x1x256x128xf32>
    %get3A_58 = vector.shape_cast %get3A_57 : vector<1x1x256x128xf32> to vector<256x128xf32>
    %add3A_59 = arith.addf %add3A_52, %get3A_58 : vector<256x128xf32>
    %get3A_60 = arith.constant 0 : index
    %get3A_61 = arith.constant 9 : index
    %get3A_62 = arith.constant 0 : index
    %get3A_63 = arith.constant 0 : index
    %get3A_64 = vector.load %arg0[%get3A_60, %get3A_61, %get3A_62, %get3A_63] : memref<2x16x256x128xf32, #tpu.memory_space<vmem>>, vector<1x1x256x128xf32>
    %get3A_65 = vector.shape_cast %get3A_64 : vector<1x1x256x128xf32> to vector<256x128xf32>
    %add3A_66 = arith.addf %add3A_59, %get3A_65 : vector<256x128xf32>
    %get3A_67 = arith.constant 0 : index
    %get3A_68 = arith.constant 10 : index
    %get3A_69 = arith.constant 0 : index
    %get3A_70 = arith.constant 0 : index
    %get3A_71 = vector.load %arg0[%get3A_67, %get3A_68, %get3A_69, %get3A_70] : memref<2x16x256x128xf32, #tpu.memory_space<vmem>>, vector<1x1x256x128xf32>
    %get3A_72 = vector.shape_cast %get3A_71 : vector<1x1x256x128xf32> to vector<256x128xf32>
    %add3A_73 = arith.addf %add3A_66, %get3A_72 : vector<256x128xf32>
    %get3A_74 = arith.constant 0 : index
    %get3A_75 = arith.constant 11 : index
    %get3A_76 = arith.constant 0 : index
    %get3A_77 = arith.constant 0 : index
    %get3A_78 = vector.load %arg0[%get3A_74, %get3A_75, %get3A_76, %get3A_77] : memref<2x16x256x128xf32, #tpu.memory_space<vmem>>, vector<1x1x256x128xf32>
    %get3A_79 = vector.shape_cast %get3A_78 : vector<1x1x256x128xf32> to vector<256x128xf32>
    %add3A_80 = arith.addf %add3A_73, %get3A_79 : vector<256x128xf32>
    %get3A_81 = arith.constant 0 : index
    %get3A_82 = arith.constant 12 : index
    %get3A_83 = arith.constant 0 : index
    %get3A_84 = arith.constant 0 : index
    %get3A_85 = vector.load %arg0[%get3A_81, %get3A_82, %get3A_83, %get3A_84] : memref<2x16x256x128xf32, #tpu.memory_space<vmem>>, vector<1x1x256x128xf32>
    %get3A_86 = vector.shape_cast %get3A_85 : vector<1x1x256x128xf32> to vector<256x128xf32>
    %add3A_87 = arith.addf %add3A_80, %get3A_86 : vector<256x128xf32>
    %get3A_88 = arith.constant 0 : index
    %get3A_89 = arith.constant 13 : index
    %get3A_90 = arith.constant 0 : index
    %get3A_91 = arith.constant 0 : index
    %get3A_92 = vector.load %arg0[%get3A_88, %get3A_89, %get3A_90, %get3A_91] : memref<2x16x256x128xf32, #tpu.memory_space<vmem>>, vector<1x1x256x128xf32>
    %get3A_93 = vector.shape_cast %get3A_92 : vector<1x1x256x128xf32> to vector<256x128xf32>
    %add3A_94 = arith.addf %add3A_87, %get3A_93 : vector<256x128xf32>
    %get3A_95 = arith.constant 0 : index
    %get3A_96 = arith.constant 14 : index
    %get3A_97 = arith.constant 0 : index
    %get3A_98 = arith.constant 0 : index
    %get3A_99 = vector.load %arg0[%get3A_95, %get3A_96, %get3A_97, %get3A_98] : memref<2x16x256x128xf32, #tpu.memory_space<vmem>>, vector<1x1x256x128xf32>
    %get3A_100 = vector.shape_cast %get3A_99 : vector<1x1x256x128xf32> to vector<256x128xf32>
    %add3A_101 = arith.addf %add3A_94, %get3A_100 : vector<256x128xf32>
    %get3A_102 = arith.constant 0 : index
    %get3A_103 = arith.constant 15 : index
    %get3A_104 = arith.constant 0 : index
    %get3A_105 = arith.constant 0 : index
    %get3A_106 = vector.load %arg0[%get3A_102, %get3A_103, %get3A_104, %get3A_105] : memref<2x16x256x128xf32, #tpu.memory_space<vmem>>, vector<1x1x256x128xf32>
    %get3A_107 = vector.shape_cast %get3A_106 : vector<1x1x256x128xf32> to vector<256x128xf32>
    %add3A_108 = arith.addf %add3A_101, %get3A_107 : vector<256x128xf32>
    %slice3A = vector.extract_strided_slice %add3A_108 {offsets = [0, 0], sizes = [128, 128], strides = [1, 1]} : vector<256x128xf32> to vector<128x128xf32>
    %get3A_109 = arith.constant 0 : index
    %get3A_110 = arith.constant 0 : index
    %get3A_111 = arith.constant 0 : index
    %get3A_112 = vector.load %arg2[%get3A_109, %get3A_110, %get3A_111] : memref<2x128x128xf32, #tpu.memory_space<vmem>>, vector<1x128x128xf32>
    %get3A_113 = vector.shape_cast %get3A_112 : vector<1x128x128xf32> to vector<128x128xf32>
    %dot_general3A = arith.constant dense<0.000000e+00> : vector<128x128xf32>
    %dot_general3A_114 = tpu.matmul %slice3A, %get3A_113, %dot_general3A {dimension_numbers = #tpu.dot_dimension_numbers<[0], [0], [1], [1], [0, 1, 1, 1], [], []>, transpose_lhs_hint = false} : vector<128x128xf32>, vector<128x128xf32>, vector<128x128xf32> -> vector<128x128xf32>
    %slice3A_115 = vector.extract_strided_slice %dot_general3A_114 {offsets = [0, 0], sizes = [120, 128], strides = [1, 1]} : vector<128x128xf32> to vector<120x128xf32>
    %slice3A_116 = vector.extract_strided_slice %add3A_108 {offsets = [128, 0], sizes = [120, 1], strides = [1, 1]} : vector<256x128xf32> to vector<120x1xf32>
    %get3A_117 = arith.constant 0 : index
    %get3A_118 = arith.constant 0 : index
    %get3A_119 = vector.load %arg3[%get3A_117, %get3A_118] : memref<2x128xf32, #tpu.memory_space<vmem>>, vector<1x128xf32>
    %get3A_120 = vector.shape_cast %get3A_119 : vector<1x128xf32> to vector<128xf32>
    %broadcast_in_dim3A = vector.shape_cast %get3A_120 : vector<128xf32> to vector<1x128xf32>
    %mul3A = vector.broadcast %slice3A_116 : vector<120x1xf32> to vector<120x128xf32>
    %mul3A_121 = vector.broadcast %broadcast_in_dim3A : vector<1x128xf32> to vector<120x128xf32>
    %mul3A_122 = arith.mulf %mul3A, %mul3A_121 : vector<120x128xf32>
    %add3A_123 = arith.addf %slice3A_115, %mul3A_122 : vector<120x128xf32>
    %slice3A_124 = vector.extract_strided_slice %add3A_108 {offsets = [128, 0], sizes = [120, 1], strides = [1, 1]} : vector<256x128xf32> to vector<120x1xf32>
    %max3A = arith.constant 1.000000e+00 : f32
    %max3A_125 = vector.broadcast %max3A : f32 to vector<120x1xf32>
    %max3A_126 = arith.maximumf %slice3A_124, %max3A_125 : vector<120x1xf32>
    %div3A = vector.broadcast %max3A_126 : vector<120x1xf32> to vector<120x128xf32>
    %div3A_127 = arith.divf %add3A_123, %div3A : vector<120x128xf32>
    %get3A_128 = arith.constant 0 : index
    %get3A_129 = arith.constant 0 : index
    %get3A_130 = arith.constant 0 : index
    %get3A_131 = vector.load %arg4[%get3A_128, %get3A_129, %get3A_130] : memref<2x139x256xf32, #tpu.memory_space<vmem>>, vector<1x139x256xf32>
    %get3A_132 = vector.shape_cast %get3A_131 : vector<1x139x256xf32> to vector<139x256xf32>
    %get3A_133 = arith.constant 0 : index
    %get3A_134 = arith.constant 0 : index
    %get3A_135 = arith.constant 0 : index
    %get3A_136 = vector.load %arg1[%get3A_133, %get3A_134, %get3A_135] : memref<2x128x10xf32, #tpu.memory_space<vmem>>, vector<1x128x10xf32>
    %get3A_137 = vector.shape_cast %get3A_136 : vector<1x128x10xf32> to vector<128x10xf32>
    %slice3A_138 = vector.extract_strided_slice %get3A_137 {offsets = [0, 0], sizes = [120, 10], strides = [1, 1]} : vector<128x10xf32> to vector<120x10xf32>
    %slice3A_139 = vector.extract_strided_slice %get3A_132 {offsets = [0, 0], sizes = [10, 256], strides = [1, 1]} : vector<139x256xf32> to vector<10x256xf32>
    %convert_element_type3A = arith.truncf %slice3A_138 : vector<120x10xf32> to vector<120x10xbf16>
    %convert_element_type3A_140 = arith.extf %convert_element_type3A : vector<120x10xbf16> to vector<120x10xf32>
    %convert_element_type3A_141 = arith.truncf %slice3A_139 : vector<10x256xf32> to vector<10x256xbf16>
    %convert_element_type3A_142 = arith.extf %convert_element_type3A_141 : vector<10x256xbf16> to vector<10x256xf32>
    %dot_general3A_143 = arith.constant dense<0.000000e+00> : vector<120x256xf32>
    %dot_general3A_144 = tpu.matmul %convert_element_type3A_140, %convert_element_type3A_142, %dot_general3A_143 {dimension_numbers = #tpu.dot_dimension_numbers<[1], [0], [0], [1], [0, 0, 1, 1], [], []>, precision = #tpu.contract_precision<fp32>, transpose_lhs_hint = false} : vector<120x10xf32>, vector<10x256xf32>, vector<120x256xf32> -> vector<120x256xf32>
    %slice3A_145 = vector.extract_strided_slice %get3A_132 {offsets = [10, 0], sizes = [128, 256], strides = [1, 1]} : vector<139x256xf32> to vector<128x256xf32>
    %convert_element_type3A_146 = arith.truncf %div3A_127 : vector<120x128xf32> to vector<120x128xbf16>
    %convert_element_type3A_147 = arith.extf %convert_element_type3A_146 : vector<120x128xbf16> to vector<120x128xf32>
    %convert_element_type3A_148 = arith.truncf %slice3A_145 : vector<128x256xf32> to vector<128x256xbf16>
    %convert_element_type3A_149 = arith.extf %convert_element_type3A_148 : vector<128x256xbf16> to vector<128x256xf32>
    %dot_general3A_150 = arith.constant dense<0.000000e+00> : vector<120x256xf32>
    %dot_general3A_151 = tpu.matmul %convert_element_type3A_147, %convert_element_type3A_149, %dot_general3A_150 {dimension_numbers = #tpu.dot_dimension_numbers<[1], [0], [0], [1], [0, 0, 1, 1], [], []>, precision = #tpu.contract_precision<fp32>, transpose_lhs_hint = false} : vector<120x128xf32>, vector<128x256xf32>, vector<120x256xf32> -> vector<120x256xf32>
    %add3A_152 = arith.addf %dot_general3A_144, %dot_general3A_151 : vector<120x256xf32>
    %convert_element_type3A_153 = arith.truncf %slice3A_124 : vector<120x1xf32> to vector<120x1xbf16>
    %convert_element_type3A_154 = arith.extf %convert_element_type3A_153 : vector<120x1xbf16> to vector<120x1xf32>
    %slice3A_155 = vector.extract_strided_slice %get3A_132 {offsets = [138, 0], sizes = [1, 256], strides = [1, 1]} : vector<139x256xf32> to vector<1x256xf32>
    %squeeze3A = vector.shape_cast %slice3A_155 : vector<1x256xf32> to vector<256xf32>
    %convert_element_type3A_156 = arith.truncf %squeeze3A : vector<256xf32> to vector<256xbf16>
    %convert_element_type3A_157 = arith.extf %convert_element_type3A_156 : vector<256xbf16> to vector<256xf32>
    %broadcast_in_dim3A_158 = vector.shape_cast %convert_element_type3A_157 : vector<256xf32> to vector<1x256xf32>
    %mul3A_159 = vector.broadcast %convert_element_type3A_154 : vector<120x1xf32> to vector<120x256xf32>
    %mul3A_160 = vector.broadcast %broadcast_in_dim3A_158 : vector<1x256xf32> to vector<120x256xf32>
    %mul3A_161 = arith.mulf %mul3A_159, %mul3A_160 : vector<120x256xf32>
    %add3A_162 = arith.addf %add3A_152, %mul3A_161 : vector<120x256xf32>
    %get3A_163 = arith.constant 0 : index
    %get3A_164 = arith.constant 0 : index
    %get3A_165 = vector.load %arg5[%get3A_163, %get3A_164] : memref<2x256xf32, #tpu.memory_space<vmem>>, vector<1x256xf32>
    %get3A_166 = vector.shape_cast %get3A_165 : vector<1x256xf32> to vector<256xf32>
    %broadcast_in_dim3A_167 = vector.shape_cast %get3A_166 : vector<256xf32> to vector<1x256xf32>
    %add3A_168 = vector.broadcast %broadcast_in_dim3A_167 : vector<1x256xf32> to vector<120x256xf32>
    %add3A_169 = arith.addf %add3A_162, %add3A_168 : vector<120x256xf32>
    %max3A_170 = arith.constant 0.000000e+00 : f32
    %max3A_171 = vector.broadcast %max3A_170 : f32 to vector<120x256xf32>
    %max3A_172 = arith.maximumf %add3A_169, %max3A_171 : vector<120x256xf32>
    %get3A_173 = arith.constant 0 : index
    %get3A_174 = arith.constant 0 : index
    %get3A_175 = arith.constant 0 : index
    %get3A_176 = vector.load %arg6[%get3A_173, %get3A_174, %get3A_175] : memref<2x1x256xf32, #tpu.memory_space<vmem>>, vector<1x1x256xf32>
    %get3A_177 = vector.shape_cast %get3A_176 : vector<1x1x256xf32> to vector<1x256xf32>
    %convert_element_type3A_178 = arith.truncf %get3A_177 : vector<1x256xf32> to vector<1x256xbf16>
    %convert_element_type3A_179 = arith.extf %convert_element_type3A_178 : vector<1x256xbf16> to vector<1x256xf32>
    %convert_element_type3A_180 = arith.truncf %max3A_172 : vector<120x256xf32> to vector<120x256xbf16>
    %convert_element_type3A_181 = arith.extf %convert_element_type3A_180 : vector<120x256xbf16> to vector<120x256xf32>
    %dot_general3A_182 = arith.constant dense<0.000000e+00> : vector<1x120xf32>
    %dot_general3A_183 = tpu.matmul %convert_element_type3A_179, %convert_element_type3A_181, %dot_general3A_182 {dimension_numbers = #tpu.dot_dimension_numbers<[1], [1], [0], [0], [0, 0, 1, 0], [], []>, precision = #tpu.contract_precision<fp32>, transpose_lhs_hint = false} : vector<1x256xf32>, vector<120x256xf32>, vector<1x120xf32> -> vector<1x120xf32>
    %squeeze3A_184 = vector.shape_cast %dot_general3A_183 : vector<1x120xf32> to vector<120xf32>
    %get3A_185 = arith.constant 0 : index
    %get3A_186 = arith.constant 0 : index
    %get3A_187 = vector.load %arg7[%get3A_185, %get3A_186] : memref<2x1xf32, #tpu.memory_space<vmem>>, vector<1x1xf32>
    %get3A_188 = vector.extract %get3A_187[0, 0] : f32 from vector<1x1xf32>
    %add3A_189 = vector.broadcast %get3A_188 : f32 to vector<120xf32>
    %add3A_190 = arith.addf %squeeze3A_184, %add3A_189 : vector<120xf32>
    %swap3A = arith.constant 0 : index
    %swap3A_191 = arith.constant 0 : index
    %swap3A_192 = vector.load %arg8[%swap3A, %swap3A_191] : memref<2x120xf32, #tpu.memory_space<vmem>>, vector<1x120xf32>
    %swap3A_193 = vector.shape_cast %swap3A_192 : vector<1x120xf32> to vector<120xf32>
    %swap3A_194 = vector.shape_cast %add3A_190 : vector<120xf32> to vector<1x120xf32>
    tpu.vector_store %arg8[%swap3A, %swap3A_191], %swap3A_194 {strides = array<i32>} : memref<2x120xf32, #tpu.memory_space<vmem>>, vector<1x120xf32>,
    %get3A_195 = arith.constant 1 : index
    %get3A_196 = arith.constant 0 : index
    %get3A_197 = arith.constant 0 : index
    %get3A_198 = arith.constant 0 : index
    %get3A_199 = vector.load %arg0[%get3A_195, %get3A_196, %get3A_197, %get3A_198] : memref<2x16x256x128xf32, #tpu.memory_space<vmem>>, vector<1x1x256x128xf32>
    %get3A_200 = vector.shape_cast %get3A_199 : vector<1x1x256x128xf32> to vector<256x128xf32>
    %get3A_201 = arith.constant 1 : index
    %get3A_202 = arith.constant 1 : index
    %get3A_203 = arith.constant 0 : index
    %get3A_204 = arith.constant 0 : index
    %get3A_205 = vector.load %arg0[%get3A_201, %get3A_202, %get3A_203, %get3A_204] : memref<2x16x256x128xf32, #tpu.memory_space<vmem>>, vector<1x1x256x128xf32>
    %get3A_206 = vector.shape_cast %get3A_205 : vector<1x1x256x128xf32> to vector<256x128xf32>
    %add3A_207 = arith.addf %get3A_200, %get3A_206 : vector<256x128xf32>
    %get3A_208 = arith.constant 1 : index
    %get3A_209 = arith.constant 2 : index
    %get3A_210 = arith.constant 0 : index
    %get3A_211 = arith.constant 0 : index
    %get3A_212 = vector.load %arg0[%get3A_208, %get3A_209, %get3A_210, %get3A_211] : memref<2x16x256x128xf32, #tpu.memory_space<vmem>>, vector<1x1x256x128xf32>
    %get3A_213 = vector.shape_cast %get3A_212 : vector<1x1x256x128xf32> to vector<256x128xf32>
    %add3A_214 = arith.addf %add3A_207, %get3A_213 : vector<256x128xf32>
    %get3A_215 = arith.constant 1 : index
    %get3A_216 = arith.constant 3 : index
    %get3A_217 = arith.constant 0 : index
    %get3A_218 = arith.constant 0 : index
    %get3A_219 = vector.load %arg0[%get3A_215, %get3A_216, %get3A_217, %get3A_218] : memref<2x16x256x128xf32, #tpu.memory_space<vmem>>, vector<1x1x256x128xf32>
    %get3A_220 = vector.shape_cast %get3A_219 : vector<1x1x256x128xf32> to vector<256x128xf32>
    %add3A_221 = arith.addf %add3A_214, %get3A_220 : vector<256x128xf32>
    %get3A_222 = arith.constant 1 : index
    %get3A_223 = arith.constant 4 : index
    %get3A_224 = arith.constant 0 : index
    %get3A_225 = arith.constant 0 : index
    %get3A_226 = vector.load %arg0[%get3A_222, %get3A_223, %get3A_224, %get3A_225] : memref<2x16x256x128xf32, #tpu.memory_space<vmem>>, vector<1x1x256x128xf32>
    %get3A_227 = vector.shape_cast %get3A_226 : vector<1x1x256x128xf32> to vector<256x128xf32>
    %add3A_228 = arith.addf %add3A_221, %get3A_227 : vector<256x128xf32>
    %get3A_229 = arith.constant 1 : index
    %get3A_230 = arith.constant 5 : index
    %get3A_231 = arith.constant 0 : index
    %get3A_232 = arith.constant 0 : index
    %get3A_233 = vector.load %arg0[%get3A_229, %get3A_230, %get3A_231, %get3A_232] : memref<2x16x256x128xf32, #tpu.memory_space<vmem>>, vector<1x1x256x128xf32>
    %get3A_234 = vector.shape_cast %get3A_233 : vector<1x1x256x128xf32> to vector<256x128xf32>
    %add3A_235 = arith.addf %add3A_228, %get3A_234 : vector<256x128xf32>
    %get3A_236 = arith.constant 1 : index
    %get3A_237 = arith.constant 6 : index
    %get3A_238 = arith.constant 0 : index
    %get3A_239 = arith.constant 0 : index
    %get3A_240 = vector.load %arg0[%get3A_236, %get3A_237, %get3A_238, %get3A_239] : memref<2x16x256x128xf32, #tpu.memory_space<vmem>>, vector<1x1x256x128xf32>
    %get3A_241 = vector.shape_cast %get3A_240 : vector<1x1x256x128xf32> to vector<256x128xf32>
    %add3A_242 = arith.addf %add3A_235, %get3A_241 : vector<256x128xf32>
    %get3A_243 = arith.constant 1 : index
    %get3A_244 = arith.constant 7 : index
    %get3A_245 = arith.constant 0 : index
    %get3A_246 = arith.constant 0 : index
    %get3A_247 = vector.load %arg0[%get3A_243, %get3A_244, %get3A_245, %get3A_246] : memref<2x16x256x128xf32, #tpu.memory_space<vmem>>, vector<1x1x256x128xf32>
    %get3A_248 = vector.shape_cast %get3A_247 : vector<1x1x256x128xf32> to vector<256x128xf32>
    %add3A_249 = arith.addf %add3A_242, %get3A_248 : vector<256x128xf32>
    %get3A_250 = arith.constant 1 : index
    %get3A_251 = arith.constant 8 : index
    %get3A_252 = arith.constant 0 : index
    %get3A_253 = arith.constant 0 : index
    %get3A_254 = vector.load %arg0[%get3A_250, %get3A_251, %get3A_252, %get3A_253] : memref<2x16x256x128xf32, #tpu.memory_space<vmem>>, vector<1x1x256x128xf32>
    %get3A_255 = vector.shape_cast %get3A_254 : vector<1x1x256x128xf32> to vector<256x128xf32>
    %add3A_256 = arith.addf %add3A_249, %get3A_255 : vector<256x128xf32>
    %get3A_257 = arith.constant 1 : index
    %get3A_258 = arith.constant 9 : index
    %get3A_259 = arith.constant 0 : index
    %get3A_260 = arith.constant 0 : index
    %get3A_261 = vector.load %arg0[%get3A_257, %get3A_258, %get3A_259, %get3A_260] : memref<2x16x256x128xf32, #tpu.memory_space<vmem>>, vector<1x1x256x128xf32>
    %get3A_262 = vector.shape_cast %get3A_261 : vector<1x1x256x128xf32> to vector<256x128xf32>
    %add3A_263 = arith.addf %add3A_256, %get3A_262 : vector<256x128xf32>
    %get3A_264 = arith.constant 1 : index
    %get3A_265 = arith.constant 10 : index
    %get3A_266 = arith.constant 0 : index
    %get3A_267 = arith.constant 0 : index
    %get3A_268 = vector.load %arg0[%get3A_264, %get3A_265, %get3A_266, %get3A_267] : memref<2x16x256x128xf32, #tpu.memory_space<vmem>>, vector<1x1x256x128xf32>
    %get3A_269 = vector.shape_cast %get3A_268 : vector<1x1x256x128xf32> to vector<256x128xf32>
    %add3A_270 = arith.addf %add3A_263, %get3A_269 : vector<256x128xf32>
    %get3A_271 = arith.constant 1 : index
    %get3A_272 = arith.constant 11 : index
    %get3A_273 = arith.constant 0 : index
    %get3A_274 = arith.constant 0 : index
    %get3A_275 = vector.load %arg0[%get3A_271, %get3A_272, %get3A_273, %get3A_274] : memref<2x16x256x128xf32, #tpu.memory_space<vmem>>, vector<1x1x256x128xf32>
    %get3A_276 = vector.shape_cast %get3A_275 : vector<1x1x256x128xf32> to vector<256x128xf32>
    %add3A_277 = arith.addf %add3A_270, %get3A_276 : vector<256x128xf32>
    %get3A_278 = arith.constant 1 : index
    %get3A_279 = arith.constant 12 : index
    %get3A_280 = arith.constant 0 : index
    %get3A_281 = arith.constant 0 : index
    %get3A_282 = vector.load %arg0[%get3A_278, %get3A_279, %get3A_280, %get3A_281] : memref<2x16x256x128xf32, #tpu.memory_space<vmem>>, vector<1x1x256x128xf32>
    %get3A_283 = vector.shape_cast %get3A_282 : vector<1x1x256x128xf32> to vector<256x128xf32>
    %add3A_284 = arith.addf %add3A_277, %get3A_283 : vector<256x128xf32>
    %get3A_285 = arith.constant 1 : index
    %get3A_286 = arith.constant 13 : index
    %get3A_287 = arith.constant 0 : index
    %get3A_288 = arith.constant 0 : index
    %get3A_289 = vector.load %arg0[%get3A_285, %get3A_286, %get3A_287, %get3A_288] : memref<2x16x256x128xf32, #tpu.memory_space<vmem>>, vector<1x1x256x128xf32>
    %get3A_290 = vector.shape_cast %get3A_289 : vector<1x1x256x128xf32> to vector<256x128xf32>
    %add3A_291 = arith.addf %add3A_284, %get3A_290 : vector<256x128xf32>
    %get3A_292 = arith.constant 1 : index
    %get3A_293 = arith.constant 14 : index
    %get3A_294 = arith.constant 0 : index
    %get3A_295 = arith.constant 0 : index
    %get3A_296 = vector.load %arg0[%get3A_292, %get3A_293, %get3A_294, %get3A_295] : memref<2x16x256x128xf32, #tpu.memory_space<vmem>>, vector<1x1x256x128xf32>
    %get3A_297 = vector.shape_cast %get3A_296 : vector<1x1x256x128xf32> to vector<256x128xf32>
    %add3A_298 = arith.addf %add3A_291, %get3A_297 : vector<256x128xf32>
    %get3A_299 = arith.constant 1 : index
    %get3A_300 = arith.constant 15 : index
    %get3A_301 = arith.constant 0 : index
    %get3A_302 = arith.constant 0 : index
    %get3A_303 = vector.load %arg0[%get3A_299, %get3A_300, %get3A_301, %get3A_302] : memref<2x16x256x128xf32, #tpu.memory_space<vmem>>, vector<1x1x256x128xf32>
    %get3A_304 = vector.shape_cast %get3A_303 : vector<1x1x256x128xf32> to vector<256x128xf32>
    %add3A_305 = arith.addf %add3A_298, %get3A_304 : vector<256x128xf32>
    %slice3A_306 = vector.extract_strided_slice %add3A_305 {offsets = [0, 0], sizes = [128, 128], strides = [1, 1]} : vector<256x128xf32> to vector<128x128xf32>
    %get3A_307 = arith.constant 1 : index
    %get3A_308 = arith.constant 0 : index
    %get3A_309 = arith.constant 0 : index
    %get3A_310 = vector.load %arg2[%get3A_307, %get3A_308, %get3A_309] : memref<2x128x128xf32, #tpu.memory_space<vmem>>, vector<1x128x128xf32>
    %get3A_311 = vector.shape_cast %get3A_310 : vector<1x128x128xf32> to vector<128x128xf32>
    %dot_general3A_312 = arith.constant dense<0.000000e+00> : vector<128x128xf32>
    %dot_general3A_313 = tpu.matmul %slice3A_306, %get3A_311, %dot_general3A_312 {dimension_numbers = #tpu.dot_dimension_numbers<[0], [0], [1], [1], [0, 1, 1, 1], [], []>, transpose_lhs_hint = false} : vector<128x128xf32>, vector<128x128xf32>, vector<128x128xf32> -> vector<128x128xf32>
    %slice3A_314 = vector.extract_strided_slice %dot_general3A_313 {offsets = [0, 0], sizes = [120, 128], strides = [1, 1]} : vector<128x128xf32> to vector<120x128xf32>
    %slice3A_315 = vector.extract_strided_slice %add3A_305 {offsets = [128, 0], sizes = [120, 1], strides = [1, 1]} : vector<256x128xf32> to vector<120x1xf32>
    %get3A_316 = arith.constant 1 : index
    %get3A_317 = arith.constant 0 : index
    %get3A_318 = vector.load %arg3[%get3A_316, %get3A_317] : memref<2x128xf32, #tpu.memory_space<vmem>>, vector<1x128xf32>
    %get3A_319 = vector.shape_cast %get3A_318 : vector<1x128xf32> to vector<128xf32>
    %broadcast_in_dim3A_320 = vector.shape_cast %get3A_319 : vector<128xf32> to vector<1x128xf32>
    %mul3A_321 = vector.broadcast %slice3A_315 : vector<120x1xf32> to vector<120x128xf32>
    %mul3A_322 = vector.broadcast %broadcast_in_dim3A_320 : vector<1x128xf32> to vector<120x128xf32>
    %mul3A_323 = arith.mulf %mul3A_321, %mul3A_322 : vector<120x128xf32>
    %add3A_324 = arith.addf %slice3A_314, %mul3A_323 : vector<120x128xf32>
    %slice3A_325 = vector.extract_strided_slice %add3A_305 {offsets = [128, 0], sizes = [120, 1], strides = [1, 1]} : vector<256x128xf32> to vector<120x1xf32>
    %max3A_326 = arith.constant 1.000000e+00 : f32
    %max3A_327 = vector.broadcast %max3A_326 : f32 to vector<120x1xf32>
    %max3A_328 = arith.maximumf %slice3A_325, %max3A_327 : vector<120x1xf32>
    %div3A_329 = vector.broadcast %max3A_328 : vector<120x1xf32> to vector<120x128xf32>
    %div3A_330 = arith.divf %add3A_324, %div3A_329 : vector<120x128xf32>
    %get3A_331 = arith.constant 1 : index
    %get3A_332 = arith.constant 0 : index
    %get3A_333 = arith.constant 0 : index
    %get3A_334 = vector.load %arg4[%get3A_331, %get3A_332, %get3A_333] : memref<2x139x256xf32, #tpu.memory_space<vmem>>, vector<1x139x256xf32>
    %get3A_335 = vector.shape_cast %get3A_334 : vector<1x139x256xf32> to vector<139x256xf32>
    %get3A_336 = arith.constant 1 : index
    %get3A_337 = arith.constant 0 : index
    %get3A_338 = arith.constant 0 : index
    %get3A_339 = vector.load %arg1[%get3A_336, %get3A_337, %get3A_338] : memref<2x128x10xf32, #tpu.memory_space<vmem>>, vector<1x128x10xf32>
    %get3A_340 = vector.shape_cast %get3A_339 : vector<1x128x10xf32> to vector<128x10xf32>
    %slice3A_341 = vector.extract_strided_slice %get3A_340 {offsets = [0, 0], sizes = [120, 10], strides = [1, 1]} : vector<128x10xf32> to vector<120x10xf32>
    %slice3A_342 = vector.extract_strided_slice %get3A_335 {offsets = [0, 0], sizes = [10, 256], strides = [1, 1]} : vector<139x256xf32> to vector<10x256xf32>
    %convert_element_type3A_343 = arith.truncf %slice3A_341 : vector<120x10xf32> to vector<120x10xbf16>
    %convert_element_type3A_344 = arith.extf %convert_element_type3A_343 : vector<120x10xbf16> to vector<120x10xf32>
    %convert_element_type3A_345 = arith.truncf %slice3A_342 : vector<10x256xf32> to vector<10x256xbf16>
    %convert_element_type3A_346 = arith.extf %convert_element_type3A_345 : vector<10x256xbf16> to vector<10x256xf32>
    %dot_general3A_347 = arith.constant dense<0.000000e+00> : vector<120x256xf32>
    %dot_general3A_348 = tpu.matmul %convert_element_type3A_344, %convert_element_type3A_346, %dot_general3A_347 {dimension_numbers = #tpu.dot_dimension_numbers<[1], [0], [0], [1], [0, 0, 1, 1], [], []>, precision = #tpu.contract_precision<fp32>, transpose_lhs_hint = false} : vector<120x10xf32>, vector<10x256xf32>, vector<120x256xf32> -> vector<120x256xf32>
    %slice3A_349 = vector.extract_strided_slice %get3A_335 {offsets = [10, 0], sizes = [128, 256], strides = [1, 1]} : vector<139x256xf32> to vector<128x256xf32>
    %convert_element_type3A_350 = arith.truncf %div3A_330 : vector<120x128xf32> to vector<120x128xbf16>
    %convert_element_type3A_351 = arith.extf %convert_element_type3A_350 : vector<120x128xbf16> to vector<120x128xf32>
    %convert_element_type3A_352 = arith.truncf %slice3A_349 : vector<128x256xf32> to vector<128x256xbf16>
    %convert_element_type3A_353 = arith.extf %convert_element_type3A_352 : vector<128x256xbf16> to vector<128x256xf32>
    %dot_general3A_354 = arith.constant dense<0.000000e+00> : vector<120x256xf32>
    %dot_general3A_355 = tpu.matmul %convert_element_type3A_351, %convert_element_type3A_353, %dot_general3A_354 {dimension_numbers = #tpu.dot_dimension_numbers<[1], [0], [0], [1], [0, 0, 1, 1], [], []>, precision = #tpu.contract_precision<fp32>, transpose_lhs_hint = false} : vector<120x128xf32>, vector<128x256xf32>, vector<120x256xf32> -> vector<120x256xf32>
    %add3A_356 = arith.addf %dot_general3A_348, %dot_general3A_355 : vector<120x256xf32>
    %convert_element_type3A_357 = arith.truncf %slice3A_325 : vector<120x1xf32> to vector<120x1xbf16>
    %convert_element_type3A_358 = arith.extf %convert_element_type3A_357 : vector<120x1xbf16> to vector<120x1xf32>
    %slice3A_359 = vector.extract_strided_slice %get3A_335 {offsets = [138, 0], sizes = [1, 256], strides = [1, 1]} : vector<139x256xf32> to vector<1x256xf32>
    %squeeze3A_360 = vector.shape_cast %slice3A_359 : vector<1x256xf32> to vector<256xf32>
    %convert_element_type3A_361 = arith.truncf %squeeze3A_360 : vector<256xf32> to vector<256xbf16>
    %convert_element_type3A_362 = arith.extf %convert_element_type3A_361 : vector<256xbf16> to vector<256xf32>
    %broadcast_in_dim3A_363 = vector.shape_cast %convert_element_type3A_362 : vector<256xf32> to vector<1x256xf32>
    %mul3A_364 = vector.broadcast %convert_element_type3A_358 : vector<120x1xf32> to vector<120x256xf32>
    %mul3A_365 = vector.broadcast %broadcast_in_dim3A_363 : vector<1x256xf32> to vector<120x256xf32>
    %mul3A_366 = arith.mulf %mul3A_364, %mul3A_365 : vector<120x256xf32>
    %add3A_367 = arith.addf %add3A_356, %mul3A_366 : vector<120x256xf32>
    %get3A_368 = arith.constant 1 : index
    %get3A_369 = arith.constant 0 : index
    %get3A_370 = vector.load %arg5[%get3A_368, %get3A_369] : memref<2x256xf32, #tpu.memory_space<vmem>>, vector<1x256xf32>
    %get3A_371 = vector.shape_cast %get3A_370 : vector<1x256xf32> to vector<256xf32>
    %broadcast_in_dim3A_372 = vector.shape_cast %get3A_371 : vector<256xf32> to vector<1x256xf32>
    %add3A_373 = vector.broadcast %broadcast_in_dim3A_372 : vector<1x256xf32> to vector<120x256xf32>
    %add3A_374 = arith.addf %add3A_367, %add3A_373 : vector<120x256xf32>
    %max3A_375 = arith.constant 0.000000e+00 : f32
    %max3A_376 = vector.broadcast %max3A_375 : f32 to vector<120x256xf32>
    %max3A_377 = arith.maximumf %add3A_374, %max3A_376 : vector<120x256xf32>
    %get3A_378 = arith.constant 1 : index
    %get3A_379 = arith.constant 0 : index
    %get3A_380 = arith.constant 0 : index
    %get3A_381 = vector.load %arg6[%get3A_378, %get3A_379, %get3A_380] : memref<2x1x256xf32, #tpu.memory_space<vmem>>, vector<1x1x256xf32>
    %get3A_382 = vector.shape_cast %get3A_381 : vector<1x1x256xf32> to vector<1x256xf32>
    %convert_element_type3A_383 = arith.truncf %get3A_382 : vector<1x256xf32> to vector<1x256xbf16>
    %convert_element_type3A_384 = arith.extf %convert_element_type3A_383 : vector<1x256xbf16> to vector<1x256xf32>
    %convert_element_type3A_385 = arith.truncf %max3A_377 : vector<120x256xf32> to vector<120x256xbf16>
    %convert_element_type3A_386 = arith.extf %convert_element_type3A_385 : vector<120x256xbf16> to vector<120x256xf32>
    %dot_general3A_387 = arith.constant dense<0.000000e+00> : vector<1x120xf32>
    %dot_general3A_388 = tpu.matmul %convert_element_type3A_384, %convert_element_type3A_386, %dot_general3A_387 {dimension_numbers = #tpu.dot_dimension_numbers<[1], [1], [0], [0], [0, 0, 1, 0], [], []>, precision = #tpu.contract_precision<fp32>, transpose_lhs_hint = false} : vector<1x256xf32>, vector<120x256xf32>, vector<1x120xf32> -> vector<1x120xf32>
    %squeeze3A_389 = vector.shape_cast %dot_general3A_388 : vector<1x120xf32> to vector<120xf32>
    %get3A_390 = arith.constant 1 : index
    %get3A_391 = arith.constant 0 : index
    %get3A_392 = vector.load %arg7[%get3A_390, %get3A_391] : memref<2x1xf32, #tpu.memory_space<vmem>>, vector<1x1xf32>
    %get3A_393 = vector.extract %get3A_392[0, 0] : f32 from vector<1x1xf32>
    %add3A_394 = vector.broadcast %get3A_393 : f32 to vector<120xf32>
    %add3A_395 = arith.addf %squeeze3A_389, %add3A_394 : vector<120xf32>
    %swap3A_396 = arith.constant 1 : index
    %swap3A_397 = arith.constant 0 : index
    %swap3A_398 = vector.load %arg8[%swap3A_396, %swap3A_397] : memref<2x120xf32, #tpu.memory_space<vmem>>, vector<1x120xf32>
    %swap3A_399 = vector.shape_cast %swap3A_398 : vector<1x120xf32> to vector<120xf32>
    %swap3A_400 = vector.shape_cast %add3A_395 : vector<120xf32> to vector<1x120xf32>
    tpu.vector_store %arg8[%swap3A_396, %swap3A_397], %swap3A_400 {strides = array<i32>} : memref<2x120xf32, #tpu.memory_space<vmem>>, vector<1x120xf32>,
    return
  }
}

</mosaic_0001>

<sc_bundles>
// kernel: kernel.10.cloned.1.call-start
scs
__scs_entry_jumppad:
0x0: {  	(pc) =	sbr.rel $0x88, $3  }
0x1: {  	(tag) =	ssettag $0x0;
	lr =	simm.s32 $0x1  }
0x2: {  	[smem:$0x3F68] =	sst lr;
	_ =	strace $0xD0000000  }
0x3: {  	_ = 	snop  }
0x4: {  	_ = 	snop  }
0x5: {  	_ = 	snop  }
0x6: {  	_ = 	snop  }
0x7: {  	_ = 	snop  }
__scs_overlays_trampoline_lowered:
0x8: {  	[smem:$0x3F77] =	sst s0  }
0x9: {  	[smem:$0x3F78] =	sst s1  }
0xa: {  	[smem:$0x3F79] =	sst s2  }
0xb: {  	[smem:$0x3F7A] =	sst s3  }
0xc: {  	[smem:$0x3F7B] =	sst s4  }
0xd: {  	[smem:$0x3F7C] =	sst s5  }
0xe: {  	[smem:$0x3F7D] =	sst s6  }
0xf: {  	[smem:$0x3F7E] =	sst s7  }
0x10: {  	[smem:$0x3F7F] =	sst s8  }
0x11: {  	[smem:$0x3F80] =	sst s9;
	s0 =	simm.s32 @!p0 $0x0  }
0x12: {  	s1 =	sld [smem:$0x3F66];
	s0 =	simm.s32 @p0 $0x1  }
0x13: {  	[smem:$0x3F81] =	sst s0;
	s0 =	simm.s32 @!p1 $0x0  }
0x14: {  	s2 =	sld [smem:$0x3F65];
	s0 =	simm.s32 @p1 $0x1  }
0x15: {  	[smem:$0x3F82] =	sst s0;
	s0 =	simm.s32 @!p2 $0x0  }
0x16: {  	s3 =	sld [smem:$0x3FDB];
	s0 =	simm.s32 @p2 $0x1  }
0x17: {  	s4 =	simm.s32 $0x1BF5;
	[smem:$0x3F84] =	sst s0  }
0x18: {  	s0 =	sld [smem:$0x3F67];
	_ =	swait.ge [sflag:s4], $0x0  }
0x19: {  	s7 =	sld [smem:$0x3F68]  }
0x1a: {  	s8 =	sadd.s32 $0xFFFFE003, lr  }
0x1b: {  	s9 =	sadd.s32 $0xFFFFFEF7, lr;
	s5 =	simm.s32 $0xFFFFFFFF;
	p2 =	slt.u32 s8, $0xFFFFF086  }
0x1c: {  	p1 =	slt.u32 s9, $0xF7A;
	s5 =	simm.s32 @!p2 $0x0  }
0x1d: {  	s5 =	simm.s32 @p1 $0x1;
	p0 =	seq.s32 s7, s2  }
0x1e: {  	s7 =	smul.u32 @!p0 $0xF7A, s2;
	p2 =	seq.s32 @!p0 s5, $0x0  }
0x1f: {  	s9 =	smul.u32 $0xF7A, s1;
	s8 =	simm.s32 @!p0 $0x1BF5;
	p2 =	por !p2, p0  }
0x20: {  	[sflag:s8] =	ssyncset.s32 @!p0 $0xFFFFF086;
	s6 =	sadd.s32 @!p0 s3, s7;
	s7 =	simm.s32 @!p0 $0x108  }
0x21: {  	s3 =	sadd.s32 s3, s9;
	s6 =	sadd.s32 @!p0 $0x88, s6;
	s7 =	simm.s32 @p2 $0x1082  }
0x22: {  	[simem:s7], [sflag:s8] =	dma.local @!p0 [hbm:s6], $0xF7A  }
0x23: {  	s9 =	sor.u32 $0xD0000000, s2;
	s6 =	simm.s32 $0x108;
	_ =	swait.ge @!p0 [sflag:s8], $0x0  }
0x24: {  	s3 =	sadd.s32 $0x88, s3;
	s6 =	simm.s32 @!p1 $0x1082;
	[sflag:s4] =	ssyncset.s32 $0xFFFFF086  }
0x25: {  	[simem:s6], [sflag:s4] =	dma.local [hbm:s3], $0xF7A  }
0x26: {  	[smem:$0x3F68] =	sst s1;
	(tag) =	ssettag s2;
	_ =	strace s9  }
0x27: {  	s1 =	sld [smem:$0x3F78]  }
0x28: {  	s2 =	sld [smem:$0x3F79]  }
0x29: {  	s4 =	sld [smem:$0x3F7B]  }
0x2a: {  	p0 =	seq.s32 s5, $0x0;
	s5 =	sld [smem:$0x3F7C]  }
0x2b: {  	s6 =	sld [smem:$0x3F7D]  }
0x2c: {  	s7 =	sld [smem:$0x3F7E]  }
0x2d: {  	s3 =	simm.s32 $0x108;
	s8 =	sld [smem:$0x3F7F]  }
0x2e: {  	s3 =	simm.s32 @!p0 $0x1082;
	s9 =	sld [smem:$0x3F80]  }
0x2f: {  	lr =	sadd.s32 s0, s3;
	s0 =	sld [smem:$0x3F77]  }
0x30: {  	s3 =	sld [smem:$0x3F7A]  }
0x31: {  	[smem:$0x3F83] =	sst s10  }
0x32: {  	s10 =	sld [smem:$0x3F81];
	_ =	sdelay $0x3  }
0x33: {  	p0 =	seq.s32 s10, $0x1;
	s10 =	sld [smem:$0x3F83];
	_ =	sdelay $0x3  }
0x34: {  	[smem:$0x3F83] =	sst s10  }
0x35: {  	s10 =	sld [smem:$0x3F82];
	_ =	sdelay $0x3  }
0x36: {  	p1 =	seq.s32 s10, $0x1;
	s10 =	sld [smem:$0x3F83];
	_ =	sdelay $0x3  }
0x37: {  	[smem:$0x3F83] =	sst s10  }
0x38: {  	s10 =	sld [smem:$0x3F84]  }
0x39: {  	_ = 	snop;
	(pc) =	sbr.ind lr, $3  }
0x3a: {  	_ = 	snop  }
0x3b: {  	_ = 	snop  }
0x3c: {  	p2 =	seq.s32 s10, $0x1;
	s10 =	sld [smem:$0x3F83]  }
0x3d: {  	_ =	shalt  }
0x3e: {  	_ =	shalt  }
0x3f: {  	_ =	shalt  }
0x40: {  	_ =	shalt  }
0x41: {  	_ =	shalt  }
0x42: {  	_ =	shalt  }
0x43: {  	_ =	shalt  }
0x44: {  	_ =	shalt  }
0x45: {  	_ =	shalt  }
0x46: {  	_ =	shalt  }
0x47: {  	_ =	shalt  }
0x48: {  	_ =	shalt  }
0x49: {  	_ =	shalt  }
0x4a: {  	_ =	shalt  }
0x4b: {  	_ =	shalt  }
0x4c: {  	_ =	shalt  }
0x4d: {  	_ =	shalt  }
0x4e: {  	_ =	shalt  }
0x4f: {  	_ =	shalt  }
0x50: {  	_ =	shalt  }
0x51: {  	_ =	shalt  }
0x52: {  	_ =	shalt  }
0x53: {  	_ =	shalt  }
0x54: {  	_ =	shalt  }
0x55: {  	_ =	shalt  }
0x56: {  	_ =	shalt  }
0x57: {  	_ =	shalt  }
0x58: {  	_ =	shalt  }
0x59: {  	_ =	shalt  }
0x5a: {  	_ =	shalt  }
0x5b: {  	_ =	shalt  }
0x5c: {  	_ =	shalt  }
0x5d: {  	_ =	shalt  }
0x5e: {  	_ =	shalt  }
0x5f: {  	_ =	shalt  }
0x60: {  	_ =	shalt  }
0x61: {  	_ =	shalt  }
0x62: {  	_ =	shalt  }
0x63: {  	_ =	shalt  }
0x64: {  	_ =	shalt  }
0x65: {  	_ =	shalt  }
0x66: {  	_ =	shalt  }
0x67: {  	_ =	shalt  }
0x68: {  	_ =	shalt  }
0x69: {  	_ =	shalt  }
0x6a: {  	_ =	shalt  }
0x6b: {  	_ =	shalt  }
0x6c: {  	_ =	shalt  }
0x6d: {  	_ =	shalt  }
0x6e: {  	_ =	shalt  }
0x6f: {  	_ =	shalt  }
0x70: {  	_ =	shalt  }
0x71: {  	_ =	shalt  }
0x72: {  	_ =	shalt  }
0x73: {  	_ =	shalt  }
0x74: {  	_ =	shalt  }
0x75: {  	_ =	shalt  }
0x76: {  	_ =	shalt  }
0x77: {  	_ =	shalt  }
0x78: {  	_ =	shalt  }
0x79: {  	_ =	shalt  }
0x7a: {  	_ =	shalt  }
0x7b: {  	_ =	shalt  }
0x7c: {  	_ =	shalt  }
0x7d: {  	_ =	shalt  }
0x7e: {  	_ =	shalt  }
0x7f: {  	_ =	shalt  }
0x80: {  	_ =	shalt  }
0x81: {  	_ =	shalt  }
0x82: {  	_ =	shalt  }
0x83: {  	_ =	shalt  }
0x84: {  	_ =	shalt  }
0x85: {  	_ =	shalt  }
0x86: {  	_ =	shalt  }
0x87: {  	_ =	shalt  }
.Lfunc_end0:
.L_simem_size_0:
called_computation.1_lowered:
.L_overlay_start_0:
0x88: {  	s2 =	sld [smem:$0x3FD9]  }
0x89: {  	s3 =	sld [smem:$0x3FFE];
	_ =	sdelay $0x1  }
0x8a: {  	s1 =	srdreg.scid  }
0x8b: {  	s0 =	sand.u32 $0x1, s1  }
0x8c: {  	s16 =	sshll.u32 s0, $0xA;
	s2 =	sadd.s32 s3, s2  }
0x8d: {  	s2 =	sadd.s32 s2, s16  }
0x8e: {  	[smem:$0x3F8F] =	sst s2  }
0x8f: {  	_ = 	snop  }
0x90: {  	(tm) =	ssettm $0x1  }
0x91: {  	s17 =	sld [smem:$0x3FFB];
	_ =	sdelay $0x3  }
0x92: {  	_ =	strace s17  }
0x93: {  	s2 =	sld [smem:$0x3FFC];
	_ =	sdelay $0x3  }
0x94: {  	_ =	strace s2  }
0x95: {  	s2 =	sld [smem:$0x3FFD];
	_ =	sdelay $0x3  }
0x96: {  	_ =	strace s2  }
0x97: {  	_ =	strace $0x8FFFFFFF  }
0x98: {  	s18 =	sld [smem:$0x3FDB];
	_ =	sdelay $0x1  }
0x99: {  	s19 =	simm.s32 $_scs_section_size  }
0x9a: {  	s4 =	simm.s32 $_size__tile_overlayer_lowered;
	s5 =	simm.s32 $_tile_overlayer_lowered  }
0x9b: {  	s22 =	simm.s32 $0x1BFF;
	s21 =	sshll.u32 s5, $0x1;
	s2 =	sadd.s32 s19, s18  }
0x9c: {  	s6 =	simm.s32 $0x0;
	s20 =	sshll.u32 s4, $0x1;
	s4 =	sadd.s32 s21, s2  }
0x9d: {  	[timem:s6], [sflag:s22] =	dma.local [hbm:s4], s20  }
0x9e: {  	_ =	swait.ge [sflag:s22], s20  }
0x9f: {  	s3 =	ssub.s32 $0x0, s20;
	[sflag:s22] =	ssyncset.done $0x0  }
0xa0: {  	[sflag:s22] =	ssyncadd.s32 s3;
	_ =	sdelay $0x1  }
0xa1: {  	s23 =	simm.s32 $0x1B8B  }
0xa2: {  	_ =	swait.ge [sflag:s23], $0x1  }
0xa3: {  	[sflag:s23] =	ssyncset.done $0x0  }
0xa4: {  	s25 =	simm.s32 $0x1B8E;
	s24 =	sld [smem:$0x3FFE];
	[sflag:s23] =	ssyncadd.s32 $0xFFFFFFFF  }
0xa5: {  	s26 =	simm.s32 $execute0_lowered;
	[smem:$0x3FD2] =	sst s25  }
0xa6: {  	s4 =	sshll.u32 s26, $0x1;
	_ =	strace $0x80000049;
	[dreg:$0x1] =	wrdreg $0xFFFFFFFF  }
0xa7: {  	s28 =	simm.s32 $_size_execute0_lowered;
	s2 =	sadd.s32 s2, s4;
	[dreg:$0x0] =	wrdreg $0x0  }
0xa8: {  	s4 =	sshll.u32 s28, $0x1;
	[dreg:$0x2] =	wrdreg s2  }
0xa9: {  	[dreg:$0x3] =	wrdreg s4  }
0xaa: {  	[dreg:$0x4] =	wrdreg $0xC0  }
0xab: {  	_ =	task [dreg:s6], $0x5FFFF  }
0xac: {  	[dreg:$0x1] =	wrdreg $0xFFFFFFFF  }
0xad: {  	[dreg:$0x0] =	wrdreg $0x60  }
0xae: {  	[dreg:$0x2] =	wrdreg s24  }
0xaf: {  	[dreg:$0x3] =	wrdreg $0x9  }
0xb0: {  	_ =	task.clear_ibuf [dreg:s6], $0x4FFFF;
	_ =	strace $0x90000049  }
0xb1: {  	s29 =	simm.s32 $0x9;
	_ =	strace $0x8000004B  }
0xb2: {  	_ =	swait.ge [sflag:s29], $0x1  }
0xb3: {  	[sflag:s29] =	ssyncadd.s32 $0xFFFFFFFF  }
0xb4: {  	_ =	strace $0x9000004B  }
0xb5: {  	_ =	sfence  }
0xb6: {  	s30 =	sld [smem:$0x0];
	_ =	sdelay $0x2  }
0xb7: {  	s31 =	sshll.u32 s1, $0xD;
	s1 =	sshrl.u32 s1, $0x2  }
0xb8: {  	s3 =	sand.u32 $0x4000, s31;
	s1 =	sadd.s32 s1, s30  }
0xb9: {  	s0 =	sor.u32 s3, s0;
	s1 =	sshll.u32 s1, $0x11  }
0xba: {  	s0 =	sor.u32 s1, s0  }
0xbb: {  	s0 =	sadd.s32 $0x8F2B, s0  }
0xbc: {  	[sflag:s0] =	ssyncadd.remote.s32 $0x1  }
0xbd: {  	_ =	sfence.sel $0xFFFF  }
0xbe: {  	[dreg:$0x0] =	wrdreg $0xFFFFFFFF;
	(pc) =	sbr.abs _section_cstart, $3  }
0xbf: {  	[dreg:$0x1] =	wrdreg $0xFFFFFFFF  }
0xc0: {  	_ =	task.clear_ibuf [dreg:s6], $0x2FFFF;
	_ =	strace $0x9FFFFFFF  }
0xc1: {  	(tm) =	ssettm $0x7FFFFFFF  }
tec
execute0_lowered:
.L_overlay_start_1:
0x0: {  	(tag) =	ssettag $0x1  }
0x1: {  	s7 =	stileid.u32  }
0x2: {  	s0 =	srdreg.scid;
	s4 =	rddreg [dreg:$0x0]  }
0x3: {  	s2 =	simm.s32 $0x0;
	s14 =	simm.s32 $0x1;
	s16 =	simm.s32 $0x1900  }
0x4: {  	s17 =	simm.s32 $0x2580;
	s18 =	simm.s32 $0x3200;
	s19 =	simm.s32 $0x7200  }
0x5: {  	s20 =	simm.s32 $0xB200;
	s21 =	simm.s32 $0xF200;
	s22 =	simm.s32 $0x13200  }
0x6: {  	s23 =	simm.s32 $0x0;
	s1 =	smul.u32 $0xC40, s7;
	s0 =	sand.u32 $0x1, s0  }
0x7: {  	[smem:$0x7FF] =	sst s2;
	s8 =	sadd.s32 $0xA400, s4;
	s7 =	sshll.u32 s7, $0xC  }
0x8: {  	s3 =	smul.u32 $0x18800, s0;
	_ =	strace $0x8000004A;
	s29 =	sshll.u32 s0, $0xB  }
0x9: {  	s6 =	ssub.s32 $0x2, s0;
	s10 =	smul.u32 $0xC000, s0;
	s12 =	sadd.s32 s7, s4  }
0xa: {  	s30 =	smul.u32 $0x1800, s0;
	s0 =	sshll.u32 s0, $0x10;
	s5 =	sshrl.u32 s1, $0x3  }
0xb: {  	s11 =	sadd.s32 s29, s4;
	s9 =	sshrl.u32 s6, $0x1;
	s0 =	sadd.s32 s0, s12  }
0xc: {  	s1 =	sadd.s32 s1, s3;
	s5 =	sadd.s32 s5, s4;
	s3 =	sadd.s32 $0xFE00, s4  }
0xd: {  	s13 =	ssub.s32 s6, s9;
	s10 =	sshrl.u32 s10, $0x3;
	s11 =	sadd.s32 $0xD400, s11  }
0xe: {  	s12 =	sadd.s32 $0x10E00, s0;
	s1 =	sshrl.u32 s1, $0x3;
	s31 =	sadd.s32 s8, s10  }
0xf: {  	s8 =	sadd.s32 s8, s30;
	s13 =	smax.u32 s13, $0x1;
	s1 =	sadd.s32 s1, s4  }
0x10: {  	s4 =	sadd.s32 $0x7000, s5;
	s5 =	sadd.s32 $0x8A00, s5;
	s9 =	sadd.s32 $0x800, s31  }
0x11: {  	v0 =	vimm.f32 $1.000000000e+00;
	s10 =	sadd.s32 $0x1000, s31;
	s6 =	sadd.s32 $0x30E00, s1;
	s7 =	sadd.s32 $0x32680, s1  }
.LBB2_1:
0x12: {  	[tilespmem:s2], [sflag:$0x1] =	stream.linear.gather [hbm4b:s4+s2], $0xC40, $0x38;
	[tilespmem:$0x1B200] =	vst v63  }
0x13: {  	_ =	swait.ge [sflag:s14], $0xC40  }
0x14: {  	[sflag:s14] =	ssyncset.done $0x0  }
0x15: {  	s0 =	simm.s32 $0xC80;
	[sflag:s14] =	ssyncadd.s32 $0xFFFFF3C0  }
0x16: {  	[tilespmem:s0], [sflag:$0x1] =	stream.linear.gather [hbm4b:s5+s2], $0xC40, $0x38;
	[tilespmem:$0x1B200] =	vst v63  }
0x17: {  	_ =	swait.ge [sflag:s14], $0xC40  }
0x18: {  	[sflag:s14] =	ssyncset.done $0x0  }
0x19: {  	[sflag:s14] =	ssyncadd.s32 $0xFFFFF3C0  }
0x1a: {  	[tilespmem:s16], [sflag:$0x1] =	stream.linear.gather [hbm4b:s6+s2], $0xC40, $0x38;
	[tilespmem:$0x1B200] =	vst v63  }
0x1b: {  	_ =	swait.ge [sflag:s14], $0xC40  }
0x1c: {  	[sflag:s14] =	ssyncset.done $0x0  }
0x1d: {  	[sflag:s14] =	ssyncadd.s32 $0xFFFFF3C0  }
0x1e: {  	[tilespmem:s17], [sflag:$0x1] =	stream.linear.gather [hbm4b:s7+s2], $0xC40, $0x38;
	[tilespmem:$0x1B200] =	vst v63  }
0x1f: {  	_ =	swait.ge [sflag:s14], $0xC40  }
0x20: {  	[sflag:s14] =	ssyncset.done $0x0  }
0x21: {  	[sflag:s14] =	ssyncadd.s32 $0xFFFFF3C0  }
0x22: {  	[tilespmem:s18], [sflag:$0x1] =	stream.linear.gather [hbm4b:s8+s2], $0x4000, $0x38;
	[tilespmem:$0x1B200] =	vst v63  }
0x23: {  	_ =	swait.ge [sflag:s14], $0x4000  }
0x24: {  	[sflag:s14] =	ssyncset.done $0x0  }
0x25: {  	[sflag:s14] =	ssyncadd.s32 $0xFFFFC000  }
0x26: {  	[tilespmem:s19], [sflag:$0x1] =	stream.linear.gather [hbm4b:s9+s2], $0x4000, $0x38;
	[tilespmem:$0x1B200] =	vst v63  }
0x27: {  	_ =	swait.ge [sflag:s14], $0x4000  }
0x28: {  	[sflag:s14] =	ssyncset.done $0x0  }
0x29: {  	[sflag:s14] =	ssyncadd.s32 $0xFFFFC000  }
0x2a: {  	[tilespmem:s20], [sflag:$0x1] =	stream.linear.gather [hbm4b:s10+s2], $0x4000, $0x38;
	[tilespmem:$0x1B200] =	vst v63  }
0x2b: {  	_ =	swait.ge [sflag:s14], $0x4000  }
0x2c: {  	[sflag:s14] =	ssyncset.done $0x0  }
0x2d: {  	[sflag:s14] =	ssyncadd.s32 $0xFFFFC000  }
0x2e: {  	[tilespmem:s21], [sflag:$0x1] =	stream.linear.gather [hbm4b:s11+s2], $0x4000, $0x38;
	[tilespmem:$0x1B200] =	vst v63  }
0x2f: {  	_ =	swait.ge [sflag:s14], $0x4000  }
0x30: {  	[sflag:s14] =	ssyncset.done $0x0  }
0x31: {  	[sflag:s14] =	ssyncadd.s32 $0xFFFFC000  }
0x32: {  	[tilespmem:s22], [sflag:$0x1] =	stream.linear.gather [hbm4b:s3+s2], $0x8000, $0x38;
	[tilespmem:$0x1B200] =	vst v63  }
0x33: {  	_ =	swait.ge [sflag:s14], $0x8000  }
0x34: {  	[sflag:s14] =	ssyncset.done $0x0  }
0x35: {  	s24 =	simm.s32 $0x0;
	[sflag:s14] =	ssyncadd.s32 $0xFFFF8000  }
.LBB2_2:
0x36: {  	s0 =	sshll.u32 s24, $0x6  }
0x37: {  	v7 =	vld [tilespmem:s0+$0x0]  }
0x38: {  	v1 =	vld [tilespmem:s0+$0xC80]  }
0x39: {  	v11 =	vld [tilespmem:s0+$0x1900]  }
0x3a: {  	v13 =	vld [tilespmem:s0+$0x2580]  }
0x3b: {  	v14 =	vld [tilespmem:s0+$0x10]  }
0x3c: {  	v2 =	vld [tilespmem:s0+$0xC90]  }
0x3d: {  	v15 =	vld [tilespmem:s0+$0x1910]  }
0x3e: {  	v16 =	vld [tilespmem:s0+$0x2590]  }
0x3f: {  	v17 =	vld [tilespmem:s0+$0x20]  }
0x40: {  	v3 =	vld [tilespmem:s0+$0xCA0]  }
0x41: {  	v18 =	vld [tilespmem:s0+$0x1920]  }
0x42: {  	v20 =	vld [tilespmem:s0+$0x25A0]  }
0x43: {  	v21 =	vld [tilespmem:s0+$0x30]  }
0x44: {  	s1 =	simm.s32 $0x80;
	v4 =	vld [tilespmem:s0+$0xCB0]  }
0x45: {  	s25 =	simm.s32 $0x0;
	s15 =	simm.s32 $0xF210;
	v22 =	vld [tilespmem:s0+$0x1930];
	v5 =	vadd.s32 s1, v7  }
0x46: {  	v24 =	vld [tilespmem:s15+$0x0];
	v9 =	vadd.s32 s25, v1  }
0x47: {  	v28 =	vld [tilespmem:s15+$0xFFFFFFF0];
	s15 =	simm.s32 $0x0;
	v6 =	vadd.s32 s25, v7  }
0x48: {  	v23 =	vld [tilespmem:s0+$0x25B0];
	s29 =	sand.u32 $0x7E0, s15;
	v8 =	vadd.s32 s25, v17  }
0x49: {  	v32 =	vld [tilespmem:s29+$0xFA00];
	v12 =	vadd.s32 s25, v4  }
0x4a: {  	v10 =	vadd.s32 s25, v2;
	v29 =	vld.idx.msk [tilespmem:v5+s18+$0x0], $0xffff  }
0x4b: {  	v30 =	vadd.s32 s1, v14;
	v25 =	vld.idx.msk [tilespmem:v9+s19+$0x0], $0xffff  }
0x4c: {  	v31 =	vadd.s32 s25, v14;
	v6 =	vld.idx.msk [tilespmem:v6+s18+$0x0], $0xffff  }
0x4d: {  	v34 =	vadd.s32 s25, v21;
	v27 =	vld.idx.msk [tilespmem:v8+s18+$0x0], $0xffff  }
0x4e: {  	v5 =	vadd.s32 s25, v3;
	v33 =	vld.idx.msk [tilespmem:v12+s19+$0x0], $0xffff  }
0x4f: {  	v8 =	vadd.s32 s1, v2;
	v35 =	vld.idx.msk [tilespmem:v10+s19+$0x0], $0xffff  }
0x50: {  	v19 =	vadd.s32 s1, v1;
	v38 =	vld.idx.msk [tilespmem:v30+s18+$0x0], $0xffff  }
0x51: {  	v42 =	vld.idx.msk [tilespmem:v31+s18+$0x0], $0xffff  }
0x52: {  	v34 =	vld.idx.msk [tilespmem:v34+s18+$0x0], $0xffff  }
0x53: {  	v12 =	vmul.f32 v28, v11;
	v5 =	vld.idx.msk [tilespmem:v5+s19+$0x0], $0xffff;
	v6 =	vadd.f32 v25, v6  }
0x54: {  	s26 =	simm.s32 $0x10;
	v41 =	vadd.s32 s1, v17;
	v37 =	vmul.f32 v24, v18;
	v49 =	vmul.f32 v28, v15;
	v36 =	vld.idx.msk [tilespmem:v8+s19+$0x0], $0xffff  }
0x55: {  	s28 =	sand.u32 $0x7F0, s26;
	v51 =	vmul.f32 v24, v15;
	v44 =	vld.idx.msk [tilespmem:v19+s19+$0x0], $0xffff;
	v25 =	vadd.f32 v6, v12;
	v6 =	vadd.s32 s1, v3  }
0x56: {  	v26 =	vld [tilespmem:s28+$0xFA00];
	v45 =	vadd.s32 s1, v21;
	v47 =	vmul.f32 v32, v20;
	v30 =	vmul.f32 v32, v13  }
0x57: {  	v40 =	vld [tilespmem:$0x12200];
	v39 =	vmul.f32 v32, v16;
	v31 =	vmul.f32 v28, v18;
	v52 =	vadd.f32 v35, v42  }
0x58: {  	v28 =	vmul.f32 v28, v22;
	v43 =	vadd.f32 v25, v30;
	v25 =	vld [tilespmem:s29+$0x10200];
	v27 =	vadd.f32 v5, v27  }
0x59: {  	v63 =	vadd.f32 v33, v34;
	v5 =	vadd.s32 s1, v4;
	v50 =	vadd.f32 v36, v38;
	v38 =	vld.idx.msk [tilespmem:v41+s18+$0x0], $0xffff  }
0x5a: {  	v34 =	vmul.f32 v32, v23;
	v44 =	vadd.f32 v44, v29;
	v48 =	vadd.f32 v27, v31;
	v31 =	vld.idx.msk [tilespmem:v6+s19+$0x0], $0xffff  }
0x5b: {  	v33 =	vmul.f32 v26, v20;
	v32 =	vld.idx.msk [tilespmem:v45+s18+$0x0], $0xffff;
	v12 =	vmul.f32 v26, v23;
	v45 =	vadd.f32 v52, v49  }
0x5c: {  	v30 =	vmul.f32 v26, v13;
	v36 =	vadd.f32 v63, v28;
	v43 =	vmax.f32 v43, $0.0e+00  }
0x5d: {  	s30 =	simm.s32 $0x0;
	v29 =	vmovc v40;
	v27 =	vmul.f32 v24, v22;
	v42 =	vadd.f32 v50, v51;
	v46 =	vmul.f32 v43, v25  }
0x5e: {  	s31 =	simm.s32 $0xF230;
	s0 =	simm.s32 $0x10;
	s1 =	simm.s32 $0x180;
	v28 =	vmovc v40;
	v41 =	vadd.f32 v48, v47;
	v43 =	vmul.f32 v26, v16;
	v26 =	vmov v40;
	v35 =	vld.idx.msk [tilespmem:v5+s19+$0x0], $0xffff  }
.LBB2_3:
0x5f: {  	s15 =	sadd.s32 $0xFFFFFF80, s1;
	v47 =	vadd.s32 s1, v7;
	s30 =	sadd.s32 $0x2, s30;
	v40 =	vadd.f32 v46, v40;
	v31 =	vadd.f32 v31, v38;
	s0 =	sadd.s32 $0x20, s0  }
0x60: {  	v38 =	vadd.s32 s15, v7;
	v46 =	vadd.s32 s15, v1;
	p0 =	slt.u32 s30, $0x7E;
	v39 =	vadd.f32 v45, v39;
	v45 =	vld [tilespmem:s28+$0x10200];
	s28 =	sand.u32 $0x7F0, s0  }
0x61: {  	v48 =	vadd.s32 s15, v2;
	v49 =	vadd.s32 s15, v17;
	v50 =	vld [tilespmem:s28+$0xFA00];
	v31 =	vadd.f32 v31, v37  }
0x62: {  	v52 =	vmul.f32 v24, v11;
	v51 =	vadd.s32 s15, v4;
	v37 =	vadd.s32 s15, v21;
	v24 =	vld [tilespmem:s31+$0x0]  }
0x63: {  	v54 =	vadd.s32 s1, v17;
	v55 =	vadd.s32 s1, v3;
	v34 =	vadd.f32 v36, v34;
	v53 =	vld [tilespmem:s31+$0xFFFFFFF0]  }
0x64: {  	v36 =	vadd.s32 s15, v14;
	v56 =	vadd.s32 s15, v3;
	v39 =	vmax.f32 v39, $0.0e+00;
	v47 =	vld.idx.msk [tilespmem:v47+s18+$0x0], $0xffff  }
0x65: {  	v41 =	vmax.f32 v41, $0.0e+00;
	v34 =	vmax.f32 v34, $0.0e+00;
	v44 =	vadd.f32 v44, v52;
	v46 =	vld.idx.msk [tilespmem:v46+s19+$0x0], $0xffff  }
0x66: {  	v57 =	vadd.s32 s1, v2;
	v52 =	vadd.s32 s1, v14;
	v32 =	vadd.f32 v35, v32;
	v49 =	vld.idx.msk [tilespmem:v49+s18+$0x0], $0xffff  }
0x67: {  	v34 =	vmul.f32 v34, v25;
	v35 =	vld.idx.msk [tilespmem:v38+s18+$0x0], $0xffff;
	v38 =	vmul.f32 v39, v25;
	v39 =	vadd.f32 v42, v43  }
0x68: {  	s15 =	sadd.s32 $0xFFFFFFF0, s0;
	v33 =	vadd.f32 v31, v33;
	v27 =	vadd.f32 v32, v27;
	v25 =	vmul.f32 v41, v25;
	v42 =	vld.idx.msk [tilespmem:v51+s19+$0x0], $0xffff  }
0x69: {  	s15 =	sand.u32 $0x7E0, s15;
	v30 =	vadd.f32 v44, v30;
	v26 =	vadd.f32 v34, v26;
	v31 =	vld.idx.msk [tilespmem:v55+s19+$0x0], $0xffff;
	v32 =	vmax.f32 v39, $0.0e+00  }
0x6a: {  	v33 =	vmax.f32 v33, $0.0e+00;
	v12 =	vadd.f32 v27, v12;
	v29 =	vadd.f32 v38, v29;
	v34 =	vld [tilespmem:s15+$0xFA00]  }
0x6b: {  	v25 =	vadd.f32 v25, v28;
	v28 =	vmax.f32 v30, $0.0e+00;
	v30 =	vmul.f32 v32, v45;
	v27 =	vld.idx.msk [tilespmem:v56+s19+$0x0], $0xffff  }
0x6c: {  	v38 =	vadd.s32 s1, v1;
	v39 =	vmul.f32 v28, v45;
	v28 =	vmax.f32 v12, $0.0e+00;
	v32 =	vld.idx.msk [tilespmem:v48+s19+$0x0], $0xffff  }
0x6d: {  	v33 =	vmul.f32 v33, v45;
	v41 =	vmul.f32 v53, v11;
	v35 =	vadd.f32 v46, v35;
	v43 =	vld.idx.msk [tilespmem:v57+s19+$0x0], $0xffff  }
0x6e: {  	v12 =	vmul.f32 v50, v23;
	v29 =	vadd.f32 v30, v29;
	v30 =	vmul.f32 v28, v45;
	v44 =	vld.idx.msk [tilespmem:v52+s18+$0x0], $0xffff  }
0x6f: {  	v28 =	vadd.f32 v33, v25;
	v35 =	vadd.f32 v35, v41;
	v41 =	vmul.f32 v34, v13;
	v36 =	vld.idx.msk [tilespmem:v36+s18+$0x0], $0xffff  }
0x70: {  	v33 =	vmul.f32 v53, v18;
	v40 =	vadd.f32 v39, v40;
	v26 =	vadd.f32 v30, v26;
	v45 =	vld.idx.msk [tilespmem:v37+s18+$0x0], $0xffff  }
0x71: {  	v30 =	vmul.f32 v50, v13;
	v27 =	vadd.f32 v27, v49;
	v35 =	vadd.f32 v35, v41;
	v41 =	vld.idx.msk [tilespmem:v38+s19+$0x0], $0xffff  }
0x72: {  	v46 =	vadd.s32 s1, v21;
	v48 =	vmul.f32 v34, v20;
	v49 =	vadd.s32 s1, v4;
	v38 =	vld.idx.msk [tilespmem:v54+s18+$0x0], $0xffff  }
0x73: {  	v39 =	vmul.f32 v34, v16;
	v37 =	vmul.f32 v24, v18;
	v51 =	vadd.f32 v27, v33;
	v25 =	vld [tilespmem:s15+$0x10200]  }
0x74: {  	v52 =	vmul.f32 v53, v15;
	v27 =	vmul.f32 v24, v22  }
.Ltmp0:
0x75: {  	v54 =	vmul.f32 v24, v15;
	v35 =	vmax.f32 v35, $0.0e+00;
	v43 =	vadd.f32 v43, v44;
	(pc) =	sbr.rel @p0 .LBB2_3-.Ltmp0, $4  }
0x76: {  	v55 =	vadd.f32 v32, v36;
	v36 =	vadd.f32 v42, v45;
	v42 =	vmul.f32 v53, v22  }
0x77: {  	v34 =	vmul.f32 v34, v23;
	v33 =	vmul.f32 v50, v20;
	v44 =	vadd.f32 v41, v47;
	v32 =	vld.idx.msk [tilespmem:v46+s18+$0x0], $0xffff  }
0x78: {  	v36 =	vadd.f32 v36, v42;
	v42 =	vadd.f32 v43, v54;
	v46 =	vmul.f32 v35, v25;
	v35 =	vld.idx.msk [tilespmem:v49+s19+$0x0], $0xffff  }
0x79: {  	s31 =	sadd.s32 $0x20, s31;
	s1 =	sadd.s32 $0x100, s1;
	v45 =	vadd.f32 v55, v52;
	v41 =	vadd.f32 v51, v48;
	v43 =	vmul.f32 v50, v16  }
0x7a: {  	v7 =	vmul.f32 v24, v11;
	_ =	sdelay $0x1  }
0x7b: {  	v11 =	vld [tilespmem:s28+$0x10200];
	v7 =	vadd.f32 v44, v7;
	_ =	sdelay $0x1  }
0x7c: {  	v7 =	vadd.f32 v7, v30;
	_ =	sdelay $0x1  }
0x7d: {  	v14 =	vld [tilespmem:s29+$0x11200];
	v7 =	vmax.f32 v7, $0.0e+00  }
0x7e: {  	v13 =	vadd.f32 v46, v40;
	v7 =	vmul.f32 v7, v11  }
0x7f: {  	v15 =	vld.idx.msk [tilespmem:v9+s20+$0x0], $0xffff  }
0x80: {  	s0 =	sand.u32 $0x7F0, s26;
	v7 =	vadd.f32 v7, v13  }
0x81: {  	v13 =	vld [tilespmem:s0+$0x11200]  }
0x82: {  	v16 =	vadd.f32 v45, v39;
	v17 =	vmul.f32 v14, v7  }
0x83: {  	v18 =	vld.idx.msk [tilespmem:v19+s20+$0x0], $0xffff  }
0x84: {  	v20 =	vadd.f32 v42, v43;
	v16 =	vmax.f32 v16, $0.0e+00;
	v15 =	vadd.f32 v17, v15  }
0x85: {  	v16 =	vmul.f32 v16, v25  }
0x86: {  	v17 =	vmax.f32 v20, $0.0e+00;
	v20 =	vmul.f32 v13, v7;
	v15 =	vmax.f32 v15, $0.0e+00  }
0x87: {  	v16 =	vadd.f32 v16, v29;
	v17 =	vmul.f32 v17, v11;
	[tilespmem:v9+s22+$0x0] =	vst.idx.add.f32.msk $0xffff, v15  }
0x88: {  	v18 =	vadd.f32 v20, v18;
	v15 =	vld.idx.msk [tilespmem:v10+s20+$0x0], $0xffff  }
0x89: {  	s26 =	simm.s32 $0x100;
	v20 =	vadd.f32 v31, v38;
	v9 =	vadd.f32 v17, v16  }
0x8a: {  	v17 =	vadd.s32 s26, v1;
	v16 =	vmax.f32 v18, $0.0e+00  }
0x8b: {  	s29 =	simm.s32 $0x20;
	v18 =	vadd.f32 v20, v37;
	[tilespmem:v19+s22+$0x0] =	vst.idx.add.f32.msk $0xffff, v16;
	v16 =	vmul.f32 v14, v9  }
0x8c: {  	s1 =	simm.s32 $0x30;
	v21 =	vadd.s32 s25, v3;
	s15 =	sand.u32 $0x7E0, s29;
	v19 =	vmax.f32 v41, $0.0e+00;
	v20 =	vld.idx.msk [tilespmem:v8+s20+$0x0], $0xffff  }
0x8d: {  	s1 =	sand.u32 $0x7F0, s1;
	s0 =	simm.s32 $0x180;
	v19 =	vmul.f32 v19, v25;
	v18 =	vadd.f32 v18, v33;
	v15 =	vadd.f32 v15, v16;
	v16 =	vld [tilespmem:s15+$0x11200]  }
0x8e: {  	v23 =	vld [tilespmem:s1+$0x11200];
	v22 =	vadd.s32 s0, v1  }
0x8f: {  	v24 =	vld.idx.msk [tilespmem:v17+s20+$0x0], $0xffff;
	v18 =	vmax.f32 v18, $0.0e+00;
	v19 =	vadd.f32 v19, v28;
	v15 =	vmax.f32 v15, $0.0e+00  }
0x90: {  	v28 =	vmul.f32 v13, v9;
	v18 =	vmul.f32 v18, v11;
	[tilespmem:v10+s22+$0x0] =	vst.idx.add.f32.msk $0xffff, v15  }
0x91: {  	v15 =	vadd.f32 v35, v32;
	v29 =	vld.idx.msk [tilespmem:v21+s20+$0x0], $0xffff  }
0x92: {  	v10 =	vadd.f32 v18, v19;
	v18 =	vadd.f32 v20, v28;
	v19 =	vmul.f32 v16, v7  }
0x93: {  	v20 =	vadd.f32 v36, v34;
	v28 =	vadd.s32 s26, v2;
	v15 =	vadd.f32 v15, v27;
	v27 =	vld.idx.msk [tilespmem:v22+s20+$0x0], $0xffff  }
0x94: {  	v18 =	vmax.f32 v18, $0.0e+00;
	v19 =	vadd.f32 v19, v24;
	v24 =	vmul.f32 v14, v10  }
0x95: {  	v20 =	vmax.f32 v20, $0.0e+00;
	[tilespmem:v8+s22+$0x0] =	vst.idx.add.f32.msk $0xffff, v18;
	v12 =	vadd.f32 v15, v12;
	v15 =	vadd.s32 s25, v4  }
0x96: {  	v8 =	vmul.f32 v23, v7;
	v18 =	vld.idx.msk [tilespmem:v6+s20+$0x0], $0xffff;
	v19 =	vmax.f32 v19, $0.0e+00;
	v24 =	vadd.f32 v29, v24  }
0x97: {  	v20 =	vmul.f32 v20, v25;
	v25 =	vadd.s32 s0, v2;
	[tilespmem:v17+s22+$0x0] =	vst.idx.add.f32.msk $0xffff, v19  }
0x98: {  	v12 =	vmax.f32 v12, $0.0e+00;
	v8 =	vadd.f32 v8, v27;
	v17 =	vld.idx.msk [tilespmem:v28+s20+$0x0], $0xffff;
	v19 =	vmax.f32 v24, $0.0e+00  }
0x99: {  	s1 =	simm.s32 $0x200;
	v20 =	vadd.f32 v20, v26;
	v11 =	vmul.f32 v12, v11;
	[tilespmem:v21+s22+$0x0] =	vst.idx.add.f32.msk $0xffff, v19  }
0x9a: {  	v12 =	vmax.f32 v8, $0.0e+00;
	v21 =	vadd.s32 s1, v1;
	v19 =	vld.idx.msk [tilespmem:v15+s20+$0x0], $0xffff  }
0x9b: {  	s30 =	simm.s32 $0x40;
	v8 =	vadd.f32 v11, v20;
	v11 =	vmul.f32 v16, v9;
	[tilespmem:v22+s22+$0x0] =	vst.idx.add.f32.msk $0xffff, v12  }
0x9c: {  	s31 =	simm.s32 $0x50;
	s15 =	sand.u32 $0x7E0, s30;
	v20 =	vadd.s32 s26, v3;
	v12 =	vld.idx.msk [tilespmem:v25+s20+$0x0], $0xffff  }
0x9d: {  	s28 =	simm.s32 $0x280;
	s25 =	sand.u32 $0x7F0, s31;
	v14 =	vmul.f32 v14, v8;
	v17 =	vadd.f32 v17, v11;
	v11 =	vld [tilespmem:s15+$0x11200]  }
0x9e: {  	v24 =	vld [tilespmem:s25+$0x11200];
	v22 =	vadd.s32 s28, v1  }
0x9f: {  	v26 =	vmul.f32 v23, v9;
	v27 =	vld.idx.msk [tilespmem:v21+s20+$0x0], $0xffff;
	v17 =	vmax.f32 v17, $0.0e+00;
	v14 =	vadd.f32 v19, v14  }
0xa0: {  	[tilespmem:v28+s22+$0x0] =	vst.idx.add.f32.msk $0xffff, v17  }
0xa1: {  	v17 =	vmul.f32 v13, v10;
	v12 =	vadd.f32 v12, v26;
	v19 =	vld.idx.msk [tilespmem:v20+s20+$0x0], $0xffff;
	v14 =	vmax.f32 v14, $0.0e+00  }
0xa2: {  	v26 =	vadd.s32 s26, v4;
	[tilespmem:v15+s22+$0x0] =	vst.idx.add.f32.msk $0xffff, v14;
	v14 =	vmul.f32 v11, v7  }
0xa3: {  	s26 =	simm.s32 $0x70;
	v15 =	vadd.f32 v18, v17;
	v17 =	vld.idx.msk [tilespmem:v22+s20+$0x0], $0xffff;
	v12 =	vmax.f32 v12, $0.0e+00;
	v18 =	vadd.s32 s1, v2  }
0xa4: {  	s29 =	sand.u32 $0x7F0, s26;
	[tilespmem:v25+s22+$0x0] =	vst.idx.add.f32.msk $0xffff, v12;
	v12 =	vadd.f32 v14, v27;
	v14 =	vmul.f32 v16, v10  }
0xa5: {  	v31 =	vld [tilespmem:s29+$0x11200];
	v15 =	vmax.f32 v15, $0.0e+00  }
0xa6: {  	v27 =	vmul.f32 v24, v7;
	[tilespmem:v6+s22+$0x0] =	vst.idx.add.f32.msk $0xffff, v15;
	v6 =	vmax.f32 v12, $0.0e+00;
	v12 =	vadd.f32 v19, v14  }
0xa7: {  	v15 =	vadd.s32 s28, v2;
	[tilespmem:v21+s22+$0x0] =	vst.idx.add.f32.msk $0xffff, v6  }
0xa8: {  	v6 =	vadd.f32 v27, v17;
	v14 =	vld.idx.msk [tilespmem:v18+s20+$0x0], $0xffff;
	v12 =	vmax.f32 v12, $0.0e+00  }
0xa9: {  	v30 =	vadd.s32 s0, v3;
	s25 =	simm.s32 $0x300;
	[tilespmem:v20+s22+$0x0] =	vst.idx.add.f32.msk $0xffff, v12  }
0xaa: {  	v27 =	vadd.s32 s25, v1;
	v6 =	vmax.f32 v6, $0.0e+00;
	v12 =	vld.idx.msk [tilespmem:v26+s20+$0x0], $0xffff  }
0xab: {  	s30 =	simm.s32 $0x60;
	[tilespmem:v22+s22+$0x0] =	vst.idx.add.f32.msk $0xffff, v6  }
0xac: {  	s15 =	sand.u32 $0x7E0, s30;
	v17 =	vmul.f32 v11, v9;
	v19 =	vld.idx.msk [tilespmem:v15+s20+$0x0], $0xffff  }
0xad: {  	v59 =	vadd.s32 s1, v3;
	v6 =	vld [tilespmem:s15+$0x11200]  }
0xae: {  	s31 =	simm.s32 $0x380;
	v25 =	vld.idx.msk [tilespmem:v30+s20+$0x0], $0xffff;
	v16 =	vmul.f32 v16, v8;
	v14 =	vadd.f32 v14, v17  }
0xaf: {  	v21 =	vmul.f32 v24, v9;
	v22 =	vld.idx.msk [tilespmem:v27+s20+$0x0], $0xffff;
	v17 =	vadd.s32 s31, v1  }
0xb0: {  	v20 =	vld.idx.msk [tilespmem:v5+s20+$0x0], $0xffff;
	v28 =	vmax.f32 v14, $0.0e+00;
	v12 =	vadd.f32 v12, v16  }
0xb1: {  	v14 =	vadd.s32 s28, v3;
	v16 =	vmul.f32 v23, v10;
	[tilespmem:v18+s22+$0x0] =	vst.idx.add.f32.msk $0xffff, v28;
	v18 =	vadd.f32 v19, v21  }
0xb2: {  	v19 =	vmul.f32 v23, v8;
	v23 =	vmul.f32 v6, v7;
	v28 =	vld.idx.msk [tilespmem:v59+s20+$0x0], $0xffff;
	v12 =	vmax.f32 v12, $0.0e+00  }
0xb3: {  	v60 =	vmul.f32 v13, v8;
	[tilespmem:v26+s22+$0x0] =	vst.idx.add.f32.msk $0xffff, v12  }
0xb4: {  	v13 =	vadd.s32 s0, v4;
	v61 =	vld.idx.msk [tilespmem:v17+s20+$0x0], $0xffff;
	v18 =	vmax.f32 v18, $0.0e+00;
	v23 =	vadd.f32 v23, v22  }
0xb5: {  	v62 =	vmul.f32 v31, v7;
	v16 =	vadd.f32 v25, v16;
	v25 =	vadd.s32 s25, v2;
	[tilespmem:v15+s22+$0x0] =	vst.idx.add.f32.msk $0xffff, v18  }
0xb6: {  	v20 =	vadd.f32 v20, v60;
	v26 =	vmul.f32 v11, v10;
	v29 =	vld.idx.msk [tilespmem:v14+s20+$0x0], $0xffff;
	v23 =	vmax.f32 v23, $0.0e+00  }
0xb7: {  	v21 =	vmul.f32 v24, v10;
	v15 =	vmax.f32 v16, $0.0e+00;
	[tilespmem:v27+s22+$0x0] =	vst.idx.add.f32.msk $0xffff, v23;
	v23 =	vadd.s32 s1, v4  }
0xb8: {  	v20 =	vmax.f32 v20, $0.0e+00;
	v16 =	vmul.f32 v24, v8;
	[tilespmem:v30+s22+$0x0] =	vst.idx.add.f32.msk $0xffff, v15;
	v24 =	vadd.f32 v28, v26  }
0xb9: {  	v22 =	vadd.s32 s31, v2;
	v27 =	vmul.f32 v31, v10;
	v28 =	vld.idx.msk [tilespmem:v13+s20+$0x0], $0xffff;
	v26 =	vmul.f32 v31, v9  }
0xba: {  	v30 =	vld.idx.msk [tilespmem:v25+s20+$0x0], $0xffff;
	v63 =	vmax.f32 v24, $0.0e+00;
	v24 =	vmul.f32 v31, v8;
	v31 =	vadd.f32 v62, v61  }
0xbb: {  	s0 =	simm.s32 $0x6;
	v12 =	vadd.s32 s28, v4;
	v18 =	vadd.s32 s31, v3;
	v15 =	vadd.s32 s31, v4;
	s1 =	simm.s32 $0x480;
	[tilespmem:v59+s22+$0x0] =	vst.idx.add.f32.msk $0xffff, v63  }
.LBB2_5:
0xbc: {  	s28 =	sadd.s32 $0xFFFFFF80, s1;
	v32 =	vadd.s32 s1, v1;
	v33 =	vadd.s32 s1, v2;
	s0 =	sadd.s32 $0x2, s0;
	v31 =	vmax.f32 v31, $0.0e+00;
	v34 =	vld.idx.msk [tilespmem:v23+s20+$0x0], $0xffff  }
0xbd: {  	v36 =	vadd.s32 s1, v3;
	v29 =	vadd.f32 v29, v21;
	v35 =	vadd.s32 s28, v1;
	p0 =	slt.u32 s0, $0x7E;
	[tilespmem:v17+s22+$0x0] =	vst.idx.add.f32.msk $0xffff, v31;
	v17 =	vmovc v32  }
0xbe: {  	s26 =	sadd.s32 $0x20, s26;
	v21 =	vmovc v27;
	v31 =	vadd.s32 s1, v4;
	v32 =	vmul.f32 v6, v9;
	v39 =	vadd.f32 v28, v19;
	v37 =	vld.idx.msk [tilespmem:v22+s20+$0x0], $0xffff  }
0xbf: {  	v38 =	vadd.s32 s25, v3;
	s15 =	sadd.s32 $0xFFFFFFF0, s26;
	s29 =	sand.u32 $0x7F0, s26;
	v28 =	vmax.f32 v29, $0.0e+00;
	[tilespmem:v5+s22+$0x0] =	vst.idx.add.f32.msk $0xffff, v20;
	v5 =	vmovc v13;
	v13 =	vmovc v12;
	v12 =	vmov v15  }
0xc0: {  	s15 =	sand.u32 $0x7E0, s15;
	v27 =	vadd.f32 v30, v32;
	v30 =	vmul.f32 v11, v8;
	v20 =	vmax.f32 v39, $0.0e+00;
	v15 =	vmovc v31;
	v11 =	vmovc v6;
	v29 =	vld [tilespmem:s29+$0x11200]  }
0xc1: {  	v19 =	vmov v16;
	v16 =	vmov v24;
	v6 =	vld [tilespmem:s15+$0x11200]  }
0xc2: {  	v24 =	vmax.f32 v27, $0.0e+00;
	v27 =	vadd.f32 v34, v30;
	v31 =	vld.idx.msk [tilespmem:v35+s20+$0x0], $0xffff  }
0xc3: {  	[tilespmem:v25+s22+$0x0] =	vst.idx.add.f32.msk $0xffff, v24  }
0xc4: {  	v24 =	vadd.f32 v37, v26;
	v25 =	vmax.f32 v27, $0.0e+00;
	v30 =	vld.idx.msk [tilespmem:v38+s20+$0x0], $0xffff  }
0xc5: {  	v32 =	vmul.f32 v29, v7;
	v26 =	vmul.f32 v29, v9;
	[tilespmem:v23+s22+$0x0] =	vst.idx.add.f32.msk $0xffff, v25  }
0xc6: {  	v27 =	vmul.f32 v29, v10;
	v37 =	vmax.f32 v24, $0.0e+00;
	v23 =	vmul.f32 v6, v7;
	v34 =	vld.idx.msk [tilespmem:v17+s20+$0x0], $0xffff  }
0xc7: {  	v25 =	vadd.s32 s28, v2;
	v24 =	vmul.f32 v29, v8;
	[tilespmem:v22+s22+$0x0] =	vst.idx.add.f32.msk $0xffff, v37;
	v22 =	vmov v33  }
0xc8: {  	v33 =	vmul.f32 v11, v10;
	v31 =	vadd.f32 v23, v31;
	v29 =	vld.idx.msk [tilespmem:v18+s20+$0x0], $0xffff  }
.Ltmp1:
0xc9: {  	v23 =	vadd.s32 s25, v4;
	s25 =	smov.u32 s28;
	[tilespmem:v14+s22+$0x0] =	vst.idx.add.f32.msk $0xffff, v28;
	v14 =	vmov v18;
	v18 =	vmov v36;
	(pc) =	sbr.rel @p0 .LBB2_5-.Ltmp1, $4  }
0xca: {  	v33 =	vadd.f32 v30, v33;
	v31 =	vmax.f32 v31, $0.0e+00;
	v28 =	vld.idx.msk [tilespmem:v13+s20+$0x0], $0xffff  }
0xcb: {  	[tilespmem:v35+s22+$0x0] =	vst.idx.add.f32.msk $0xffff, v31  }
0xcc: {  	v31 =	vadd.f32 v32, v34;
	v32 =	vmax.f32 v33, $0.0e+00;
	v30 =	vld.idx.msk [tilespmem:v25+s20+$0x0], $0xffff  }
0xcd: {  	s1 =	sadd.s32 $0x100, s1;
	[tilespmem:v38+s22+$0x0] =	vst.idx.add.f32.msk $0xffff, v32  }
0xce: {  	_ =	sdelay $0x2  }
0xcf: {  	v7 =	vmax.f32 v31, $0.0e+00  }
0xd0: {  	[tilespmem:v17+s22+$0x0] =	vst.idx.add.f32.msk $0xffff, v7  }
0xd1: {  	v44 =	vld.idx.msk [tilespmem:v22+s20+$0x0], $0xffff  }
0xd2: {  	v43 =	vmul.f32 v6, v9  }
0xd3: {  	v45 =	vadd.s32 s25, v3  }
0xd4: {  	v7 =	vadd.f32 v30, v43;
	_ =	sdelay $0x1  }
0xd5: {  	v7 =	vmax.f32 v7, $0.0e+00;
	v46 =	vadd.f32 v44, v26  }
0xd6: {  	[tilespmem:v25+s22+$0x0] =	vst.idx.add.f32.msk $0xffff, v7  }
0xd7: {  	v47 =	vld.idx.msk [tilespmem:v45+s20+$0x0], $0xffff;
	v7 =	vmax.f32 v46, $0.0e+00  }
0xd8: {  	[tilespmem:v22+s22+$0x0] =	vst.idx.add.f32.msk $0xffff, v7  }
0xd9: {  	v49 =	vld.idx.msk [tilespmem:v18+s20+$0x0], $0xffff  }
0xda: {  	v48 =	vmul.f32 v6, v10;
	v21 =	vadd.f32 v29, v21  }
0xdb: {  	v50 =	vadd.s32 s25, v4  }
0xdc: {  	v51 =	vld.idx.msk [tilespmem:v23+s20+$0x0], $0xffff;
	v21 =	vmax.f32 v21, $0.0e+00;
	v7 =	vadd.f32 v47, v48  }
0xdd: {  	[tilespmem:v14+s22+$0x0] =	vst.idx.add.f32.msk $0xffff, v21  }
0xde: {  	v14 =	vld.idx.msk [tilespmem:v12+s20+$0x0], $0xffff;
	v7 =	vmax.f32 v7, $0.0e+00;
	v52 =	vadd.f32 v49, v27  }
0xdf: {  	[tilespmem:v45+s22+$0x0] =	vst.idx.add.f32.msk $0xffff, v7  }
0xe0: {  	v53 =	vld.idx.msk [tilespmem:v50+s20+$0x0], $0xffff;
	v7 =	vmax.f32 v52, $0.0e+00  }
0xe1: {  	v11 =	vmul.f32 v11, v8;
	[tilespmem:v18+s22+$0x0] =	vst.idx.add.f32.msk $0xffff, v7  }
0xe2: {  	v56 =	vld.idx.msk [tilespmem:v15+s20+$0x0], $0xffff  }
0xe3: {  	v55 =	vmul.f32 v6, v8;
	v9 =	vadd.f32 v51, v11  }
0xe4: {  	v1 =	vshll.u32 v1, $0x7;
	v2 =	vshll.u32 v2, $0x7;
	v58 =	vadd.f32 v14, v16  }
0xe5: {  	[tilespmem:v5+s22+$0x0] =	vst.idx.add.f32.msk $0xffff, v20;
	v3 =	vshll.u32 v3, $0x7;
	v54 =	vadd.f32 v28, v19;
	v57 =	vmax.f32 v9, $0.0e+00  }
0xe6: {  	v1 =	vadd.s32 $0x4000, v1;
	[tilespmem:v23+s22+$0x0] =	vst.idx.add.f32.msk $0xffff, v57;
	v61 =	vmax.f32 v58, $0.0e+00;
	v6 =	vadd.f32 v53, v55  }
0xe7: {  	v2 =	vadd.s32 $0x4000, v2;
	[tilespmem:v12+s22+$0x0] =	vst.idx.add.f32.msk $0xffff, v61;
	v7 =	vmax.f32 v54, $0.0e+00;
	v60 =	vadd.f32 v56, v24  }
0xe8: {  	v62 =	vshll.u32 v4, $0x7;
	s24 =	sadd.s32 $0x1, s24;
	v3 =	vadd.s32 $0x4000, v3;
	[tilespmem:v13+s22+$0x0] =	vst.idx.add.f32.msk $0xffff, v7;
	v59 =	vmax.f32 v6, $0.0e+00  }
0xe9: {  	v4 =	vadd.s32 $0x4000, v62;
	p0 =	sne.s32 s24, $0x31;
	[tilespmem:v50+s22+$0x0] =	vst.idx.add.f32.msk $0xffff, v59;
	v63 =	vmax.f32 v60, $0.0e+00  }
.Ltmp2:
0xea: {  	[tilespmem:v15+s22+$0x0] =	vst.idx.add.f32.msk $0xffff, v63;
	(pc) =	sbr.rel @p0 .LBB2_2-.Ltmp2, $4  }
0xeb: {  	[tilespmem:v1+s22+$0x0] =	vst.idx.add.f32.msk $0xffff, v0  }
0xec: {  	[tilespmem:v2+s22+$0x0] =	vst.idx.add.f32.msk $0xffff, v0  }
0xed: {  	[tilespmem:v3+s22+$0x0] =	vst.idx.add.f32.msk $0xffff, v0  }
0xee: {  	[tilespmem:v4+s22+$0x0] =	vst.idx.add.f32.msk $0xffff, v0  }
0xef: {  	s23 =	sadd.s32 $0x1, s23  }
0xf0: {  	p0 =	sne.s32 s23, s13  }
.Ltmp3:
0xf1: {  	_ = 	snop;
	(pc) =	sbr.rel @p0 .LBB2_1-.Ltmp3, $4  }
0xf2: {  	[hbm4b:s12+s2] =	stream.linear.scatter [tilespmem:s22], [sflag:$0x1], $0x8000, $0x38;
	[tilespmem:$0x1B200] =	vst v63  }
0xf3: {  	_ =	swait.ge [sflag:s14], $0x8000  }
0xf4: {  	[sflag:s14] =	ssyncset.done $0x0  }
0xf5: {  	[sflag:s14] =	ssyncadd.s32 $0xFFFF8000  }
0xf6: {  	_ =	sfence.sel $0x180000  }
0xf7: {  	[bflag:$0x0] =	sbarrier.arrive $0xFFFF  }
0xf8: {  	_ =	strace $0x9000004A  }
0xf9: {  	s0 =	stileid.u32;
	[bflag:$0x2] =	sbarrier.arrive $0xFFFF  }
0xfa: {  	p0 =	sne.s32 s0, $0x0;
	s0 =	rddreg [dreg:$0x1]  }
0xfb: {  	s0 =	sadd.s32 @!p0 $0x100000, s0  }
0xfc: {  	[sflag:s0] =	ssyncadd.tile.s32 @!p0 $0x1;
	_ =	shalt  }
.Lfunc_end2:
_tile_overlayer_lowered:
.L_overlay_start_2:
0xfd: {  	(tag) =	ssettag $0x2  }
0xfe: {  	s0 =	rddreg [dreg:$0x0];
	s2 =	stileid.u32  }
0xff: {  	s1 =	rddreg [dreg:$0x1];
	p0 =	sne.s32 s2, $0x0  }
0x100: {  	s3 =	rddreg [dreg:$0x2];
	[bflag:$0x3] =	sbarrier.arrive $0xFFFF;
	s2 =	simm.s32 @!p0 $0x1C01  }
0x101: {  	[timem:s3], [sflag:s2] =	dma.local @!p0 [hbm:s0], s1  }
0x102: {  	s0 =	simm.s32 @!p0 $0x1  }
0x103: {  	_ =	swait.ge @!p0 [sflag:s0], s1  }
0x104: {  	s1 =	ssub.s32 @!p0 $0x0, s1;
	[sflag:s0] =	ssyncset.done @!p0 $0x0  }
0x105: {  	[sflag:s0] =	ssyncadd.s32 @!p0 s1  }
0x106: {  	[bflag:$0x3] =	sbarrier.arrive $0xFFFF  }
0x107: {  	_ =	shalt  }

// kernel: kernel.7.cloned.1.call-start
scs
__scs_entry_jumppad:
0x0: {  	(pc) =	sbr.rel $0x88, $3  }
0x1: {  	(tag) =	ssettag $0x0;
	lr =	simm.s32 $0x1  }
0x2: {  	[smem:$0x3F68] =	sst lr;
	_ =	strace $0xD0000000  }
0x3: {  	_ = 	snop  }
0x4: {  	_ = 	snop  }
0x5: {  	_ = 	snop  }
0x6: {  	_ = 	snop  }
0x7: {  	_ = 	snop  }
__scs_overlays_trampoline_lowered:
0x8: {  	[smem:$0x3F77] =	sst s0  }
0x9: {  	[smem:$0x3F78] =	sst s1  }
0xa: {  	[smem:$0x3F79] =	sst s2  }
0xb: {  	[smem:$0x3F7A] =	sst s3  }
0xc: {  	[smem:$0x3F7B] =	sst s4  }
0xd: {  	[smem:$0x3F7C] =	sst s5  }
0xe: {  	[smem:$0x3F7D] =	sst s6  }
0xf: {  	[smem:$0x3F7E] =	sst s7  }
0x10: {  	[smem:$0x3F7F] =	sst s8  }
0x11: {  	[smem:$0x3F80] =	sst s9;
	s0 =	simm.s32 @!p0 $0x0  }
0x12: {  	s1 =	sld [smem:$0x3F66];
	s0 =	simm.s32 @p0 $0x1  }
0x13: {  	[smem:$0x3F81] =	sst s0;
	s0 =	simm.s32 @!p1 $0x0  }
0x14: {  	s2 =	sld [smem:$0x3F65];
	s0 =	simm.s32 @p1 $0x1  }
0x15: {  	[smem:$0x3F82] =	sst s0;
	s0 =	simm.s32 @!p2 $0x0  }
0x16: {  	s3 =	sld [smem:$0x3FDB];
	s0 =	simm.s32 @p2 $0x1  }
0x17: {  	s4 =	simm.s32 $0x1BF5;
	[smem:$0x3F84] =	sst s0  }
0x18: {  	s0 =	sld [smem:$0x3F67];
	_ =	swait.ge [sflag:s4], $0x0  }
0x19: {  	s7 =	sld [smem:$0x3F68]  }
0x1a: {  	s8 =	sadd.s32 $0xFFFFE003, lr  }
0x1b: {  	s9 =	sadd.s32 $0xFFFFFEF7, lr;
	s5 =	simm.s32 $0xFFFFFFFF;
	p2 =	slt.u32 s8, $0xFFFFF086  }
0x1c: {  	p1 =	slt.u32 s9, $0xF7A;
	s5 =	simm.s32 @!p2 $0x0  }
0x1d: {  	s5 =	simm.s32 @p1 $0x1;
	p0 =	seq.s32 s7, s2  }
0x1e: {  	s7 =	smul.u32 @!p0 $0xF7A, s2;
	p2 =	seq.s32 @!p0 s5, $0x0  }
0x1f: {  	s9 =	smul.u32 $0xF7A, s1;
	s8 =	simm.s32 @!p0 $0x1BF5;
	p2 =	por !p2, p0  }
0x20: {  	[sflag:s8] =	ssyncset.s32 @!p0 $0xFFFFF086;
	s6 =	sadd.s32 @!p0 s3, s7;
	s7 =	simm.s32 @!p0 $0x108  }
0x21: {  	s3 =	sadd.s32 s3, s9;
	s6 =	sadd.s32 @!p0 $0x88, s6;
	s7 =	simm.s32 @p2 $0x1082  }
0x22: {  	[simem:s7], [sflag:s8] =	dma.local @!p0 [hbm:s6], $0xF7A  }
0x23: {  	s9 =	sor.u32 $0xD0000000, s2;
	s6 =	simm.s32 $0x108;
	_ =	swait.ge @!p0 [sflag:s8], $0x0  }
0x24: {  	s3 =	sadd.s32 $0x88, s3;
	s6 =	simm.s32 @!p1 $0x1082;
	[sflag:s4] =	ssyncset.s32 $0xFFFFF086  }
0x25: {  	[simem:s6], [sflag:s4] =	dma.local [hbm:s3], $0xF7A  }
0x26: {  	[smem:$0x3F68] =	sst s1;
	(tag) =	ssettag s2;
	_ =	strace s9  }
0x27: {  	s1 =	sld [smem:$0x3F78]  }
0x28: {  	s2 =	sld [smem:$0x3F79]  }
0x29: {  	s4 =	sld [smem:$0x3F7B]  }
0x2a: {  	p0 =	seq.s32 s5, $0x0;
	s5 =	sld [smem:$0x3F7C]  }
0x2b: {  	s6 =	sld [smem:$0x3F7D]  }
0x2c: {  	s7 =	sld [smem:$0x3F7E]  }
0x2d: {  	s3 =	simm.s32 $0x108;
	s8 =	sld [smem:$0x3F7F]  }
0x2e: {  	s3 =	simm.s32 @!p0 $0x1082;
	s9 =	sld [smem:$0x3F80]  }
0x2f: {  	lr =	sadd.s32 s0, s3;
	s0 =	sld [smem:$0x3F77]  }
0x30: {  	s3 =	sld [smem:$0x3F7A]  }
0x31: {  	[smem:$0x3F83] =	sst s10  }
0x32: {  	s10 =	sld [smem:$0x3F81];
	_ =	sdelay $0x3  }
0x33: {  	p0 =	seq.s32 s10, $0x1;
	s10 =	sld [smem:$0x3F83];
	_ =	sdelay $0x3  }
0x34: {  	[smem:$0x3F83] =	sst s10  }
0x35: {  	s10 =	sld [smem:$0x3F82];
	_ =	sdelay $0x3  }
0x36: {  	p1 =	seq.s32 s10, $0x1;
	s10 =	sld [smem:$0x3F83];
	_ =	sdelay $0x3  }
0x37: {  	[smem:$0x3F83] =	sst s10  }
0x38: {  	s10 =	sld [smem:$0x3F84]  }
0x39: {  	_ = 	snop;
	(pc) =	sbr.ind lr, $3  }
0x3a: {  	_ = 	snop  }
0x3b: {  	_ = 	snop  }
0x3c: {  	p2 =	seq.s32 s10, $0x1;
	s10 =	sld [smem:$0x3F83]  }
0x3d: {  	_ =	shalt  }
0x3e: {  	_ =	shalt  }
0x3f: {  	_ =	shalt  }
0x40: {  	_ =	shalt  }
0x41: {  	_ =	shalt  }
0x42: {  	_ =	shalt  }
0x43: {  	_ =	shalt  }
0x44: {  	_ =	shalt  }
0x45: {  	_ =	shalt  }
0x46: {  	_ =	shalt  }
0x47: {  	_ =	shalt  }
0x48: {  	_ =	shalt  }
0x49: {  	_ =	shalt  }
0x4a: {  	_ =	shalt  }
0x4b: {  	_ =	shalt  }
0x4c: {  	_ =	shalt  }
0x4d: {  	_ =	shalt  }
0x4e: {  	_ =	shalt  }
0x4f: {  	_ =	shalt  }
0x50: {  	_ =	shalt  }
0x51: {  	_ =	shalt  }
0x52: {  	_ =	shalt  }
0x53: {  	_ =	shalt  }
0x54: {  	_ =	shalt  }
0x55: {  	_ =	shalt  }
0x56: {  	_ =	shalt  }
0x57: {  	_ =	shalt  }
0x58: {  	_ =	shalt  }
0x59: {  	_ =	shalt  }
0x5a: {  	_ =	shalt  }
0x5b: {  	_ =	shalt  }
0x5c: {  	_ =	shalt  }
0x5d: {  	_ =	shalt  }
0x5e: {  	_ =	shalt  }
0x5f: {  	_ =	shalt  }
0x60: {  	_ =	shalt  }
0x61: {  	_ =	shalt  }
0x62: {  	_ =	shalt  }
0x63: {  	_ =	shalt  }
0x64: {  	_ =	shalt  }
0x65: {  	_ =	shalt  }
0x66: {  	_ =	shalt  }
0x67: {  	_ =	shalt  }
0x68: {  	_ =	shalt  }
0x69: {  	_ =	shalt  }
0x6a: {  	_ =	shalt  }
0x6b: {  	_ =	shalt  }
0x6c: {  	_ =	shalt  }
0x6d: {  	_ =	shalt  }
0x6e: {  	_ =	shalt  }
0x6f: {  	_ =	shalt  }
0x70: {  	_ =	shalt  }
0x71: {  	_ =	shalt  }
0x72: {  	_ =	shalt  }
0x73: {  	_ =	shalt  }
0x74: {  	_ =	shalt  }
0x75: {  	_ =	shalt  }
0x76: {  	_ =	shalt  }
0x77: {  	_ =	shalt  }
0x78: {  	_ =	shalt  }
0x79: {  	_ =	shalt  }
0x7a: {  	_ =	shalt  }
0x7b: {  	_ =	shalt  }
0x7c: {  	_ =	shalt  }
0x7d: {  	_ =	shalt  }
0x7e: {  	_ =	shalt  }
0x7f: {  	_ =	shalt  }
0x80: {  	_ =	shalt  }
0x81: {  	_ =	shalt  }
0x82: {  	_ =	shalt  }
0x83: {  	_ =	shalt  }
0x84: {  	_ =	shalt  }
0x85: {  	_ =	shalt  }
0x86: {  	_ =	shalt  }
0x87: {  	_ =	shalt  }
.Lfunc_end0:
.L_simem_size_0:
called_computation_lowered:
.L_overlay_start_0:
0x88: {  	s2 =	sld [smem:$0x3FD9]  }
0x89: {  	s3 =	sld [smem:$0x3FFE];
	_ =	sdelay $0x1  }
0x8a: {  	s1 =	srdreg.scid  }
0x8b: {  	s0 =	sand.u32 $0x1, s1  }
0x8c: {  	s16 =	sshll.u32 s0, $0xA;
	s2 =	sadd.s32 s3, s2  }
0x8d: {  	s2 =	sadd.s32 s2, s16  }
0x8e: {  	[smem:$0x3F8F] =	sst s2  }
0x8f: {  	_ = 	snop  }
0x90: {  	(tm) =	ssettm $0x1  }
0x91: {  	s17 =	sld [smem:$0x3FFB];
	_ =	sdelay $0x3  }
0x92: {  	_ =	strace s17  }
0x93: {  	s2 =	sld [smem:$0x3FFC];
	_ =	sdelay $0x3  }
0x94: {  	_ =	strace s2  }
0x95: {  	s2 =	sld [smem:$0x3FFD];
	_ =	sdelay $0x3  }
0x96: {  	_ =	strace s2  }
0x97: {  	_ =	strace $0x8FFFFFFF  }
0x98: {  	s18 =	sld [smem:$0x3FDB];
	_ =	sdelay $0x1  }
0x99: {  	s19 =	simm.s32 $_scs_section_size  }
0x9a: {  	s4 =	simm.s32 $_size__tile_overlayer_lowered;
	s5 =	simm.s32 $_tile_overlayer_lowered  }
0x9b: {  	s22 =	simm.s32 $0x1BFF;
	s21 =	sshll.u32 s5, $0x1;
	s2 =	sadd.s32 s19, s18  }
0x9c: {  	s6 =	simm.s32 $0x0;
	s20 =	sshll.u32 s4, $0x1;
	s4 =	sadd.s32 s21, s2  }
0x9d: {  	[timem:s6], [sflag:s22] =	dma.local [hbm:s4], s20  }
0x9e: {  	_ =	swait.ge [sflag:s22], s20  }
0x9f: {  	s3 =	ssub.s32 $0x0, s20;
	[sflag:s22] =	ssyncset.done $0x0  }
0xa0: {  	[sflag:s22] =	ssyncadd.s32 s3;
	_ =	sdelay $0x1  }
0xa1: {  	s23 =	simm.s32 $0x1B8B  }
0xa2: {  	_ =	swait.ge [sflag:s23], $0x1  }
0xa3: {  	[sflag:s23] =	ssyncset.done $0x0  }
0xa4: {  	s25 =	simm.s32 $0x1B8E;
	s24 =	sld [smem:$0x3FFE];
	[sflag:s23] =	ssyncadd.s32 $0xFFFFFFFF  }
0xa5: {  	s26 =	simm.s32 $execute0_lowered;
	[smem:$0x3FD2] =	sst s25  }
0xa6: {  	s4 =	sshll.u32 s26, $0x1;
	_ =	strace $0x80000046;
	[dreg:$0x1] =	wrdreg $0xFFFFFFFF  }
0xa7: {  	s28 =	simm.s32 $_size_execute0_lowered;
	s2 =	sadd.s32 s2, s4;
	[dreg:$0x0] =	wrdreg $0x0  }
0xa8: {  	s4 =	sshll.u32 s28, $0x1;
	[dreg:$0x2] =	wrdreg s2  }
0xa9: {  	[dreg:$0x3] =	wrdreg s4  }
0xaa: {  	[dreg:$0x4] =	wrdreg $0xC0  }
0xab: {  	_ =	task [dreg:s6], $0x5FFFF  }
0xac: {  	[dreg:$0x1] =	wrdreg $0xFFFFFFFF  }
0xad: {  	[dreg:$0x0] =	wrdreg $0x60  }
0xae: {  	[dreg:$0x2] =	wrdreg s24  }
0xaf: {  	[dreg:$0x3] =	wrdreg $0x9  }
0xb0: {  	_ =	task.clear_ibuf [dreg:s6], $0x4FFFF;
	_ =	strace $0x90000046  }
0xb1: {  	s29 =	simm.s32 $0x9;
	_ =	strace $0x80000048  }
0xb2: {  	_ =	swait.ge [sflag:s29], $0x1  }
0xb3: {  	[sflag:s29] =	ssyncadd.s32 $0xFFFFFFFF  }
0xb4: {  	_ =	strace $0x90000048  }
0xb5: {  	_ =	sfence  }
0xb6: {  	s30 =	sld [smem:$0x0];
	_ =	sdelay $0x2  }
0xb7: {  	s31 =	sshll.u32 s1, $0xD;
	s1 =	sshrl.u32 s1, $0x2  }
0xb8: {  	s3 =	sand.u32 $0x4000, s31;
	s1 =	sadd.s32 s1, s30  }
0xb9: {  	s0 =	sor.u32 s3, s0;
	s1 =	sshll.u32 s1, $0x11  }
0xba: {  	s0 =	sor.u32 s1, s0  }
0xbb: {  	s0 =	sadd.s32 $0x8F2B, s0  }
0xbc: {  	[sflag:s0] =	ssyncadd.remote.s32 $0x1  }
0xbd: {  	_ =	sfence.sel $0xFFFF  }
0xbe: {  	[dreg:$0x0] =	wrdreg $0xFFFFFFFF;
	(pc) =	sbr.abs _section_cstart, $3  }
0xbf: {  	[dreg:$0x1] =	wrdreg $0xFFFFFFFF  }
0xc0: {  	_ =	task.clear_ibuf [dreg:s6], $0x2FFFF;
	_ =	strace $0x9FFFFFFF  }
0xc1: {  	(tm) =	ssettm $0x7FFFFFFF  }
tec
execute0_lowered:
.L_overlay_start_1:
0x0: {  	(tag) =	ssettag $0x1  }
0x1: {  	s0 =	rddreg [dreg:$0x0]  }
0x2: {  	s5 =	stileid.u32;
	s2 =	simm.s32 $0x0;
	s3 =	srdreg.scid  }
0x3: {  	s15 =	simm.s32 $0x1;
	s18 =	simm.s32 $0x2580;
	s19 =	simm.s32 $0x6580  }
0x4: {  	s20 =	simm.s32 $0xA580;
	s22 =	simm.s32 $0x12580;
	s25 =	simm.s32 $0x0  }
0x5: {  	s1 =	smul.u32 $0xC40, s5;
	[smem:$0x7FF] =	sst s2;
	s9 =	sand.u32 $0x1, s3  }
0x6: {  	s7 =	sadd.s32 $0xBE00, s0;
	s5 =	sshll.u32 s5, $0xC;
	s26 =	smul.u32 $0x18800, s9  }
0x7: {  	_ =	strace $0x80000047;
	s3 =	sshll.u32 s9, $0xB;
	s11 =	smul.u32 $0xC000, s9  }
0x8: {  	s28 =	ssub.s32 $0x2, s9;
	s12 =	sadd.s32 s5, s0;
	s30 =	smul.u32 $0x1800, s9  }
0x9: {  	s13 =	sshll.u32 s9, $0x10;
	s4 =	sshrl.u32 s1, $0x3;
	s10 =	sadd.s32 s3, s0  }
0xa: {  	s3 =	sadd.s32 $0xFE00, s0;
	s8 =	sshrl.u32 s28, $0x1;
	s31 =	sadd.s32 s13, s12  }
0xb: {  	s6 =	sadd.s32 s4, s0;
	s1 =	sadd.s32 s1, s26;
	s29 =	ssub.s32 s28, s8  }
0xc: {  	s11 =	sshrl.u32 s11, $0x3;
	s10 =	sadd.s32 $0xEE00, s10;
	s1 =	sshrl.u32 s1, $0x3  }
0xd: {  	s4 =	sadd.s32 $0x7000, s6;
	s5 =	sadd.s32 $0x8A00, s6;
	s6 =	sadd.s32 $0xA400, s6  }
0xe: {  	s11 =	sadd.s32 s7, s11;
	s7 =	sadd.s32 s7, s30;
	s14 =	smax.u32 s29, $0x1  }
0xf: {  	s0 =	sadd.s32 s1, s0;
	s8 =	sadd.s32 $0x800, s11;
	s9 =	sadd.s32 $0x1000, s11  }
0x10: {  	v0 =	vimm.f32 $1.000000000e+00;
	s11 =	sadd.s32 $0x10E00, s31;
	s12 =	sadd.s32 $0x30E00, s0;
	s13 =	sadd.s32 $0x32680, s0  }
.LBB2_1:
0x11: {  	[tilespmem:s2], [sflag:$0x1] =	stream.linear.gather [hbm4b:s4+s2], $0xC40, $0x38;
	[tilespmem:$0x1BE80] =	vst v63  }
0x12: {  	_ =	swait.ge [sflag:s15], $0xC40  }
0x13: {  	[sflag:s15] =	ssyncset.done $0x0  }
0x14: {  	s0 =	simm.s32 $0xC80;
	[sflag:s15] =	ssyncadd.s32 $0xFFFFF3C0  }
0x15: {  	[tilespmem:s0], [sflag:$0x1] =	stream.linear.gather [hbm4b:s5+s2], $0xC40, $0x38;
	[tilespmem:$0x1BE80] =	vst v63  }
0x16: {  	_ =	swait.ge [sflag:s15], $0xC40  }
0x17: {  	[sflag:s15] =	ssyncset.done $0x0  }
0x18: {  	s30 =	simm.s32 $0x1900;
	[sflag:s15] =	ssyncadd.s32 $0xFFFFF3C0  }
0x19: {  	[tilespmem:s30], [sflag:$0x1] =	stream.linear.gather [hbm4b:s6+s2], $0xC40, $0x38;
	[tilespmem:$0x1BE80] =	vst v63  }
0x1a: {  	_ =	swait.ge [sflag:s15], $0xC40  }
0x1b: {  	[sflag:s15] =	ssyncset.done $0x0  }
0x1c: {  	[sflag:s15] =	ssyncadd.s32 $0xFFFFF3C0  }
0x1d: {  	[tilespmem:s18], [sflag:$0x1] =	stream.linear.gather [hbm4b:s7+s2], $0x4000, $0x38;
	[tilespmem:$0x1BE80] =	vst v63  }
0x1e: {  	_ =	swait.ge [sflag:s15], $0x4000  }
0x1f: {  	[sflag:s15] =	ssyncset.done $0x0  }
0x20: {  	[sflag:s15] =	ssyncadd.s32 $0xFFFFC000  }
0x21: {  	[tilespmem:s19], [sflag:$0x1] =	stream.linear.gather [hbm4b:s8+s2], $0x4000, $0x38;
	[tilespmem:$0x1BE80] =	vst v63  }
0x22: {  	_ =	swait.ge [sflag:s15], $0x4000  }
0x23: {  	[sflag:s15] =	ssyncset.done $0x0  }
0x24: {  	[sflag:s15] =	ssyncadd.s32 $0xFFFFC000  }
0x25: {  	[tilespmem:s20], [sflag:$0x1] =	stream.linear.gather [hbm4b:s9+s2], $0x4000, $0x38;
	[tilespmem:$0x1BE80] =	vst v63  }
0x26: {  	_ =	swait.ge [sflag:s15], $0x4000  }
0x27: {  	[sflag:s15] =	ssyncset.done $0x0  }
0x28: {  	s31 =	simm.s32 $0xE580;
	[sflag:s15] =	ssyncadd.s32 $0xFFFFC000  }
0x29: {  	[tilespmem:s31], [sflag:$0x1] =	stream.linear.gather [hbm4b:s10+s2], $0x4000, $0x38;
	[tilespmem:$0x1BE80] =	vst v63  }
0x2a: {  	_ =	swait.ge [sflag:s15], $0x4000  }
0x2b: {  	[sflag:s15] =	ssyncset.done $0x0  }
0x2c: {  	[sflag:s15] =	ssyncadd.s32 $0xFFFFC000  }
0x2d: {  	[tilespmem:s22], [sflag:$0x1] =	stream.linear.gather [hbm4b:s3+s2], $0x8000, $0x38;
	[tilespmem:$0x1BE80] =	vst v63  }
0x2e: {  	_ =	swait.ge [sflag:s15], $0x8000  }
0x2f: {  	[sflag:s15] =	ssyncset.done $0x0  }
0x30: {  	s26 =	simm.s32 $0x0;
	[sflag:s15] =	ssyncadd.s32 $0xFFFF8000  }
.LBB2_2:
0x31: {  	s28 =	sshll.u32 s26, $0x6  }
0x32: {  	v5 =	vld [tilespmem:s28+$0x0]  }
0x33: {  	v4 =	vld [tilespmem:s28+$0xC80]  }
0x34: {  	v6 =	vld [tilespmem:s28+$0x1900]  }
0x35: {  	v7 =	vld [tilespmem:s28+$0x10]  }
0x36: {  	v3 =	vld [tilespmem:s28+$0xC90]  }
0x37: {  	v9 =	vld [tilespmem:s28+$0x20]  }
0x38: {  	v8 =	vld [tilespmem:s28+$0x1910]  }
0x39: {  	v1 =	vld [tilespmem:s28+$0xCB0]  }
0x3a: {  	s0 =	simm.s32 $0x0;
	v2 =	vld [tilespmem:s28+$0xCA0]  }
0x3b: {  	v10 =	vld [tilespmem:s28+$0x1920];
	v13 =	vadd.s32 s0, v5  }
0x3c: {  	v11 =	vld [tilespmem:s28+$0x30];
	v14 =	vadd.s32 s0, v9  }
0x3d: {  	s1 =	simm.s32 $0xE590;
	v12 =	vld [tilespmem:s28+$0x1930];
	v15 =	vadd.s32 s0, v4  }
0x3e: {  	v18 =	vld [tilespmem:s1+$0x0];
	v16 =	vadd.s32 s0, v1  }
0x3f: {  	v20 =	vld [tilespmem:s1+$0xFFFFFFF0];
	v19 =	vadd.s32 s0, v2  }
0x40: {  	v21 =	vadd.s32 s0, v7;
	v13 =	vld.idx.msk [tilespmem:v13+s18+$0x0], $0xffff  }
0x41: {  	s23 =	simm.s32 $0x80;
	v22 =	vadd.s32 s0, v3;
	v23 =	vld.idx.msk [tilespmem:v14+s18+$0x0], $0xffff  }
0x42: {  	v25 =	vadd.s32 s23, v4;
	v15 =	vld.idx.msk [tilespmem:v15+s19+$0x0], $0xffff  }
0x43: {  	v27 =	vadd.s32 s0, v11;
	v16 =	vld.idx.msk [tilespmem:v16+s19+$0x0], $0xffff  }
0x44: {  	v14 =	vadd.s32 s23, v5;
	v19 =	vld.idx.msk [tilespmem:v19+s19+$0x0], $0xffff  }
0x45: {  	v26 =	vadd.s32 s23, v9;
	v21 =	vld.idx.msk [tilespmem:v21+s18+$0x0], $0xffff  }
0x46: {  	v22 =	vld.idx.msk [tilespmem:v22+s19+$0x0], $0xffff  }
0x47: {  	v29 =	vadd.s32 s23, v2;
	v25 =	vld.idx.msk [tilespmem:v25+s19+$0x0], $0xffff  }
0x48: {  	v27 =	vld.idx.msk [tilespmem:v27+s18+$0x0], $0xffff  }
0x49: {  	s24 =	simm.s32 $0x0;
	v28 =	vld.idx.msk [tilespmem:v14+s18+$0x0], $0xffff  }
0x4a: {  	s0 =	sand.u32 $0x7E0, s24;
	v30 =	vadd.s32 s23, v11;
	v35 =	vld.idx.msk [tilespmem:v26+s18+$0x0], $0xffff;
	v14 =	vmul.f32 v20, v6;
	v15 =	vadd.f32 v15, v13  }
0x4b: {  	v31 =	vadd.s32 s23, v1;
	v32 =	vmul.f32 v20, v10;
	v34 =	vadd.s32 s23, v3;
	v13 =	vld [tilespmem:s0+$0xFD80]  }
0x4c: {  	v37 =	vadd.s32 s23, v7;
	v33 =	vmul.f32 v20, v8;
	v38 =	vld.idx.msk [tilespmem:v29+s19+$0x0], $0xffff;
	v15 =	vadd.f32 v15, v14  }
0x4d: {  	v24 =	vld [tilespmem:$0x11580];
	v19 =	vadd.f32 v19, v23;
	v23 =	vmul.f32 v18, v6;
	v21 =	vadd.f32 v22, v21  }
0x4e: {  	v16 =	vadd.f32 v16, v27;
	v36 =	vmax.f32 v15, $0.0e+00;
	v15 =	vld [tilespmem:s0+$0xF580];
	v28 =	vadd.f32 v25, v28  }
0x4f: {  	v17 =	vld [tilespmem:$0x11590];
	v26 =	vadd.f32 v19, v32;
	v21 =	vadd.f32 v21, v33  }
0x50: {  	v19 =	vld.idx.msk [tilespmem:v30+s18+$0x0], $0xffff;
	v22 =	vmul.f32 v36, v13;
	v30 =	vadd.f32 v28, v23;
	v23 =	vmul.f32 v20, v12  }
0x51: {  	v35 =	vadd.f32 v38, v35;
	v14 =	vmul.f32 v18, v12;
	v32 =	vmax.f32 v26, $0.0e+00;
	v26 =	vld.idx.msk [tilespmem:v31+s19+$0x0], $0xffff  }
0x52: {  	s17 =	simm.s32 $0xE5B0;
	s21 =	simm.s32 $0x180;
	v33 =	vmul.f32 v18, v10;
	v31 =	vld.idx.msk [tilespmem:v37+s18+$0x0], $0xffff;
	v27 =	vmax.f32 v21, $0.0e+00;
	v25 =	vmul.f32 v18, v8  }
0x53: {  	s31 =	sor.u32 $0x10, s28;
	s29 =	sor.u32 $0x20, s28;
	s0 =	simm.s32 $0x10;
	v18 =	vmovc v24;
	v21 =	vmov v24;
	v28 =	vld.idx.msk [tilespmem:v34+s19+$0x0], $0xffff;
	v29 =	vmul.f32 v36, v15;
	v36 =	vmul.f32 v32, v15  }
0x54: {  	s30 =	sor.u32 $0x30, s28;
	s1 =	simm.s32 $0x0;
	s16 =	sand.u32 $0x7F0, s0;
	v20 =	vadd.f32 v22, v17;
	v34 =	vadd.f32 v16, v23;
	v22 =	vmovc v24;
	v16 =	vmovc v17;
	v23 =	vmov v17  }
.LBB2_3:
0x55: {  	s23 =	sadd.s32 $0xFFFFFF80, s21;
	s1 =	sadd.s32 $0x2, s1;
	v24 =	vadd.f32 v36, v24;
	v32 =	vmul.f32 v32, v13;
	v30 =	vmax.f32 v30, $0.0e+00;
	s0 =	sadd.s32 $0x20, s0  }
0x56: {  	v36 =	vadd.s32 s23, v5;
	v37 =	vadd.s32 s23, v4;
	s24 =	sand.u32 $0x7F0, s0;
	p0 =	slt.u32 s1, $0x7E;
	v33 =	vadd.f32 v35, v33  }
0x57: {  	v35 =	vadd.s32 s23, v3;
	v38 =	vadd.s32 s23, v9;
	v17 =	vadd.f32 v32, v17;
	v32 =	vld [tilespmem:s16+$0xFD80]  }
0x58: {  	v39 =	vadd.s32 s23, v11;
	v40 =	vadd.s32 s23, v1;
	v34 =	vmax.f32 v34, $0.0e+00;
	v41 =	vld [tilespmem:s16+$0xF580];
	s16 =	smov.u32 s24  }
0x59: {  	v42 =	vadd.s32 s23, v7;
	v43 =	vadd.s32 s23, v2;
	v28 =	vadd.f32 v28, v31;
	v44 =	vld [tilespmem:s17+$0x0]  }
0x5a: {  	v45 =	vadd.s32 s21, v5;
	v46 =	vadd.s32 s21, v4;
	v21 =	vadd.f32 v29, v21;
	v31 =	vld [tilespmem:s17+$0xFFFFFFF0]  }
0x5b: {  	v47 =	vadd.s32 s21, v11;
	v25 =	vadd.f32 v28, v25;
	v29 =	vld.idx.msk [tilespmem:v36+s18+$0x0], $0xffff;
	v36 =	vadd.s32 s21, v9  }
0x5c: {  	v19 =	vadd.f32 v26, v19;
	v28 =	vld.idx.msk [tilespmem:v38+s18+$0x0], $0xffff;
	v38 =	vmul.f32 v27, v15;
	v27 =	vmul.f32 v27, v13  }
0x5d: {  	v25 =	vmax.f32 v25, $0.0e+00;
	v26 =	vld.idx.msk [tilespmem:v37+s19+$0x0], $0xffff;
	v37 =	vadd.s32 s21, v1;
	v48 =	vmul.f32 v30, v41  }
0x5e: {  	v14 =	vadd.f32 v19, v14;
	v40 =	vld.idx.msk [tilespmem:v40+s19+$0x0], $0xffff;
	v18 =	vadd.f32 v38, v18;
	v38 =	vmul.f32 v25, v32  }
0x5f: {  	v49 =	vadd.s32 s21, v2;
	v15 =	vmul.f32 v34, v15;
	v19 =	vld.idx.msk [tilespmem:v43+s19+$0x0], $0xffff;
	v43 =	vmul.f32 v31, v10  }
0x60: {  	v23 =	vadd.f32 v27, v23;
	v27 =	vmul.f32 v30, v32;
	v30 =	vmax.f32 v14, $0.0e+00;
	v42 =	vld.idx.msk [tilespmem:v42+s18+$0x0], $0xffff  }
0x61: {  	v22 =	vadd.f32 v15, v22;
	v14 =	vmul.f32 v25, v41;
	v21 =	vadd.f32 v48, v21;
	v35 =	vld.idx.msk [tilespmem:v35+s19+$0x0], $0xffff  }
0x62: {  	s23 =	sadd.s32 $0xFFFFFFF0, s0;
	v15 =	vmul.f32 v34, v13;
	v20 =	vadd.f32 v27, v20;
	v27 =	vmax.f32 v33, $0.0e+00;
	v25 =	vld.idx.msk [tilespmem:v45+s18+$0x0], $0xffff  }
0x63: {  	s23 =	sand.u32 $0x7E0, s23;
	v33 =	vmul.f32 v31, v6;
	v18 =	vadd.f32 v14, v18;
	v45 =	vmul.f32 v30, v32;
	v34 =	vld.idx.msk [tilespmem:v46+s19+$0x0], $0xffff  }
0x64: {  	v14 =	vmul.f32 v44, v12;
	v26 =	vadd.f32 v26, v29;
	v29 =	vmul.f32 v30, v41;
	v13 =	vld [tilespmem:s23+$0xFD80]  }
0x65: {  	v16 =	vadd.f32 v15, v16;
	v30 =	vmul.f32 v44, v6;
	v28 =	vadd.f32 v19, v28;
	v46 =	vld.idx.msk [tilespmem:v36+s18+$0x0], $0xffff  }
0x66: {  	v15 =	vadd.f32 v26, v33;
	v33 =	vadd.s32 s21, v3;
	v26 =	vmul.f32 v27, v32;
	v19 =	vld.idx.msk [tilespmem:v47+s18+$0x0], $0xffff  }
0x67: {  	v27 =	vmul.f32 v27, v41;
	v35 =	vadd.f32 v35, v42;
	v36 =	vld.idx.msk [tilespmem:v39+s18+$0x0], $0xffff;
	v39 =	vadd.s32 s21, v7  }
0x68: {  	v41 =	vmax.f32 v15, $0.0e+00;
	v42 =	vmul.f32 v31, v8;
	v17 =	vadd.f32 v26, v17;
	v47 =	vld.idx.msk [tilespmem:v49+s19+$0x0], $0xffff  }
0x69: {  	v28 =	vadd.f32 v28, v43;
	v34 =	vadd.f32 v34, v25;
	v25 =	vmul.f32 v44, v8;
	v15 =	vld [tilespmem:s23+$0xF580]  }
0x6a: {  	v23 =	vadd.f32 v38, v23;
	v24 =	vadd.f32 v27, v24;
	v43 =	vmul.f32 v41, v13;
	v26 =	vld.idx.msk [tilespmem:v37+s19+$0x0], $0xffff  }
.Ltmp0:
0x6b: {  	v16 =	vadd.f32 v45, v16;
	v32 =	vmax.f32 v28, $0.0e+00;
	v30 =	vadd.f32 v34, v30;
	v28 =	vld.idx.msk [tilespmem:v33+s19+$0x0], $0xffff;
	(pc) =	sbr.rel @p0 .LBB2_3-.Ltmp0, $4  }
0x6c: {  	v22 =	vadd.f32 v29, v22;
	v34 =	vmul.f32 v31, v12;
	v20 =	vadd.f32 v43, v20;
	v31 =	vld.idx.msk [tilespmem:v39+s18+$0x0], $0xffff  }
0x6d: {  	v27 =	vadd.f32 v35, v42;
	v33 =	vmul.f32 v44, v10;
	v35 =	vadd.f32 v40, v36  }
0x6e: {  	v29 =	vmul.f32 v41, v15;
	v36 =	vmul.f32 v32, v15  }
0x6f: {  	s17 =	sadd.s32 $0x20, s17;
	s21 =	sadd.s32 $0x100, s21;
	v27 =	vmax.f32 v27, $0.0e+00;
	v34 =	vadd.f32 v35, v34;
	v35 =	vadd.f32 v47, v46  }
0x70: {  	v6 =	vld [tilespmem:s16+$0xF580]  }
0x71: {  	v5 =	vmul.f32 v32, v13;
	v7 =	vadd.f32 v36, v24;
	v9 =	vld [tilespmem:s16+$0xFD80];
	v10 =	vmax.f32 v30, $0.0e+00  }
0x72: {  	v21 =	vadd.f32 v29, v21;
	v24 =	vmul.f32 v27, v13;
	v8 =	vadd.f32 v28, v31  }
0x73: {  	v19 =	vadd.f32 v26, v19;
	v11 =	vadd.f32 v35, v33;
	v12 =	vmax.f32 v34, $0.0e+00  }
0x74: {  	v5 =	vadd.f32 v5, v17;
	v17 =	vmul.f32 v27, v15;
	v8 =	vadd.f32 v8, v25  }
0x75: {  	v14 =	vadd.f32 v19, v14;
	v26 =	vmul.f32 v12, v15;
	v25 =	vmul.f32 v10, v6  }
0x76: {  	v17 =	vadd.f32 v17, v18;
	v8 =	vmax.f32 v8, $0.0e+00;
	v10 =	vmul.f32 v10, v9  }
0x77: {  	v18 =	vmul.f32 v8, v9;
	v8 =	vmul.f32 v8, v6;
	v19 =	vadd.f32 v25, v21  }
0x78: {  	v21 =	vadd.f32 v24, v23;
	v20 =	vadd.f32 v10, v20;
	v10 =	vmax.f32 v11, $0.0e+00  }
0x79: {  	v12 =	vmul.f32 v12, v13;
	v15 =	vadd.f32 v8, v17;
	v8 =	vmul.f32 v10, v6;
	[tilespmem:s28+$0x1A580] =	vst v19  }
0x7a: {  	v11 =	vmax.f32 v14, $0.0e+00;
	v10 =	vmul.f32 v10, v9;
	v14 =	vadd.f32 v18, v21;
	[tilespmem:s28+$0x1B200] =	vst v20  }
0x7b: {  	v13 =	vadd.f32 v26, v22;
	v6 =	vmul.f32 v11, v6;
	v8 =	vadd.f32 v8, v7;
	[tilespmem:s31+$0x1A580] =	vst v15  }
0x7c: {  	v9 =	vmul.f32 v11, v9;
	v11 =	vadd.f32 v12, v16;
	v7 =	vadd.f32 v10, v5;
	[tilespmem:s31+$0x1B200] =	vst v14  }
0x7d: {  	s1 =	simm.s32 $0x0;
	v6 =	vadd.f32 v6, v13;
	[tilespmem:s29+$0x1A580] =	vst v8  }
0x7e: {  	v17 =	vadd.s32 s1, v4;
	v5 =	vadd.f32 v9, v11;
	[tilespmem:s29+$0x1B200] =	vst v7  }
0x7f: {  	s23 =	simm.s32 $0x0;
	[tilespmem:s30+$0x1A580] =	vst v6  }
0x80: {  	s16 =	sand.u32 $0x7E0, s23;
	[tilespmem:s30+$0x1B200] =	vst v5  }
0x81: {  	s0 =	simm.s32 $0x80;
	v10 =	vld [tilespmem:s16+$0x10580]  }
0x82: {  	v18 =	vadd.s32 s0, v4;
	v9 =	vld [tilespmem:s16+$0x10D80]  }
0x83: {  	s17 =	simm.s32 $0x10;
	v11 =	vld.idx.msk [tilespmem:v17+s20+$0x0], $0xffff  }
0x84: {  	s24 =	sand.u32 $0x7F0, s17  }
0x85: {  	v16 =	vld [tilespmem:s24+$0x10580]  }
0x86: {  	s28 =	simm.s32 $0x100;
	v12 =	vld [tilespmem:s24+$0x10D80];
	v13 =	vmul.f32 v10, v19  }
0x87: {  	v22 =	vadd.s32 s28, v4;
	v21 =	vld.idx.msk [tilespmem:v18+s20+$0x0], $0xffff  }
0x88: {  	s17 =	simm.s32 $0x20;
	v23 =	vmul.f32 v9, v20;
	v11 =	vadd.f32 v11, v13  }
0x89: {  	v24 =	vadd.s32 s1, v3;
	s16 =	sand.u32 $0x7E0, s17  }
0x8a: {  	v25 =	vmul.f32 v16, v19;
	v13 =	vld [tilespmem:s16+$0x10580];
	v23 =	vadd.f32 v11, v23  }
0x8b: {  	v11 =	vld [tilespmem:s16+$0x10D80]  }
0x8c: {  	v26 =	vmul.f32 v12, v20;
	v21 =	vadd.f32 v21, v25;
	v25 =	vld.idx.msk [tilespmem:v22+s20+$0x0], $0xffff;
	v23 =	vmax.f32 v23, $0.0e+00  }
0x8d: {  	v28 =	vadd.s32 s0, v3;
	[tilespmem:v17+s22+$0x0] =	vst.idx.add.f32.msk $0xffff, v23  }
0x8e: {  	v17 =	vadd.f32 v21, v26;
	v21 =	vld.idx.msk [tilespmem:v24+s20+$0x0], $0xffff  }
0x8f: {  	s29 =	simm.s32 $0x180;
	v26 =	vmul.f32 v13, v19  }
0x90: {  	v23 =	vadd.s32 s29, v4;
	v17 =	vmax.f32 v17, $0.0e+00;
	v27 =	vmul.f32 v11, v20  }
0x91: {  	s21 =	simm.s32 $0x30;
	v26 =	vadd.f32 v25, v26;
	[tilespmem:v18+s22+$0x0] =	vst.idx.add.f32.msk $0xffff, v17;
	v17 =	vmul.f32 v10, v15  }
0x92: {  	s16 =	sand.u32 $0x7F0, s21;
	v25 =	vadd.s32 s28, v3;
	v29 =	vld.idx.msk [tilespmem:v28+s20+$0x0], $0xffff  }
0x93: {  	v31 =	vmul.f32 v9, v14;
	v18 =	vld [tilespmem:s16+$0x10D80];
	v26 =	vadd.f32 v26, v27;
	v17 =	vadd.f32 v21, v17  }
0x94: {  	v30 =	vadd.s32 s1, v2;
	v21 =	vld [tilespmem:s16+$0x10580]  }
0x95: {  	v27 =	vmul.f32 v16, v15;
	v55 =	vld.idx.msk [tilespmem:v23+s20+$0x0], $0xffff;
	v26 =	vmax.f32 v26, $0.0e+00;
	v31 =	vadd.f32 v17, v31  }
0x96: {  	[tilespmem:v22+s22+$0x0] =	vst.idx.add.f32.msk $0xffff, v26  }
0x97: {  	v56 =	vmul.f32 v12, v14;
	v26 =	vld.idx.msk [tilespmem:v25+s20+$0x0], $0xffff;
	v29 =	vadd.f32 v29, v27;
	v22 =	vmax.f32 v31, $0.0e+00  }
0x98: {  	s23 =	simm.s32 $0x40;
	v27 =	vadd.s32 s0, v2;
	[tilespmem:v24+s22+$0x0] =	vst.idx.add.f32.msk $0xffff, v22  }
0x99: {  	s30 =	simm.s32 $0x200;
	s24 =	simm.s32 $0x50;
	s16 =	sand.u32 $0x7E0, s23;
	v29 =	vadd.f32 v29, v56;
	v24 =	vmul.f32 v21, v19;
	v57 =	vld.idx.msk [tilespmem:v30+s20+$0x0], $0xffff  }
0x9a: {  	s17 =	sand.u32 $0x7F0, s24;
	v17 =	vld [tilespmem:s16+$0x10D80];
	v31 =	vadd.s32 s30, v4  }
0x9b: {  	v60 =	vmul.f32 v18, v20;
	v22 =	vld [tilespmem:s17+$0x10D80];
	v58 =	vmax.f32 v29, $0.0e+00;
	v24 =	vadd.f32 v55, v24  }
0x9c: {  	v59 =	vmul.f32 v13, v15;
	v29 =	vadd.s32 s29, v3;
	[tilespmem:v28+s22+$0x0] =	vst.idx.add.f32.msk $0xffff, v58;
	v28 =	vmul.f32 v10, v8  }
0x9d: {  	v39 =	vld.idx.msk [tilespmem:v27+s20+$0x0], $0xffff;
	v24 =	vadd.f32 v24, v60  }
0x9e: {  	s31 =	simm.s32 $0x280;
	v63 =	vmul.f32 v9, v7;
	v61 =	vadd.f32 v26, v59;
	v26 =	vld [tilespmem:s16+$0x10580];
	v28 =	vadd.f32 v57, v28  }
0x9f: {  	v32 =	vadd.s32 s31, v4;
	v62 =	vmul.f32 v11, v14;
	v37 =	vld.idx.msk [tilespmem:v31+s20+$0x0], $0xffff;
	v24 =	vmax.f32 v24, $0.0e+00  }
0xa0: {  	v33 =	vadd.s32 s1, v1;
	v40 =	vmul.f32 v16, v8;
	[tilespmem:v23+s22+$0x0] =	vst.idx.add.f32.msk $0xffff, v24;
	v23 =	vadd.f32 v28, v63  }
0xa1: {  	v45 =	vmul.f32 v12, v7;
	v42 =	vmul.f32 v21, v15;
	v34 =	vadd.f32 v61, v62;
	v38 =	vld.idx.msk [tilespmem:v29+s20+$0x0], $0xffff  }
0xa2: {  	v35 =	vmul.f32 v17, v20;
	v36 =	vmul.f32 v22, v20;
	v39 =	vadd.f32 v39, v40  }
0xa3: {  	v34 =	vmax.f32 v34, $0.0e+00;
	v43 =	vmul.f32 v26, v19;
	v24 =	vadd.s32 s0, v1;
	v28 =	vld [tilespmem:s17+$0x10580]  }
0xa4: {  	s1 =	simm.s32 $0x70;
	v41 =	vld.idx.msk [tilespmem:v32+s20+$0x0], $0xffff;
	s16 =	simm.s32 $0x380;
	s0 =	simm.s32 $0x4;
	v40 =	vmul.f32 v18, v14;
	v44 =	vmax.f32 v23, $0.0e+00;
	v39 =	vadd.f32 v39, v45;
	v23 =	vmovc v33  }
.LBB2_5:
0xa5: {  	s21 =	sadd.s32 $0xFFFFFF80, s16;
	s17 =	sadd.s32 $0xFFFFFFF0, s1;
	v45 =	vadd.s32 s16, v4;
	s0 =	sadd.s32 $0x2, s0;
	v37 =	vadd.f32 v37, v43;
	v43 =	vadd.s32 s30, v3;
	[tilespmem:v30+s22+$0x0] =	vst.idx.add.f32.msk $0xffff, v44  }
0xa6: {  	s23 =	sand.u32 $0x7E0, s17;
	v44 =	vadd.s32 s21, v4;
	s17 =	sand.u32 $0x7F0, s1;
	p0 =	slt.u32 s0, $0x7E;
	v38 =	vadd.f32 v38, v42;
	v33 =	vld.idx.msk [tilespmem:v33+s20+$0x0], $0xffff;
	v30 =	vmax.f32 v39, $0.0e+00  }
0xa7: {  	v35 =	vadd.f32 v37, v35;
	[tilespmem:v27+s22+$0x0] =	vst.idx.add.f32.msk $0xffff, v30  }
0xa8: {  	v30 =	vadd.s32 s28, v2;
	v27 =	vmul.f32 v28, v19;
	v37 =	vadd.f32 v38, v40;
	v38 =	vld.idx.msk [tilespmem:v24+s20+$0x0], $0xffff  }
0xa9: {  	v39 =	vld [tilespmem:s23+$0x10D80];
	v35 =	vmax.f32 v35, $0.0e+00  }
0xaa: {  	[tilespmem:v31+s22+$0x0] =	vst.idx.add.f32.msk $0xffff, v35;
	v35 =	vadd.f32 v41, v27;
	v31 =	vmov v44  }
0xab: {  	v27 =	vadd.s32 s29, v2;
	v41 =	vmul.f32 v10, v6;
	v10 =	vmovc v13;
	v13 =	vmov v26;
	v40 =	vld.idx.msk [tilespmem:v43+s20+$0x0], $0xffff  }
0xac: {  	v46 =	vmul.f32 v16, v6;
	v36 =	vadd.f32 v35, v36;
	[tilespmem:v25+s22+$0x0] =	vst.idx.add.f32.msk $0xffff, v34;
	v25 =	vmov v43  }
0xad: {  	v26 =	vmul.f32 v9, v5;
	v9 =	vmovc v11;
	v11 =	vmov v17;
	v35 =	vmul.f32 v12, v5;
	v34 =	vld.idx.msk [tilespmem:v30+s20+$0x0], $0xffff  }
0xae: {  	v37 =	vmax.f32 v37, $0.0e+00;
	v33 =	vadd.f32 v33, v41;
	v12 =	vmovc v18;
	v38 =	vadd.f32 v38, v46;
	v42 =	vld [tilespmem:s17+$0x10D80];
	v17 =	vmovc v39  }
0xaf: {  	v16 =	vmovc v21;
	v18 =	vmov v22;
	v39 =	vmul.f32 v13, v15;
	[tilespmem:v29+s22+$0x0] =	vst.idx.add.f32.msk $0xffff, v37;
	v29 =	vadd.s32 s31, v3  }
0xb0: {  	v22 =	vmul.f32 v10, v8;
	v46 =	vadd.f32 v33, v26;
	v43 =	vadd.f32 v38, v35;
	v41 =	vld.idx.msk [tilespmem:v27+s20+$0x0], $0xffff  }
0xb1: {  	v35 =	vmul.f32 v17, v20;
	v38 =	vmul.f32 v11, v14;
	v33 =	vadd.f32 v40, v39;
	v37 =	vld.idx.msk [tilespmem:v44+s20+$0x0], $0xffff  }
0xb2: {  	v21 =	vmovc v28;
	v36 =	vmax.f32 v36, $0.0e+00;
	v39 =	vmul.f32 v9, v7;
	v40 =	vmax.f32 v46, $0.0e+00;
	v26 =	vld [tilespmem:s23+$0x10580]  }
0xb3: {  	v28 =	vadd.f32 v33, v38;
	[tilespmem:v32+s22+$0x0] =	vst.idx.add.f32.msk $0xffff, v36;
	v36 =	vadd.f32 v34, v22;
	v32 =	vmov v45  }
.Ltmp1:
0xb4: {  	v44 =	vmul.f32 v16, v8;
	v43 =	vmax.f32 v43, $0.0e+00;
	v33 =	vadd.s32 s28, v1;
	s28 =	smov.u32 s30;
	s30 =	smov.u32 s21;
	v22 =	vmovc v42;
	v38 =	vld.idx.msk [tilespmem:v29+s20+$0x0], $0xffff;
	(pc) =	sbr.rel @p0 .LBB2_5-.Ltmp1, $4  }
0xb5: {  	v45 =	vmul.f32 v12, v7;
	v34 =	vmax.f32 v28, $0.0e+00;
	v39 =	vadd.f32 v36, v39;
	[tilespmem:v24+s22+$0x0] =	vst.idx.add.f32.msk $0xffff, v43  }
0xb6: {  	v36 =	vmul.f32 v22, v20;
	v46 =	vadd.f32 v41, v44;
	[tilespmem:v23+s22+$0x0] =	vst.idx.add.f32.msk $0xffff, v40;
	v23 =	vmov v33  }
0xb7: {  	v24 =	vadd.s32 s29, v1;
	s29 =	smov.u32 s31;
	s31 =	smov.u32 s16;
	v40 =	vmul.f32 v18, v14;
	v43 =	vmul.f32 v26, v19;
	v28 =	vld [tilespmem:s17+$0x10580]  }
0xb8: {  	s1 =	sadd.s32 $0x20, s1;
	v42 =	vmul.f32 v21, v15;
	s16 =	sadd.s32 $0x100, s16;
	v44 =	vmax.f32 v39, $0.0e+00;
	v39 =	vadd.f32 v46, v45;
	v41 =	vld.idx.msk [tilespmem:v32+s20+$0x0], $0xffff  }
0xb9: {  	_ =	sdelay $0x2  }
0xba: {  	v20 =	vadd.f32 v37, v43;
	v19 =	vmul.f32 v28, v19  }
0xbb: {  	v47 =	vadd.s32 s30, v3  }
0xbc: {  	v20 =	vadd.f32 v20, v35;
	v19 =	vadd.f32 v41, v19  }
0xbd: {  	v48 =	vadd.s32 s31, v3  }
0xbe: {  	v20 =	vmax.f32 v20, $0.0e+00;
	v19 =	vadd.f32 v19, v36  }
0xbf: {  	[tilespmem:v31+s22+$0x0] =	vst.idx.add.f32.msk $0xffff, v20  }
0xc0: {  	v20 =	vld.idx.msk [tilespmem:v47+s20+$0x0], $0xffff;
	v19 =	vmax.f32 v19, $0.0e+00  }
0xc1: {  	[tilespmem:v32+s22+$0x0] =	vst.idx.add.f32.msk $0xffff, v19  }
0xc2: {  	v50 =	vadd.s32 s28, v2;
	v32 =	vld.idx.msk [tilespmem:v48+s20+$0x0], $0xffff  }
0xc3: {  	v51 =	vmul.f32 v26, v15;
	v49 =	vadd.f32 v38, v42  }
0xc4: {  	v52 =	vadd.s32 s29, v2;
	v53 =	vmul.f32 v17, v14  }
0xc5: {  	v54 =	vmul.f32 v28, v15;
	v19 =	vadd.f32 v49, v40;
	v20 =	vadd.f32 v20, v51  }
0xc6: {  	[tilespmem:v25+s22+$0x0] =	vst.idx.add.f32.msk $0xffff, v34;
	v55 =	vadd.s32 s30, v2;
	v56 =	vmul.f32 v22, v14  }
0xc7: {  	v34 =	vld.idx.msk [tilespmem:v50+s20+$0x0], $0xffff;
	v19 =	vmax.f32 v19, $0.0e+00;
	v20 =	vadd.f32 v20, v53;
	v15 =	vadd.f32 v32, v54  }
0xc8: {  	v57 =	vadd.s32 s31, v2;
	[tilespmem:v29+s22+$0x0] =	vst.idx.add.f32.msk $0xffff, v19  }
0xc9: {  	v29 =	vld.idx.msk [tilespmem:v52+s20+$0x0], $0xffff;
	v20 =	vmax.f32 v20, $0.0e+00;
	v14 =	vadd.f32 v15, v56  }
0xca: {  	[tilespmem:v47+s22+$0x0] =	vst.idx.add.f32.msk $0xffff, v20  }
0xcb: {  	v58 =	vmul.f32 v13, v8;
	v60 =	vld.idx.msk [tilespmem:v55+s20+$0x0], $0xffff;
	v14 =	vmax.f32 v14, $0.0e+00  }
0xcc: {  	v59 =	vmul.f32 v11, v7;
	[tilespmem:v48+s22+$0x0] =	vst.idx.add.f32.msk $0xffff, v14  }
0xcd: {  	v61 =	vmul.f32 v21, v8;
	v43 =	vmul.f32 v17, v7;
	v15 =	vadd.f32 v34, v58;
	v63 =	vld.idx.msk [tilespmem:v57+s20+$0x0], $0xffff  }
0xce: {  	[tilespmem:v30+s22+$0x0] =	vst.idx.add.f32.msk $0xffff, v44;
	v62 =	vmax.f32 v39, $0.0e+00;
	v38 =	vmul.f32 v18, v7;
	v35 =	vadd.s32 s28, v1  }
0xcf: {  	v33 =	vld.idx.msk [tilespmem:v33+s20+$0x0], $0xffff;
	v40 =	vmul.f32 v26, v8;
	v29 =	vadd.f32 v29, v61;
	v15 =	vadd.f32 v15, v59  }
0xd0: {  	v45 =	vmul.f32 v22, v7;
	v39 =	vadd.s32 s29, v1;
	[tilespmem:v27+s22+$0x0] =	vst.idx.add.f32.msk $0xffff, v62;
	v42 =	vmul.f32 v28, v8  }
0xd1: {  	v41 =	vld.idx.msk [tilespmem:v24+s20+$0x0], $0xffff;
	v20 =	vadd.f32 v29, v38;
	v15 =	vmax.f32 v15, $0.0e+00;
	v27 =	vadd.f32 v60, v40  }
0xd2: {  	v10 =	vmul.f32 v10, v6;
	[tilespmem:v50+s22+$0x0] =	vst.idx.add.f32.msk $0xffff, v15;
	v8 =	vadd.f32 v63, v42  }
0xd3: {  	v48 =	vadd.s32 s30, v1;
	v20 =	vmax.f32 v20, $0.0e+00;
	v44 =	vld.idx.msk [tilespmem:v35+s20+$0x0], $0xffff;
	v15 =	vadd.f32 v27, v43  }
0xd4: {  	v46 =	vadd.s32 s31, v1;
	[tilespmem:v52+s22+$0x0] =	vst.idx.add.f32.msk $0xffff, v20;
	v7 =	vadd.f32 v8, v45  }
0xd5: {  	v9 =	vmul.f32 v9, v5;
	v10 =	vadd.f32 v33, v10;
	v47 =	vld.idx.msk [tilespmem:v39+s20+$0x0], $0xffff;
	v15 =	vmax.f32 v15, $0.0e+00  }
0xd6: {  	[tilespmem:v55+s22+$0x0] =	vst.idx.add.f32.msk $0xffff, v15;
	v7 =	vmax.f32 v7, $0.0e+00  }
0xd7: {  	v12 =	vmul.f32 v12, v5;
	v4 =	vshll.u32 v4, $0x7;
	v9 =	vadd.f32 v10, v9;
	[tilespmem:v57+s22+$0x0] =	vst.idx.add.f32.msk $0xffff, v7  }
0xd8: {  	v3 =	vshll.u32 v3, $0x7;
	v2 =	vshll.u32 v2, $0x7;
	v50 =	vmul.f32 v13, v6;
	v57 =	vld.idx.msk [tilespmem:v48+s20+$0x0], $0xffff  }
0xd9: {  	v49 =	vmul.f32 v16, v6;
	v9 =	vmax.f32 v9, $0.0e+00;
	v51 =	vmul.f32 v21, v6;
	v55 =	vld.idx.msk [tilespmem:v46+s20+$0x0], $0xffff  }
0xda: {  	v53 =	vmul.f32 v11, v5;
	v56 =	vmul.f32 v18, v5;
	v54 =	vadd.f32 v44, v50  }
0xdb: {  	v58 =	vmul.f32 v28, v6;
	v59 =	vmul.f32 v26, v6;
	v52 =	vadd.f32 v41, v49  }
0xdc: {  	v61 =	vmul.f32 v17, v5;
	v15 =	vadd.f32 v47, v51;
	v8 =	vadd.f32 v54, v53  }
0xdd: {  	v60 =	vmul.f32 v22, v5;
	v7 =	vadd.f32 v52, v12;
	v6 =	vadd.f32 v57, v59  }
0xde: {  	[tilespmem:v23+s22+$0x0] =	vst.idx.add.f32.msk $0xffff, v9;
	v10 =	vadd.f32 v15, v56;
	v8 =	vmax.f32 v8, $0.0e+00;
	v11 =	vadd.f32 v55, v58  }
0xdf: {  	v4 =	vadd.s32 $0x4000, v4;
	v7 =	vmax.f32 v7, $0.0e+00;
	[tilespmem:v35+s22+$0x0] =	vst.idx.add.f32.msk $0xffff, v8;
	v5 =	vadd.f32 v6, v61  }
0xe0: {  	v3 =	vadd.s32 $0x4000, v3;
	v10 =	vmax.f32 v10, $0.0e+00;
	[tilespmem:v24+s22+$0x0] =	vst.idx.add.f32.msk $0xffff, v7;
	v62 =	vadd.f32 v11, v60  }
0xe1: {  	s26 =	sadd.s32 $0x1, s26;
	v2 =	vadd.s32 $0x4000, v2;
	v1 =	vshll.u32 v1, $0x7;
	[tilespmem:v39+s22+$0x0] =	vst.idx.add.f32.msk $0xffff, v10;
	v5 =	vmax.f32 v5, $0.0e+00  }
0xe2: {  	p0 =	sne.s32 s26, $0x31;
	v1 =	vadd.s32 $0x4000, v1;
	v63 =	vmax.f32 v62, $0.0e+00;
	[tilespmem:v48+s22+$0x0] =	vst.idx.add.f32.msk $0xffff, v5  }
.Ltmp2:
0xe3: {  	[tilespmem:v46+s22+$0x0] =	vst.idx.add.f32.msk $0xffff, v63;
	(pc) =	sbr.rel @p0 .LBB2_2-.Ltmp2, $4  }
0xe4: {  	[tilespmem:v4+s22+$0x0] =	vst.idx.add.f32.msk $0xffff, v0  }
0xe5: {  	[tilespmem:v3+s22+$0x0] =	vst.idx.add.f32.msk $0xffff, v0  }
0xe6: {  	[tilespmem:v2+s22+$0x0] =	vst.idx.add.f32.msk $0xffff, v0  }
0xe7: {  	[tilespmem:v1+s22+$0x0] =	vst.idx.add.f32.msk $0xffff, v0  }
0xe8: {  	[hbm4b:s11+s2] =	stream.linear.scatter [tilespmem:s22], [sflag:$0x1], $0x8000, $0x38;
	[tilespmem:$0x1BE80] =	vst v63  }
0xe9: {  	_ =	swait.ge [sflag:s15], $0x8000  }
0xea: {  	[sflag:s15] =	ssyncset.done $0x0  }
0xeb: {  	s0 =	simm.s32 $0x1A580;
	[sflag:s15] =	ssyncadd.s32 $0xFFFF8000  }
0xec: {  	[hbm4b:s12+s2] =	stream.linear.scatter [tilespmem:s0], [sflag:$0x1], $0xC40, $0x38;
	[tilespmem:$0x1BE80] =	vst v63  }
0xed: {  	s25 =	sadd.s32 $0x1, s25;
	_ =	swait.ge [sflag:s15], $0xC40  }
0xee: {  	p0 =	sne.s32 s25, s14;
	[sflag:s15] =	ssyncset.done $0x0  }
.Ltmp3:
0xef: {  	s31 =	simm.s32 $0x1B200;
	[sflag:s15] =	ssyncadd.s32 $0xFFFFF3C0;
	(pc) =	sbr.rel @p0 .LBB2_1-.Ltmp3, $4  }
0xf0: {  	[hbm4b:s13+s2] =	stream.linear.scatter [tilespmem:s31], [sflag:$0x1], $0xC40, $0x38;
	[tilespmem:$0x1BE80] =	vst v63  }
0xf1: {  	_ =	swait.ge [sflag:s15], $0xC40  }
0xf2: {  	[sflag:s15] =	ssyncset.done $0x0  }
0xf3: {  	[sflag:s15] =	ssyncadd.s32 $0xFFFFF3C0  }
0xf4: {  	_ =	sfence.sel $0x180000  }
0xf5: {  	[bflag:$0x0] =	sbarrier.arrive $0xFFFF  }
0xf6: {  	_ =	strace $0x90000047  }
0xf7: {  	s0 =	stileid.u32;
	[bflag:$0x2] =	sbarrier.arrive $0xFFFF  }
0xf8: {  	p0 =	sne.s32 s0, $0x0;
	s0 =	rddreg [dreg:$0x1]  }
0xf9: {  	s0 =	sadd.s32 @!p0 $0x100000, s0  }
0xfa: {  	[sflag:s0] =	ssyncadd.tile.s32 @!p0 $0x1;
	_ =	shalt  }
.Lfunc_end2:
_tile_overlayer_lowered:
.L_overlay_start_2:
0xfb: {  	(tag) =	ssettag $0x2  }
0xfc: {  	s0 =	rddreg [dreg:$0x0];
	s2 =	stileid.u32  }
0xfd: {  	s1 =	rddreg [dreg:$0x1];
	p0 =	sne.s32 s2, $0x0  }
0xfe: {  	s3 =	rddreg [dreg:$0x2];
	[bflag:$0x3] =	sbarrier.arrive $0xFFFF;
	s2 =	simm.s32 @!p0 $0x1C01  }
0xff: {  	[timem:s3], [sflag:s2] =	dma.local @!p0 [hbm:s0], s1  }
0x100: {  	s0 =	simm.s32 @!p0 $0x1  }
0x101: {  	_ =	swait.ge @!p0 [sflag:s0], s1  }
0x102: {  	s1 =	ssub.s32 @!p0 $0x0, s1;
	[sflag:s0] =	ssyncset.done @!p0 $0x0  }
0x103: {  	[sflag:s0] =	ssyncadd.s32 @!p0 s1  }
0x104: {  	[bflag:$0x3] =	sbarrier.arrive $0xFFFF  }
0x105: {  	_ =	shalt  }

</sc_bundles>
